<compile_context>
chip_gen: v7x
topology: tpu7x:2x2x1
jax: 0.10.2.dev20260603
libtpu: 0.0.44.dev20260713+nightly
codegen_flags: <defaults>
</compile_context>

<pallas_src>
import functools

import jax
import jax.numpy as jnp
from jax import lax
from jax.experimental import pallas as pl
from jax.experimental.pallas import tpu as pltpu
from jax.experimental.pallas import tpu_sc as plsc

_NUM_CORES = 2
_NUM_SUBCORES = 16
_NW = _NUM_CORES * _NUM_SUBCORES
_LANES = 16
_ROWS_PER_STEP = 8


@functools.lru_cache(maxsize=None)
def _make_gather(BQ: int, H: int, D: int):
    assert BQ % _NW == 0
    rows_pw = BQ // _NW
    bpw = rows_pw * H
    assert rows_pw % 2 == 0 and rows_pw >= 4
    assert H % _ROWS_PER_STEP == 0 and D % _LANES == 0
    mesh = plsc.VectorSubcoreMesh(core_axis_name="c", subcore_axis_name="s")

    @functools.partial(
        pl.kernel,
        mesh=mesh,
        out_type=jax.ShapeDtypeStruct((BQ, H, D), jnp.float32),
        scratch_types=[
            pltpu.VMEM((bpw,), jnp.int32),
            [pltpu.VMEM((H, 2 * D), jnp.float32) for _ in range(2)],
            [pltpu.VMEM((H, D), jnp.float32) for _ in range(2)],
            pltpu.SemaphoreType.DMA,
            pltpu.SemaphoreType.DMA,
        ],
        compiler_params=pltpu.CompilerParams(use_tc_tiling_on_sc=True),
    )
    def gather(idx_hbm, table_hbm, out_hbm, idx_v, bufa, bufb, gsem, wsem):
        wid = lax.axis_index("s") * _NUM_CORES + lax.axis_index("c")
        base = wid * bpw
        row0 = wid * rows_pw
        pltpu.sync_copy(idx_hbm.at[pl.ds(base, bpw)], idx_v)

        def g_start(c, a):
            pltpu.async_copy(table_hbm.at[idx_v.at[pl.ds(c * H, H)]],
                             a, gsem)

        def g_wait(a):
            pltpu.make_async_copy(table_hbm.at[idx_v.at[pl.ds(0, H)]],
                                  a, gsem).wait()

        def w_start(c, b):
            pltpu.async_copy(b, out_hbm.at[row0 + c], wsem)

        def w_wait(b):
            pltpu.make_async_copy(b, out_hbm.at[row0], wsem).wait()

        def vcopy(a, b):
            def rows(i, carry):
                r = i * _ROWS_PER_STEP
                for j in range(_ROWS_PER_STEP):
                    for k in range(D // _LANES):
                        b.at[r + j, pl.ds(k * _LANES, _LANES)][...] = (
                            a.at[r + j, pl.ds(k * _LANES, _LANES)][...])
                return carry
            lax.fori_loop(0, H // _ROWS_PER_STEP, rows, 0)

        g_start(0, bufa[0])
        g_start(1, bufa[1])
        for p in range(2):
            g_wait(bufa[p])
            vcopy(bufa[p], bufb[p])
            g_start(2 + p, bufa[p])
            w_start(p, bufb[p])

        def body(j, carry):
            for p in range(2):
                c = 2 * j + p
                g_wait(bufa[p])
                w_wait(bufb[p])
                vcopy(bufa[p], bufb[p])
                g_start(c + 2, bufa[p])
                w_start(c, bufb[p])
            return carry

        lax.fori_loop(1, rows_pw // 2 - 1, body, 0)

        for p in range(2):
            c = rows_pw - 2 + p
            g_wait(bufa[p])
            w_wait(bufb[p])
            vcopy(bufa[p], bufb[p])
            w_start(c, bufb[p])
        for p in range(2):
            w_wait(bufb[p])

    return gather


def kernel(x, table):
    bq, hist = x.shape
    d = table.shape[1]
    idx = x.reshape(bq * hist).astype(jnp.int32)
    table_pad = jnp.pad(table, ((0, 0), (0, d)))
    return _make_gather(bq, hist, d)(idx, table_pad)

# --- scband reference (transcript-rebuilt; emitter-appended) ---
"""Pipeline reference for scband-hierarchical-embedding-model-84061099917500 (READ-ONLY COPY).

The authoritative reference and input builder live on the scoring server;
editing this copy changes nothing except your own understanding.
"""

import jax, jax.numpy as jnp
import numpy as np

NUM_EMBEDDINGS = 100000
EMBED_DIM = 64
BATCH = 4096
HIST_LEN = 200
PADDING_IDX = 0


def setup_inputs(seed: int = 0) -> dict:
    key = jax.random.key(seed)
    k_tab, k_idx = jax.random.split(key)
    # Embedding table built from (frozen) pretrained graph embeddings; padding_idx=0 row is zero.
    table = jax.random.normal(k_tab, (NUM_EMBEDDINGS, EMBED_DIM), dtype=jnp.float32)
    table = table.at[PADDING_IDX].set(0.0)
    x = jax.random.randint(k_idx, (BATCH, HIST_LEN), 0, NUM_EMBEDDINGS, dtype=jnp.int64 if jax.config.jax_enable_x64 else jnp.int32)
    return {"x": x, "table": table}


def reference(x, table):
    # forward: x = self.embedding(x) -> plain gather into the embedding table
    return jnp.take(table, x, axis=0)

if __name__ == "__main__":
    import jax
    _d = setup_inputs()
    print(jax.jit(kernel)(*tuple(_d.values())))

</pallas_src>

<mosaic_0001>
#map = affine_map<(d0, d1) -> (0)>
#map1 = affine_map<(d0, d1) -> (0, 0)>
#map2 = affine_map<(d0, d1) -> (0, 0, 0)>
module attributes {stable_mosaic.version = 14 : i64} {
  func.func @gather(%arg0: i32, %arg1: i32, %arg2: memref<819200xi32, #tpu.memory_space<hbm>>, %arg3: memref<100000x128xf32, #tpu.memory_space<hbm>>, %arg4: memref<4096x200x64xf32, #tpu.memory_space<hbm>>, %arg5: memref<25600xi32, #tpu.memory_space<vmem>>, %arg6: memref<200x128xf32, #tpu.memory_space<vmem>>, %arg7: memref<200x128xf32, #tpu.memory_space<vmem>>, %arg8: memref<200x64xf32, #tpu.memory_space<vmem>>, %arg9: memref<200x64xf32, #tpu.memory_space<vmem>>, %arg10: memref<!tpu.dma_semaphore, #tpu.memory_space<semaphore_mem>>, %arg11: memref<!tpu.dma_semaphore, #tpu.memory_space<semaphore_mem>>) attributes {dimension_semantics = [#tpu.dimension_semantics<core_parallel>, #tpu.dimension_semantics<subcore_parallel>], iteration_bounds = array<i64: 2, 16>, scalar_prefetch = 0 : i64, scratch_operands = 7 : i64, tpu.core_type = #tpu.core_type<sc_vector_subcore>, window_params = [{transform_indices = #map}, {transform_indices = #map1}, {transform_indices = #map2}]} {
    %mul3A = arith.constant 2 : i32
    %mul3A_0 = arith.muli %arg1, %mul3A : i32
    %add3A = arith.addi %mul3A_0, %arg0 : i32
    %mul3A_1 = arith.constant 25600 : i32
    %mul3A_2 = arith.muli %add3A, %mul3A_1 : i32
    %mul3A_3 = arith.constant 128 : i32
    %mul3A_4 = arith.muli %add3A, %mul3A_3 : i32
    "tpu.region"() ({
      %run_scoped3A = tpu.sem_alloc : memref<!tpu.dma_semaphore, #tpu.memory_space<semaphore_mem>>
      %dma_start3A_144 = tpu.memref_slice %arg2[%mul3A_2] : memref<819200xi32, #tpu.memory_space<hbm>> -> memref<25600xi32, #tpu.memory_space<hbm>>
      %dma_start3A_145 = tpu.memref_slice %arg2[%mul3A_2] : memref<819200xi32, #tpu.memory_space<hbm>> -> memref<25600xi32, #tpu.memory_space<hbm>>
      tpu.enqueue_dma source(%dma_start3A_145 : memref<25600xi32, #tpu.memory_space<hbm>>) target(%arg5 : memref<25600xi32, #tpu.memory_space<vmem>>) target_semaphore(%run_scoped3A : memref<!tpu.dma_semaphore, #tpu.memory_space<semaphore_mem>>)
      %dma_wait3A_146 = tpu.memref_slice %arg2[%mul3A_2] : memref<819200xi32, #tpu.memory_space<hbm>> -> memref<25600xi32, #tpu.memory_space<hbm>>
      %dma_wait3A_147 = tpu.memref_slice %arg2[%mul3A_2] : memref<819200xi32, #tpu.memory_space<hbm>> -> memref<25600xi32, #tpu.memory_space<hbm>>
      tpu.wait_dma2 semaphore(%run_scoped3A : memref<!tpu.dma_semaphore, #tpu.memory_space<semaphore_mem>>) src(%dma_wait3A_147 : memref<25600xi32, #tpu.memory_space<hbm>>) dst(%arg5 : memref<25600xi32, #tpu.memory_space<vmem>>)
      tpu.yield
    }) : () -> ()
    %dma_start3A = arith.constant 0 : i32
    %dma_start3A_5 = tpu.memref_slice %arg5[%dma_start3A] : memref<25600xi32, #tpu.memory_space<vmem>> -> memref<200xi32, #tpu.memory_space<vmem>>
    %dma_start3A_6 = arith.constant 0 : i32
    %dma_start3A_7 = arith.constant 0 : i32
    %dma_start3A_8 = tpu.memref_slice %arg3[%dma_start3A_6, %dma_start3A_7] : memref<100000x128xf32, #tpu.memory_space<hbm>> -> memref<100000x128xf32, #tpu.memory_space<hbm>>
    tpu.enqueue_indirect_dma source(%dma_start3A_8 : memref<100000x128xf32, #tpu.memory_space<hbm>>) target(%arg6 : memref<200x128xf32, #tpu.memory_space<vmem>>) offsets(%dma_start3A_5 : memref<200xi32, #tpu.memory_space<vmem>>) semaphore(%arg10 : memref<!tpu.dma_semaphore, #tpu.memory_space<semaphore_mem>>)
    %dma_start3A_9 = arith.constant 200 : i32
    %dma_start3A_10 = tpu.memref_slice %arg5[%dma_start3A_9] : memref<25600xi32, #tpu.memory_space<vmem>> -> memref<200xi32, #tpu.memory_space<vmem>>
    %dma_start3A_11 = arith.constant 0 : i32
    %dma_start3A_12 = arith.constant 0 : i32
    %dma_start3A_13 = tpu.memref_slice %arg3[%dma_start3A_11, %dma_start3A_12] : memref<100000x128xf32, #tpu.memory_space<hbm>> -> memref<100000x128xf32, #tpu.memory_space<hbm>>
    tpu.enqueue_indirect_dma source(%dma_start3A_13 : memref<100000x128xf32, #tpu.memory_space<hbm>>) target(%arg7 : memref<200x128xf32, #tpu.memory_space<vmem>>) offsets(%dma_start3A_10 : memref<200xi32, #tpu.memory_space<vmem>>) semaphore(%arg10 : memref<!tpu.dma_semaphore, #tpu.memory_space<semaphore_mem>>)
    %dma_wait3A = arith.constant 0 : i32
    %dma_wait3A_14 = tpu.memref_slice %arg5[%dma_wait3A] : memref<25600xi32, #tpu.memory_space<vmem>> -> memref<200xi32, #tpu.memory_space<vmem>>
    %dma_wait3A_15 = arith.constant 0 : i32
    %dma_wait3A_16 = arith.constant 0 : i32
    %dma_wait3A_17 = tpu.memref_slice %arg3[%dma_wait3A_15, %dma_wait3A_16] : memref<100000x128xf32, #tpu.memory_space<hbm>> -> memref<100000x128xf32, #tpu.memory_space<hbm>>
    tpu.wait_indirect_dma semaphore(%arg10 : memref<!tpu.dma_semaphore, #tpu.memory_space<semaphore_mem>>) src(%dma_wait3A_17 : memref<100000x128xf32, #tpu.memory_space<hbm>>) dst(%arg6 : memref<200x128xf32, #tpu.memory_space<vmem>>)
    %scan3A = arith.constant 0 : i32
    %scan3A_18 = arith.constant 0 : i32
    %scan3A_19 = arith.constant 25 : i32
    %scan3A_20 = arith.addi %scan3A_18, %scan3A_19 : i32
    %scan3A_21 = arith.constant 1 : i32
    scf.for %scan3A_144 = %scan3A_18 to %scan3A_20 step %scan3A_21  : i32 {
      %mul3A_145 = arith.constant 8 : i32
      %mul3A_146 = arith.muli %scan3A_144, %mul3A_145 : i32
      %add3A_147 = arith.constant 0 : i32
      %add3A_148 = arith.addi %mul3A_146, %add3A_147 : i32
      %get3A = arith.index_cast %add3A_148 : i32 to index
      %get3A_149 = arith.constant 0 : index
      %get3A_150 = tpu.vector_load %arg6[%get3A, %get3A_149] {strides = array<i32>} : memref<200x128xf32, #tpu.memory_space<vmem>>, vector<1x16xf32>,
      %get3A_151 = vector.shape_cast %get3A_150 : vector<1x16xf32> to vector<16xf32>
      %add3A_152 = arith.constant 0 : i32
      %add3A_153 = arith.addi %mul3A_146, %add3A_152 : i32
      %swap3A = arith.index_cast %add3A_153 : i32 to index
      %swap3A_154 = arith.constant 0 : index
      %swap3A_155 = tpu.vector_load %arg8[%swap3A, %swap3A_154] {strides = array<i32>} : memref<200x64xf32, #tpu.memory_space<vmem>>, vector<1x16xf32>,
      %swap3A_156 = vector.shape_cast %swap3A_155 : vector<1x16xf32> to vector<16xf32>
      %swap3A_157 = vector.shape_cast %get3A_151 : vector<16xf32> to vector<1x16xf32>
      tpu.vector_store %arg8[%swap3A, %swap3A_154], %swap3A_157 {strides = array<i32>} : memref<200x64xf32, #tpu.memory_space<vmem>>, vector<1x16xf32>,
      %add3A_158 = arith.constant 0 : i32
      %add3A_159 = arith.addi %mul3A_146, %add3A_158 : i32
      %get3A_160 = arith.index_cast %add3A_159 : i32 to index
      %get3A_161 = arith.constant 16 : index
      %get3A_162 = tpu.vector_load %arg6[%get3A_160, %get3A_161] {strides = array<i32>} : memref<200x128xf32, #tpu.memory_space<vmem>>, vector<1x16xf32>,
      %get3A_163 = vector.shape_cast %get3A_162 : vector<1x16xf32> to vector<16xf32>
      %add3A_164 = arith.constant 0 : i32
      %add3A_165 = arith.addi %mul3A_146, %add3A_164 : i32
      %swap3A_166 = arith.index_cast %add3A_165 : i32 to index
      %swap3A_167 = arith.constant 16 : index
      %swap3A_168 = tpu.vector_load %arg8[%swap3A_166, %swap3A_167] {strides = array<i32>} : memref<200x64xf32, #tpu.memory_space<vmem>>, vector<1x16xf32>,
      %swap3A_169 = vector.shape_cast %swap3A_168 : vector<1x16xf32> to vector<16xf32>
      %swap3A_170 = vector.shape_cast %get3A_163 : vector<16xf32> to vector<1x16xf32>
      tpu.vector_store %arg8[%swap3A_166, %swap3A_167], %swap3A_170 {strides = array<i32>} : memref<200x64xf32, #tpu.memory_space<vmem>>, vector<1x16xf32>,
      %add3A_171 = arith.constant 0 : i32
      %add3A_172 = arith.addi %mul3A_146, %add3A_171 : i32
      %get3A_173 = arith.index_cast %add3A_172 : i32 to index
      %get3A_174 = arith.constant 32 : index
      %get3A_175 = tpu.vector_load %arg6[%get3A_173, %get3A_174] {strides = array<i32>} : memref<200x128xf32, #tpu.memory_space<vmem>>, vector<1x16xf32>,
      %get3A_176 = vector.shape_cast %get3A_175 : vector<1x16xf32> to vector<16xf32>
      %add3A_177 = arith.constant 0 : i32
      %add3A_178 = arith.addi %mul3A_146, %add3A_177 : i32
      %swap3A_179 = arith.index_cast %add3A_178 : i32 to index
      %swap3A_180 = arith.constant 32 : index
      %swap3A_181 = tpu.vector_load %arg8[%swap3A_179, %swap3A_180] {strides = array<i32>} : memref<200x64xf32, #tpu.memory_space<vmem>>, vector<1x16xf32>,
      %swap3A_182 = vector.shape_cast %swap3A_181 : vector<1x16xf32> to vector<16xf32>
      %swap3A_183 = vector.shape_cast %get3A_176 : vector<16xf32> to vector<1x16xf32>
      tpu.vector_store %arg8[%swap3A_179, %swap3A_180], %swap3A_183 {strides = array<i32>} : memref<200x64xf32, #tpu.memory_space<vmem>>, vector<1x16xf32>,
      %add3A_184 = arith.constant 0 : i32
      %add3A_185 = arith.addi %mul3A_146, %add3A_184 : i32
      %get3A_186 = arith.index_cast %add3A_185 : i32 to index
      %get3A_187 = arith.constant 48 : index
      %get3A_188 = tpu.vector_load %arg6[%get3A_186, %get3A_187] {strides = array<i32>} : memref<200x128xf32, #tpu.memory_space<vmem>>, vector<1x16xf32>,
      %get3A_189 = vector.shape_cast %get3A_188 : vector<1x16xf32> to vector<16xf32>
      %add3A_190 = arith.constant 0 : i32
      %add3A_191 = arith.addi %mul3A_146, %add3A_190 : i32
      %swap3A_192 = arith.index_cast %add3A_191 : i32 to index
      %swap3A_193 = arith.constant 48 : index
      %swap3A_194 = tpu.vector_load %arg8[%swap3A_192, %swap3A_193] {strides = array<i32>} : memref<200x64xf32, #tpu.memory_space<vmem>>, vector<1x16xf32>,
      %swap3A_195 = vector.shape_cast %swap3A_194 : vector<1x16xf32> to vector<16xf32>
      %swap3A_196 = vector.shape_cast %get3A_189 : vector<16xf32> to vector<1x16xf32>
      tpu.vector_store %arg8[%swap3A_192, %swap3A_193], %swap3A_196 {strides = array<i32>} : memref<200x64xf32, #tpu.memory_space<vmem>>, vector<1x16xf32>,
      %add3A_197 = arith.constant 1 : i32
      %add3A_198 = arith.addi %mul3A_146, %add3A_197 : i32
      %get3A_199 = arith.index_cast %add3A_198 : i32 to index
      %get3A_200 = arith.constant 0 : index
      %get3A_201 = tpu.vector_load %arg6[%get3A_199, %get3A_200] {strides = array<i32>} : memref<200x128xf32, #tpu.memory_space<vmem>>, vector<1x16xf32>,
      %get3A_202 = vector.shape_cast %get3A_201 : vector<1x16xf32> to vector<16xf32>
      %add3A_203 = arith.constant 1 : i32
      %add3A_204 = arith.addi %mul3A_146, %add3A_203 : i32
      %swap3A_205 = arith.index_cast %add3A_204 : i32 to index
      %swap3A_206 = arith.constant 0 : index
      %swap3A_207 = tpu.vector_load %arg8[%swap3A_205, %swap3A_206] {strides = array<i32>} : memref<200x64xf32, #tpu.memory_space<vmem>>, vector<1x16xf32>,
      %swap3A_208 = vector.shape_cast %swap3A_207 : vector<1x16xf32> to vector<16xf32>
      %swap3A_209 = vector.shape_cast %get3A_202 : vector<16xf32> to vector<1x16xf32>
      tpu.vector_store %arg8[%swap3A_205, %swap3A_206], %swap3A_209 {strides = array<i32>} : memref<200x64xf32, #tpu.memory_space<vmem>>, vector<1x16xf32>,
      %add3A_210 = arith.constant 1 : i32
      %add3A_211 = arith.addi %mul3A_146, %add3A_210 : i32
      %get3A_212 = arith.index_cast %add3A_211 : i32 to index
      %get3A_213 = arith.constant 16 : index
      %get3A_214 = tpu.vector_load %arg6[%get3A_212, %get3A_213] {strides = array<i32>} : memref<200x128xf32, #tpu.memory_space<vmem>>, vector<1x16xf32>,
      %get3A_215 = vector.shape_cast %get3A_214 : vector<1x16xf32> to vector<16xf32>
      %add3A_216 = arith.constant 1 : i32
      %add3A_217 = arith.addi %mul3A_146, %add3A_216 : i32
      %swap3A_218 = arith.index_cast %add3A_217 : i32 to index
      %swap3A_219 = arith.constant 16 : index
      %swap3A_220 = tpu.vector_load %arg8[%swap3A_218, %swap3A_219] {strides = array<i32>} : memref<200x64xf32, #tpu.memory_space<vmem>>, vector<1x16xf32>,
      %swap3A_221 = vector.shape_cast %swap3A_220 : vector<1x16xf32> to vector<16xf32>
      %swap3A_222 = vector.shape_cast %get3A_215 : vector<16xf32> to vector<1x16xf32>
      tpu.vector_store %arg8[%swap3A_218, %swap3A_219], %swap3A_222 {strides = array<i32>} : memref<200x64xf32, #tpu.memory_space<vmem>>, vector<1x16xf32>,
      %add3A_223 = arith.constant 1 : i32
      %add3A_224 = arith.addi %mul3A_146, %add3A_223 : i32
      %get3A_225 = arith.index_cast %add3A_224 : i32 to index
      %get3A_226 = arith.constant 32 : index
      %get3A_227 = tpu.vector_load %arg6[%get3A_225, %get3A_226] {strides = array<i32>} : memref<200x128xf32, #tpu.memory_space<vmem>>, vector<1x16xf32>,
      %get3A_228 = vector.shape_cast %get3A_227 : vector<1x16xf32> to vector<16xf32>
      %add3A_229 = arith.constant 1 : i32
      %add3A_230 = arith.addi %mul3A_146, %add3A_229 : i32
      %swap3A_231 = arith.index_cast %add3A_230 : i32 to index
      %swap3A_232 = arith.constant 32 : index
      %swap3A_233 = tpu.vector_load %arg8[%swap3A_231, %swap3A_232] {strides = array<i32>} : memref<200x64xf32, #tpu.memory_space<vmem>>, vector<1x16xf32>,
      %swap3A_234 = vector.shape_cast %swap3A_233 : vector<1x16xf32> to vector<16xf32>
      %swap3A_235 = vector.shape_cast %get3A_228 : vector<16xf32> to vector<1x16xf32>
      tpu.vector_store %arg8[%swap3A_231, %swap3A_232], %swap3A_235 {strides = array<i32>} : memref<200x64xf32, #tpu.memory_space<vmem>>, vector<1x16xf32>,
      %add3A_236 = arith.constant 1 : i32
      %add3A_237 = arith.addi %mul3A_146, %add3A_236 : i32
      %get3A_238 = arith.index_cast %add3A_237 : i32 to index
      %get3A_239 = arith.constant 48 : index
      %get3A_240 = tpu.vector_load %arg6[%get3A_238, %get3A_239] {strides = array<i32>} : memref<200x128xf32, #tpu.memory_space<vmem>>, vector<1x16xf32>,
      %get3A_241 = vector.shape_cast %get3A_240 : vector<1x16xf32> to vector<16xf32>
      %add3A_242 = arith.constant 1 : i32
      %add3A_243 = arith.addi %mul3A_146, %add3A_242 : i32
      %swap3A_244 = arith.index_cast %add3A_243 : i32 to index
      %swap3A_245 = arith.constant 48 : index
      %swap3A_246 = tpu.vector_load %arg8[%swap3A_244, %swap3A_245] {strides = array<i32>} : memref<200x64xf32, #tpu.memory_space<vmem>>, vector<1x16xf32>,
      %swap3A_247 = vector.shape_cast %swap3A_246 : vector<1x16xf32> to vector<16xf32>
      %swap3A_248 = vector.shape_cast %get3A_241 : vector<16xf32> to vector<1x16xf32>
      tpu.vector_store %arg8[%swap3A_244, %swap3A_245], %swap3A_248 {strides = array<i32>} : memref<200x64xf32, #tpu.memory_space<vmem>>, vector<1x16xf32>,
      %add3A_249 = arith.constant 2 : i32
      %add3A_250 = arith.addi %mul3A_146, %add3A_249 : i32
      %get3A_251 = arith.index_cast %add3A_250 : i32 to index
      %get3A_252 = arith.constant 0 : index
      %get3A_253 = tpu.vector_load %arg6[%get3A_251, %get3A_252] {strides = array<i32>} : memref<200x128xf32, #tpu.memory_space<vmem>>, vector<1x16xf32>,
      %get3A_254 = vector.shape_cast %get3A_253 : vector<1x16xf32> to vector<16xf32>
      %add3A_255 = arith.constant 2 : i32
      %add3A_256 = arith.addi %mul3A_146, %add3A_255 : i32
      %swap3A_257 = arith.index_cast %add3A_256 : i32 to index
      %swap3A_258 = arith.constant 0 : index
      %swap3A_259 = tpu.vector_load %arg8[%swap3A_257, %swap3A_258] {strides = array<i32>} : memref<200x64xf32, #tpu.memory_space<vmem>>, vector<1x16xf32>,
      %swap3A_260 = vector.shape_cast %swap3A_259 : vector<1x16xf32> to vector<16xf32>
      %swap3A_261 = vector.shape_cast %get3A_254 : vector<16xf32> to vector<1x16xf32>
      tpu.vector_store %arg8[%swap3A_257, %swap3A_258], %swap3A_261 {strides = array<i32>} : memref<200x64xf32, #tpu.memory_space<vmem>>, vector<1x16xf32>,
      %add3A_262 = arith.constant 2 : i32
      %add3A_263 = arith.addi %mul3A_146, %add3A_262 : i32
      %get3A_264 = arith.index_cast %add3A_263 : i32 to index
      %get3A_265 = arith.constant 16 : index
      %get3A_266 = tpu.vector_load %arg6[%get3A_264, %get3A_265] {strides = array<i32>} : memref<200x128xf32, #tpu.memory_space<vmem>>, vector<1x16xf32>,
      %get3A_267 = vector.shape_cast %get3A_266 : vector<1x16xf32> to vector<16xf32>
      %add3A_268 = arith.constant 2 : i32
      %add3A_269 = arith.addi %mul3A_146, %add3A_268 : i32
      %swap3A_270 = arith.index_cast %add3A_269 : i32 to index
      %swap3A_271 = arith.constant 16 : index
      %swap3A_272 = tpu.vector_load %arg8[%swap3A_270, %swap3A_271] {strides = array<i32>} : memref<200x64xf32, #tpu.memory_space<vmem>>, vector<1x16xf32>,
      %swap3A_273 = vector.shape_cast %swap3A_272 : vector<1x16xf32> to vector<16xf32>
      %swap3A_274 = vector.shape_cast %get3A_267 : vector<16xf32> to vector<1x16xf32>
      tpu.vector_store %arg8[%swap3A_270, %swap3A_271], %swap3A_274 {strides = array<i32>} : memref<200x64xf32, #tpu.memory_space<vmem>>, vector<1x16xf32>,
      %add3A_275 = arith.constant 2 : i32
      %add3A_276 = arith.addi %mul3A_146, %add3A_275 : i32
      %get3A_277 = arith.index_cast %add3A_276 : i32 to index
      %get3A_278 = arith.constant 32 : index
      %get3A_279 = tpu.vector_load %arg6[%get3A_277, %get3A_278] {strides = array<i32>} : memref<200x128xf32, #tpu.memory_space<vmem>>, vector<1x16xf32>,
      %get3A_280 = vector.shape_cast %get3A_279 : vector<1x16xf32> to vector<16xf32>
      %add3A_281 = arith.constant 2 : i32
      %add3A_282 = arith.addi %mul3A_146, %add3A_281 : i32
      %swap3A_283 = arith.index_cast %add3A_282 : i32 to index
      %swap3A_284 = arith.constant 32 : index
      %swap3A_285 = tpu.vector_load %arg8[%swap3A_283, %swap3A_284] {strides = array<i32>} : memref<200x64xf32, #tpu.memory_space<vmem>>, vector<1x16xf32>,
      %swap3A_286 = vector.shape_cast %swap3A_285 : vector<1x16xf32> to vector<16xf32>
      %swap3A_287 = vector.shape_cast %get3A_280 : vector<16xf32> to vector<1x16xf32>
      tpu.vector_store %arg8[%swap3A_283, %swap3A_284], %swap3A_287 {strides = array<i32>} : memref<200x64xf32, #tpu.memory_space<vmem>>, vector<1x16xf32>,
      %add3A_288 = arith.constant 2 : i32
      %add3A_289 = arith.addi %mul3A_146, %add3A_288 : i32
      %get3A_290 = arith.index_cast %add3A_289 : i32 to index
      %get3A_291 = arith.constant 48 : index
      %get3A_292 = tpu.vector_load %arg6[%get3A_290, %get3A_291] {strides = array<i32>} : memref<200x128xf32, #tpu.memory_space<vmem>>, vector<1x16xf32>,
      %get3A_293 = vector.shape_cast %get3A_292 : vector<1x16xf32> to vector<16xf32>
      %add3A_294 = arith.constant 2 : i32
      %add3A_295 = arith.addi %mul3A_146, %add3A_294 : i32
      %swap3A_296 = arith.index_cast %add3A_295 : i32 to index
      %swap3A_297 = arith.constant 48 : index
      %swap3A_298 = tpu.vector_load %arg8[%swap3A_296, %swap3A_297] {strides = array<i32>} : memref<200x64xf32, #tpu.memory_space<vmem>>, vector<1x16xf32>,
      %swap3A_299 = vector.shape_cast %swap3A_298 : vector<1x16xf32> to vector<16xf32>
      %swap3A_300 = vector.shape_cast %get3A_293 : vector<16xf32> to vector<1x16xf32>
      tpu.vector_store %arg8[%swap3A_296, %swap3A_297], %swap3A_300 {strides = array<i32>} : memref<200x64xf32, #tpu.memory_space<vmem>>, vector<1x16xf32>,
      %add3A_301 = arith.constant 3 : i32
      %add3A_302 = arith.addi %mul3A_146, %add3A_301 : i32
      %get3A_303 = arith.index_cast %add3A_302 : i32 to index
      %get3A_304 = arith.constant 0 : index
      %get3A_305 = tpu.vector_load %arg6[%get3A_303, %get3A_304] {strides = array<i32>} : memref<200x128xf32, #tpu.memory_space<vmem>>, vector<1x16xf32>,
      %get3A_306 = vector.shape_cast %get3A_305 : vector<1x16xf32> to vector<16xf32>
      %add3A_307 = arith.constant 3 : i32
      %add3A_308 = arith.addi %mul3A_146, %add3A_307 : i32
      %swap3A_309 = arith.index_cast %add3A_308 : i32 to index
      %swap3A_310 = arith.constant 0 : index
      %swap3A_311 = tpu.vector_load %arg8[%swap3A_309, %swap3A_310] {strides = array<i32>} : memref<200x64xf32, #tpu.memory_space<vmem>>, vector<1x16xf32>,
      %swap3A_312 = vector.shape_cast %swap3A_311 : vector<1x16xf32> to vector<16xf32>
      %swap3A_313 = vector.shape_cast %get3A_306 : vector<16xf32> to vector<1x16xf32>
      tpu.vector_store %arg8[%swap3A_309, %swap3A_310], %swap3A_313 {strides = array<i32>} : memref<200x64xf32, #tpu.memory_space<vmem>>, vector<1x16xf32>,
      %add3A_314 = arith.constant 3 : i32
      %add3A_315 = arith.addi %mul3A_146, %add3A_314 : i32
      %get3A_316 = arith.index_cast %add3A_315 : i32 to index
      %get3A_317 = arith.constant 16 : index
      %get3A_318 = tpu.vector_load %arg6[%get3A_316, %get3A_317] {strides = array<i32>} : memref<200x128xf32, #tpu.memory_space<vmem>>, vector<1x16xf32>,
      %get3A_319 = vector.shape_cast %get3A_318 : vector<1x16xf32> to vector<16xf32>
      %add3A_320 = arith.constant 3 : i32
      %add3A_321 = arith.addi %mul3A_146, %add3A_320 : i32
      %swap3A_322 = arith.index_cast %add3A_321 : i32 to index
      %swap3A_323 = arith.constant 16 : index
      %swap3A_324 = tpu.vector_load %arg8[%swap3A_322, %swap3A_323] {strides = array<i32>} : memref<200x64xf32, #tpu.memory_space<vmem>>, vector<1x16xf32>,
      %swap3A_325 = vector.shape_cast %swap3A_324 : vector<1x16xf32> to vector<16xf32>
      %swap3A_326 = vector.shape_cast %get3A_319 : vector<16xf32> to vector<1x16xf32>
      tpu.vector_store %arg8[%swap3A_322, %swap3A_323], %swap3A_326 {strides = array<i32>} : memref<200x64xf32, #tpu.memory_space<vmem>>, vector<1x16xf32>,
      %add3A_327 = arith.constant 3 : i32
      %add3A_328 = arith.addi %mul3A_146, %add3A_327 : i32
      %get3A_329 = arith.index_cast %add3A_328 : i32 to index
      %get3A_330 = arith.constant 32 : index
      %get3A_331 = tpu.vector_load %arg6[%get3A_329, %get3A_330] {strides = array<i32>} : memref<200x128xf32, #tpu.memory_space<vmem>>, vector<1x16xf32>,
      %get3A_332 = vector.shape_cast %get3A_331 : vector<1x16xf32> to vector<16xf32>
      %add3A_333 = arith.constant 3 : i32
      %add3A_334 = arith.addi %mul3A_146, %add3A_333 : i32
      %swap3A_335 = arith.index_cast %add3A_334 : i32 to index
      %swap3A_336 = arith.constant 32 : index
      %swap3A_337 = tpu.vector_load %arg8[%swap3A_335, %swap3A_336] {strides = array<i32>} : memref<200x64xf32, #tpu.memory_space<vmem>>, vector<1x16xf32>,
      %swap3A_338 = vector.shape_cast %swap3A_337 : vector<1x16xf32> to vector<16xf32>
      %swap3A_339 = vector.shape_cast %get3A_332 : vector<16xf32> to vector<1x16xf32>
      tpu.vector_store %arg8[%swap3A_335, %swap3A_336], %swap3A_339 {strides = array<i32>} : memref<200x64xf32, #tpu.memory_space<vmem>>, vector<1x16xf32>,
      %add3A_340 = arith.constant 3 : i32
      %add3A_341 = arith.addi %mul3A_146, %add3A_340 : i32
      %get3A_342 = arith.index_cast %add3A_341 : i32 to index
      %get3A_343 = arith.constant 48 : index
      %get3A_344 = tpu.vector_load %arg6[%get3A_342, %get3A_343] {strides = array<i32>} : memref<200x128xf32, #tpu.memory_space<vmem>>, vector<1x16xf32>,
      %get3A_345 = vector.shape_cast %get3A_344 : vector<1x16xf32> to vector<16xf32>
      %add3A_346 = arith.constant 3 : i32
      %add3A_347 = arith.addi %mul3A_146, %add3A_346 : i32
      %swap3A_348 = arith.index_cast %add3A_347 : i32 to index
      %swap3A_349 = arith.constant 48 : index
      %swap3A_350 = tpu.vector_load %arg8[%swap3A_348, %swap3A_349] {strides = array<i32>} : memref<200x64xf32, #tpu.memory_space<vmem>>, vector<1x16xf32>,
      %swap3A_351 = vector.shape_cast %swap3A_350 : vector<1x16xf32> to vector<16xf32>
      %swap3A_352 = vector.shape_cast %get3A_345 : vector<16xf32> to vector<1x16xf32>
      tpu.vector_store %arg8[%swap3A_348, %swap3A_349], %swap3A_352 {strides = array<i32>} : memref<200x64xf32, #tpu.memory_space<vmem>>, vector<1x16xf32>,
      %add3A_353 = arith.constant 4 : i32
      %add3A_354 = arith.addi %mul3A_146, %add3A_353 : i32
      %get3A_355 = arith.index_cast %add3A_354 : i32 to index
      %get3A_356 = arith.constant 0 : index
      %get3A_357 = tpu.vector_load %arg6[%get3A_355, %get3A_356] {strides = array<i32>} : memref<200x128xf32, #tpu.memory_space<vmem>>, vector<1x16xf32>,
      %get3A_358 = vector.shape_cast %get3A_357 : vector<1x16xf32> to vector<16xf32>
      %add3A_359 = arith.constant 4 : i32
      %add3A_360 = arith.addi %mul3A_146, %add3A_359 : i32
      %swap3A_361 = arith.index_cast %add3A_360 : i32 to index
      %swap3A_362 = arith.constant 0 : index
      %swap3A_363 = tpu.vector_load %arg8[%swap3A_361, %swap3A_362] {strides = array<i32>} : memref<200x64xf32, #tpu.memory_space<vmem>>, vector<1x16xf32>,
      %swap3A_364 = vector.shape_cast %swap3A_363 : vector<1x16xf32> to vector<16xf32>
      %swap3A_365 = vector.shape_cast %get3A_358 : vector<16xf32> to vector<1x16xf32>
      tpu.vector_store %arg8[%swap3A_361, %swap3A_362], %swap3A_365 {strides = array<i32>} : memref<200x64xf32, #tpu.memory_space<vmem>>, vector<1x16xf32>,
      %add3A_366 = arith.constant 4 : i32
      %add3A_367 = arith.addi %mul3A_146, %add3A_366 : i32
      %get3A_368 = arith.index_cast %add3A_367 : i32 to index
      %get3A_369 = arith.constant 16 : index
      %get3A_370 = tpu.vector_load %arg6[%get3A_368, %get3A_369] {strides = array<i32>} : memref<200x128xf32, #tpu.memory_space<vmem>>, vector<1x16xf32>,
      %get3A_371 = vector.shape_cast %get3A_370 : vector<1x16xf32> to vector<16xf32>
      %add3A_372 = arith.constant 4 : i32
      %add3A_373 = arith.addi %mul3A_146, %add3A_372 : i32
      %swap3A_374 = arith.index_cast %add3A_373 : i32 to index
      %swap3A_375 = arith.constant 16 : index
      %swap3A_376 = tpu.vector_load %arg8[%swap3A_374, %swap3A_375] {strides = array<i32>} : memref<200x64xf32, #tpu.memory_space<vmem>>, vector<1x16xf32>,
      %swap3A_377 = vector.shape_cast %swap3A_376 : vector<1x16xf32> to vector<16xf32>
      %swap3A_378 = vector.shape_cast %get3A_371 : vector<16xf32> to vector<1x16xf32>
      tpu.vector_store %arg8[%swap3A_374, %swap3A_375], %swap3A_378 {strides = array<i32>} : memref<200x64xf32, #tpu.memory_space<vmem>>, vector<1x16xf32>,
      %add3A_379 = arith.constant 4 : i32
      %add3A_380 = arith.addi %mul3A_146, %add3A_379 : i32
      %get3A_381 = arith.index_cast %add3A_380 : i32 to index
      %get3A_382 = arith.constant 32 : index
      %get3A_383 = tpu.vector_load %arg6[%get3A_381, %get3A_382] {strides = array<i32>} : memref<200x128xf32, #tpu.memory_space<vmem>>, vector<1x16xf32>,
      %get3A_384 = vector.shape_cast %get3A_383 : vector<1x16xf32> to vector<16xf32>
      %add3A_385 = arith.constant 4 : i32
      %add3A_386 = arith.addi %mul3A_146, %add3A_385 : i32
      %swap3A_387 = arith.index_cast %add3A_386 : i32 to index
      %swap3A_388 = arith.constant 32 : index
      %swap3A_389 = tpu.vector_load %arg8[%swap3A_387, %swap3A_388] {strides = array<i32>} : memref<200x64xf32, #tpu.memory_space<vmem>>, vector<1x16xf32>,
      %swap3A_390 = vector.shape_cast %swap3A_389 : vector<1x16xf32> to vector<16xf32>
      %swap3A_391 = vector.shape_cast %get3A_384 : vector<16xf32> to vector<1x16xf32>
      tpu.vector_store %arg8[%swap3A_387, %swap3A_388], %swap3A_391 {strides = array<i32>} : memref<200x64xf32, #tpu.memory_space<vmem>>, vector<1x16xf32>,
      %add3A_392 = arith.constant 4 : i32
      %add3A_393 = arith.addi %mul3A_146, %add3A_392 : i32
      %get3A_394 = arith.index_cast %add3A_393 : i32 to index
      %get3A_395 = arith.constant 48 : index
      %get3A_396 = tpu.vector_load %arg6[%get3A_394, %get3A_395] {strides = array<i32>} : memref<200x128xf32, #tpu.memory_space<vmem>>, vector<1x16xf32>,
      %get3A_397 = vector.shape_cast %get3A_396 : vector<1x16xf32> to vector<16xf32>
      %add3A_398 = arith.constant 4 : i32
      %add3A_399 = arith.addi %mul3A_146, %add3A_398 : i32
      %swap3A_400 = arith.index_cast %add3A_399 : i32 to index
      %swap3A_401 = arith.constant 48 : index
      %swap3A_402 = tpu.vector_load %arg8[%swap3A_400, %swap3A_401] {strides = array<i32>} : memref<200x64xf32, #tpu.memory_space<vmem>>, vector<1x16xf32>,
      %swap3A_403 = vector.shape_cast %swap3A_402 : vector<1x16xf32> to vector<16xf32>
      %swap3A_404 = vector.shape_cast %get3A_397 : vector<16xf32> to vector<1x16xf32>
      tpu.vector_store %arg8[%swap3A_400, %swap3A_401], %swap3A_404 {strides = array<i32>} : memref<200x64xf32, #tpu.memory_space<vmem>>, vector<1x16xf32>,
      %add3A_405 = arith.constant 5 : i32
      %add3A_406 = arith.addi %mul3A_146, %add3A_405 : i32
      %get3A_407 = arith.index_cast %add3A_406 : i32 to index
      %get3A_408 = arith.constant 0 : index
      %get3A_409 = tpu.vector_load %arg6[%get3A_407, %get3A_408] {strides = array<i32>} : memref<200x128xf32, #tpu.memory_space<vmem>>, vector<1x16xf32>,
      %get3A_410 = vector.shape_cast %get3A_409 : vector<1x16xf32> to vector<16xf32>
      %add3A_411 = arith.constant 5 : i32
      %add3A_412 = arith.addi %mul3A_146, %add3A_411 : i32
      %swap3A_413 = arith.index_cast %add3A_412 : i32 to index
      %swap3A_414 = arith.constant 0 : index
      %swap3A_415 = tpu.vector_load %arg8[%swap3A_413, %swap3A_414] {strides = array<i32>} : memref<200x64xf32, #tpu.memory_space<vmem>>, vector<1x16xf32>,
      %swap3A_416 = vector.shape_cast %swap3A_415 : vector<1x16xf32> to vector<16xf32>
      %swap3A_417 = vector.shape_cast %get3A_410 : vector<16xf32> to vector<1x16xf32>
      tpu.vector_store %arg8[%swap3A_413, %swap3A_414], %swap3A_417 {strides = array<i32>} : memref<200x64xf32, #tpu.memory_space<vmem>>, vector<1x16xf32>,
      %add3A_418 = arith.constant 5 : i32
      %add3A_419 = arith.addi %mul3A_146, %add3A_418 : i32
      %get3A_420 = arith.index_cast %add3A_419 : i32 to index
      %get3A_421 = arith.constant 16 : index
      %get3A_422 = tpu.vector_load %arg6[%get3A_420, %get3A_421] {strides = array<i32>} : memref<200x128xf32, #tpu.memory_space<vmem>>, vector<1x16xf32>,
      %get3A_423 = vector.shape_cast %get3A_422 : vector<1x16xf32> to vector<16xf32>
      %add3A_424 = arith.constant 5 : i32
      %add3A_425 = arith.addi %mul3A_146, %add3A_424 : i32
      %swap3A_426 = arith.index_cast %add3A_425 : i32 to index
      %swap3A_427 = arith.constant 16 : index
      %swap3A_428 = tpu.vector_load %arg8[%swap3A_426, %swap3A_427] {strides = array<i32>} : memref<200x64xf32, #tpu.memory_space<vmem>>, vector<1x16xf32>,
      %swap3A_429 = vector.shape_cast %swap3A_428 : vector<1x16xf32> to vector<16xf32>
      %swap3A_430 = vector.shape_cast %get3A_423 : vector<16xf32> to vector<1x16xf32>
      tpu.vector_store %arg8[%swap3A_426, %swap3A_427], %swap3A_430 {strides = array<i32>} : memref<200x64xf32, #tpu.memory_space<vmem>>, vector<1x16xf32>,
      %add3A_431 = arith.constant 5 : i32
      %add3A_432 = arith.addi %mul3A_146, %add3A_431 : i32
      %get3A_433 = arith.index_cast %add3A_432 : i32 to index
      %get3A_434 = arith.constant 32 : index
      %get3A_435 = tpu.vector_load %arg6[%get3A_433, %get3A_434] {strides = array<i32>} : memref<200x128xf32, #tpu.memory_space<vmem>>, vector<1x16xf32>,
      %get3A_436 = vector.shape_cast %get3A_435 : vector<1x16xf32> to vector<16xf32>
      %add3A_437 = arith.constant 5 : i32
      %add3A_438 = arith.addi %mul3A_146, %add3A_437 : i32
      %swap3A_439 = arith.index_cast %add3A_438 : i32 to index
      %swap3A_440 = arith.constant 32 : index
      %swap3A_441 = tpu.vector_load %arg8[%swap3A_439, %swap3A_440] {strides = array<i32>} : memref<200x64xf32, #tpu.memory_space<vmem>>, vector<1x16xf32>,
      %swap3A_442 = vector.shape_cast %swap3A_441 : vector<1x16xf32> to vector<16xf32>
      %swap3A_443 = vector.shape_cast %get3A_436 : vector<16xf32> to vector<1x16xf32>
      tpu.vector_store %arg8[%swap3A_439, %swap3A_440], %swap3A_443 {strides = array<i32>} : memref<200x64xf32, #tpu.memory_space<vmem>>, vector<1x16xf32>,
      %add3A_444 = arith.constant 5 : i32
      %add3A_445 = arith.addi %mul3A_146, %add3A_444 : i32
      %get3A_446 = arith.index_cast %add3A_445 : i32 to index
      %get3A_447 = arith.constant 48 : index
      %get3A_448 = tpu.vector_load %arg6[%get3A_446, %get3A_447] {strides = array<i32>} : memref<200x128xf32, #tpu.memory_space<vmem>>, vector<1x16xf32>,
      %get3A_449 = vector.shape_cast %get3A_448 : vector<1x16xf32> to vector<16xf32>
      %add3A_450 = arith.constant 5 : i32
      %add3A_451 = arith.addi %mul3A_146, %add3A_450 : i32
      %swap3A_452 = arith.index_cast %add3A_451 : i32 to index
      %swap3A_453 = arith.constant 48 : index
      %swap3A_454 = tpu.vector_load %arg8[%swap3A_452, %swap3A_453] {strides = array<i32>} : memref<200x64xf32, #tpu.memory_space<vmem>>, vector<1x16xf32>,
      %swap3A_455 = vector.shape_cast %swap3A_454 : vector<1x16xf32> to vector<16xf32>
      %swap3A_456 = vector.shape_cast %get3A_449 : vector<16xf32> to vector<1x16xf32>
      tpu.vector_store %arg8[%swap3A_452, %swap3A_453], %swap3A_456 {strides = array<i32>} : memref<200x64xf32, #tpu.memory_space<vmem>>, vector<1x16xf32>,
      %add3A_457 = arith.constant 6 : i32
      %add3A_458 = arith.addi %mul3A_146, %add3A_457 : i32
      %get3A_459 = arith.index_cast %add3A_458 : i32 to index
      %get3A_460 = arith.constant 0 : index
      %get3A_461 = tpu.vector_load %arg6[%get3A_459, %get3A_460] {strides = array<i32>} : memref<200x128xf32, #tpu.memory_space<vmem>>, vector<1x16xf32>,
      %get3A_462 = vector.shape_cast %get3A_461 : vector<1x16xf32> to vector<16xf32>
      %add3A_463 = arith.constant 6 : i32
      %add3A_464 = arith.addi %mul3A_146, %add3A_463 : i32
      %swap3A_465 = arith.index_cast %add3A_464 : i32 to index
      %swap3A_466 = arith.constant 0 : index
      %swap3A_467 = tpu.vector_load %arg8[%swap3A_465, %swap3A_466] {strides = array<i32>} : memref<200x64xf32, #tpu.memory_space<vmem>>, vector<1x16xf32>,
      %swap3A_468 = vector.shape_cast %swap3A_467 : vector<1x16xf32> to vector<16xf32>
      %swap3A_469 = vector.shape_cast %get3A_462 : vector<16xf32> to vector<1x16xf32>
      tpu.vector_store %arg8[%swap3A_465, %swap3A_466], %swap3A_469 {strides = array<i32>} : memref<200x64xf32, #tpu.memory_space<vmem>>, vector<1x16xf32>,
      %add3A_470 = arith.constant 6 : i32
      %add3A_471 = arith.addi %mul3A_146, %add3A_470 : i32
      %get3A_472 = arith.index_cast %add3A_471 : i32 to index
      %get3A_473 = arith.constant 16 : index
      %get3A_474 = tpu.vector_load %arg6[%get3A_472, %get3A_473] {strides = array<i32>} : memref<200x128xf32, #tpu.memory_space<vmem>>, vector<1x16xf32>,
      %get3A_475 = vector.shape_cast %get3A_474 : vector<1x16xf32> to vector<16xf32>
      %add3A_476 = arith.constant 6 : i32
      %add3A_477 = arith.addi %mul3A_146, %add3A_476 : i32
      %swap3A_478 = arith.index_cast %add3A_477 : i32 to index
      %swap3A_479 = arith.constant 16 : index
      %swap3A_480 = tpu.vector_load %arg8[%swap3A_478, %swap3A_479] {strides = array<i32>} : memref<200x64xf32, #tpu.memory_space<vmem>>, vector<1x16xf32>,
      %swap3A_481 = vector.shape_cast %swap3A_480 : vector<1x16xf32> to vector<16xf32>
      %swap3A_482 = vector.shape_cast %get3A_475 : vector<16xf32> to vector<1x16xf32>
      tpu.vector_store %arg8[%swap3A_478, %swap3A_479], %swap3A_482 {strides = array<i32>} : memref<200x64xf32, #tpu.memory_space<vmem>>, vector<1x16xf32>,
      %add3A_483 = arith.constant 6 : i32
      %add3A_484 = arith.addi %mul3A_146, %add3A_483 : i32
      %get3A_485 = arith.index_cast %add3A_484 : i32 to index
      %get3A_486 = arith.constant 32 : index
      %get3A_487 = tpu.vector_load %arg6[%get3A_485, %get3A_486] {strides = array<i32>} : memref<200x128xf32, #tpu.memory_space<vmem>>, vector<1x16xf32>,
      %get3A_488 = vector.shape_cast %get3A_487 : vector<1x16xf32> to vector<16xf32>
      %add3A_489 = arith.constant 6 : i32
      %add3A_490 = arith.addi %mul3A_146, %add3A_489 : i32
      %swap3A_491 = arith.index_cast %add3A_490 : i32 to index
      %swap3A_492 = arith.constant 32 : index
      %swap3A_493 = tpu.vector_load %arg8[%swap3A_491, %swap3A_492] {strides = array<i32>} : memref<200x64xf32, #tpu.memory_space<vmem>>, vector<1x16xf32>,
      %swap3A_494 = vector.shape_cast %swap3A_493 : vector<1x16xf32> to vector<16xf32>
      %swap3A_495 = vector.shape_cast %get3A_488 : vector<16xf32> to vector<1x16xf32>
      tpu.vector_store %arg8[%swap3A_491, %swap3A_492], %swap3A_495 {strides = array<i32>} : memref<200x64xf32, #tpu.memory_space<vmem>>, vector<1x16xf32>,
      %add3A_496 = arith.constant 6 : i32
      %add3A_497 = arith.addi %mul3A_146, %add3A_496 : i32
      %get3A_498 = arith.index_cast %add3A_497 : i32 to index
      %get3A_499 = arith.constant 48 : index
      %get3A_500 = tpu.vector_load %arg6[%get3A_498, %get3A_499] {strides = array<i32>} : memref<200x128xf32, #tpu.memory_space<vmem>>, vector<1x16xf32>,
      %get3A_501 = vector.shape_cast %get3A_500 : vector<1x16xf32> to vector<16xf32>
      %add3A_502 = arith.constant 6 : i32
      %add3A_503 = arith.addi %mul3A_146, %add3A_502 : i32
      %swap3A_504 = arith.index_cast %add3A_503 : i32 to index
      %swap3A_505 = arith.constant 48 : index
      %swap3A_506 = tpu.vector_load %arg8[%swap3A_504, %swap3A_505] {strides = array<i32>} : memref<200x64xf32, #tpu.memory_space<vmem>>, vector<1x16xf32>,
      %swap3A_507 = vector.shape_cast %swap3A_506 : vector<1x16xf32> to vector<16xf32>
      %swap3A_508 = vector.shape_cast %get3A_501 : vector<16xf32> to vector<1x16xf32>
      tpu.vector_store %arg8[%swap3A_504, %swap3A_505], %swap3A_508 {strides = array<i32>} : memref<200x64xf32, #tpu.memory_space<vmem>>, vector<1x16xf32>,
      %add3A_509 = arith.constant 7 : i32
      %add3A_510 = arith.addi %mul3A_146, %add3A_509 : i32
      %get3A_511 = arith.index_cast %add3A_510 : i32 to index
      %get3A_512 = arith.constant 0 : index
      %get3A_513 = tpu.vector_load %arg6[%get3A_511, %get3A_512] {strides = array<i32>} : memref<200x128xf32, #tpu.memory_space<vmem>>, vector<1x16xf32>,
      %get3A_514 = vector.shape_cast %get3A_513 : vector<1x16xf32> to vector<16xf32>
      %add3A_515 = arith.constant 7 : i32
      %add3A_516 = arith.addi %mul3A_146, %add3A_515 : i32
      %swap3A_517 = arith.index_cast %add3A_516 : i32 to index
      %swap3A_518 = arith.constant 0 : index
      %swap3A_519 = tpu.vector_load %arg8[%swap3A_517, %swap3A_518] {strides = array<i32>} : memref<200x64xf32, #tpu.memory_space<vmem>>, vector<1x16xf32>,
      %swap3A_520 = vector.shape_cast %swap3A_519 : vector<1x16xf32> to vector<16xf32>
      %swap3A_521 = vector.shape_cast %get3A_514 : vector<16xf32> to vector<1x16xf32>
      tpu.vector_store %arg8[%swap3A_517, %swap3A_518], %swap3A_521 {strides = array<i32>} : memref<200x64xf32, #tpu.memory_space<vmem>>, vector<1x16xf32>,
      %add3A_522 = arith.constant 7 : i32
      %add3A_523 = arith.addi %mul3A_146, %add3A_522 : i32
      %get3A_524 = arith.index_cast %add3A_523 : i32 to index
      %get3A_525 = arith.constant 16 : index
      %get3A_526 = tpu.vector_load %arg6[%get3A_524, %get3A_525] {strides = array<i32>} : memref<200x128xf32, #tpu.memory_space<vmem>>, vector<1x16xf32>,
      %get3A_527 = vector.shape_cast %get3A_526 : vector<1x16xf32> to vector<16xf32>
      %add3A_528 = arith.constant 7 : i32
      %add3A_529 = arith.addi %mul3A_146, %add3A_528 : i32
      %swap3A_530 = arith.index_cast %add3A_529 : i32 to index
      %swap3A_531 = arith.constant 16 : index
      %swap3A_532 = tpu.vector_load %arg8[%swap3A_530, %swap3A_531] {strides = array<i32>} : memref<200x64xf32, #tpu.memory_space<vmem>>, vector<1x16xf32>,
      %swap3A_533 = vector.shape_cast %swap3A_532 : vector<1x16xf32> to vector<16xf32>
      %swap3A_534 = vector.shape_cast %get3A_527 : vector<16xf32> to vector<1x16xf32>
      tpu.vector_store %arg8[%swap3A_530, %swap3A_531], %swap3A_534 {strides = array<i32>} : memref<200x64xf32, #tpu.memory_space<vmem>>, vector<1x16xf32>,
      %add3A_535 = arith.constant 7 : i32
      %add3A_536 = arith.addi %mul3A_146, %add3A_535 : i32
      %get3A_537 = arith.index_cast %add3A_536 : i32 to index
      %get3A_538 = arith.constant 32 : index
      %get3A_539 = tpu.vector_load %arg6[%get3A_537, %get3A_538] {strides = array<i32>} : memref<200x128xf32, #tpu.memory_space<vmem>>, vector<1x16xf32>,
      %get3A_540 = vector.shape_cast %get3A_539 : vector<1x16xf32> to vector<16xf32>
      %add3A_541 = arith.constant 7 : i32
      %add3A_542 = arith.addi %mul3A_146, %add3A_541 : i32
      %swap3A_543 = arith.index_cast %add3A_542 : i32 to index
      %swap3A_544 = arith.constant 32 : index
      %swap3A_545 = tpu.vector_load %arg8[%swap3A_543, %swap3A_544] {strides = array<i32>} : memref<200x64xf32, #tpu.memory_space<vmem>>, vector<1x16xf32>,
      %swap3A_546 = vector.shape_cast %swap3A_545 : vector<1x16xf32> to vector<16xf32>
      %swap3A_547 = vector.shape_cast %get3A_540 : vector<16xf32> to vector<1x16xf32>
      tpu.vector_store %arg8[%swap3A_543, %swap3A_544], %swap3A_547 {strides = array<i32>} : memref<200x64xf32, #tpu.memory_space<vmem>>, vector<1x16xf32>,
      %add3A_548 = arith.constant 7 : i32
      %add3A_549 = arith.addi %mul3A_146, %add3A_548 : i32
      %get3A_550 = arith.index_cast %add3A_549 : i32 to index
      %get3A_551 = arith.constant 48 : index
      %get3A_552 = tpu.vector_load %arg6[%get3A_550, %get3A_551] {strides = array<i32>} : memref<200x128xf32, #tpu.memory_space<vmem>>, vector<1x16xf32>,
      %get3A_553 = vector.shape_cast %get3A_552 : vector<1x16xf32> to vector<16xf32>
      %add3A_554 = arith.constant 7 : i32
      %add3A_555 = arith.addi %mul3A_146, %add3A_554 : i32
      %swap3A_556 = arith.index_cast %add3A_555 : i32 to index
      %swap3A_557 = arith.constant 48 : index
      %swap3A_558 = tpu.vector_load %arg8[%swap3A_556, %swap3A_557] {strides = array<i32>} : memref<200x64xf32, #tpu.memory_space<vmem>>, vector<1x16xf32>,
      %swap3A_559 = vector.shape_cast %swap3A_558 : vector<1x16xf32> to vector<16xf32>
      %swap3A_560 = vector.shape_cast %get3A_553 : vector<16xf32> to vector<1x16xf32>
      tpu.vector_store %arg8[%swap3A_556, %swap3A_557], %swap3A_560 {strides = array<i32>} : memref<200x64xf32, #tpu.memory_space<vmem>>, vector<1x16xf32>,
    }
    %scan3A_22 = arith.constant 25 : i32
    %dma_start3A_23 = arith.constant 400 : i32
    %dma_start3A_24 = tpu.memref_slice %arg5[%dma_start3A_23] : memref<25600xi32, #tpu.memory_space<vmem>> -> memref<200xi32, #tpu.memory_space<vmem>>
    %dma_start3A_25 = arith.constant 0 : i32
    %dma_start3A_26 = arith.constant 0 : i32
    %dma_start3A_27 = tpu.memref_slice %arg3[%dma_start3A_25, %dma_start3A_26] : memref<100000x128xf32, #tpu.memory_space<hbm>> -> memref<100000x128xf32, #tpu.memory_space<hbm>>
    tpu.enqueue_indirect_dma source(%dma_start3A_27 : memref<100000x128xf32, #tpu.memory_space<hbm>>) target(%arg6 : memref<200x128xf32, #tpu.memory_space<vmem>>) offsets(%dma_start3A_24 : memref<200xi32, #tpu.memory_space<vmem>>) semaphore(%arg10 : memref<!tpu.dma_semaphore, #tpu.memory_space<semaphore_mem>>)
    %add3A_28 = arith.constant 0 : i32
    %add3A_29 = arith.addi %mul3A_4, %add3A_28 : i32
    %dma_start3A_30 = arith.constant 0 : i32
    %dma_start3A_31 = arith.constant 0 : i32
    %dma_start3A_32 = tpu.memref_slice %arg4[%add3A_29, %dma_start3A_30, %dma_start3A_31] : memref<4096x200x64xf32, #tpu.memory_space<hbm>> -> memref<1x200x64xf32, #tpu.memory_space<hbm>>
    %dma_start3A_33 = tpu.memref_squeeze %dma_start3A_32 : memref<1x200x64xf32, #tpu.memory_space<hbm>> -> memref<200x64xf32, #tpu.memory_space<hbm>>
    %dma_start3A_34 = arith.constant 0 : i32
    %dma_start3A_35 = arith.constant 0 : i32
    %dma_start3A_36 = tpu.memref_slice %arg4[%add3A_29, %dma_start3A_34, %dma_start3A_35] : memref<4096x200x64xf32, #tpu.memory_space<hbm>> -> memref<1x200x64xf32, #tpu.memory_space<hbm>>
    %dma_start3A_37 = tpu.memref_squeeze %dma_start3A_36 : memref<1x200x64xf32, #tpu.memory_space<hbm>> -> memref<200x64xf32, #tpu.memory_space<hbm>>
    tpu.enqueue_dma source(%arg8 : memref<200x64xf32, #tpu.memory_space<vmem>>) target(%dma_start3A_37 : memref<200x64xf32, #tpu.memory_space<hbm>>) target_semaphore(%arg11 : memref<!tpu.dma_semaphore, #tpu.memory_space<semaphore_mem>>)
    %dma_wait3A_38 = arith.constant 0 : i32
    %dma_wait3A_39 = tpu.memref_slice %arg5[%dma_wait3A_38] : memref<25600xi32, #tpu.memory_space<vmem>> -> memref<200xi32, #tpu.memory_space<vmem>>
    %dma_wait3A_40 = arith.constant 0 : i32
    %dma_wait3A_41 = arith.constant 0 : i32
    %dma_wait3A_42 = tpu.memref_slice %arg3[%dma_wait3A_40, %dma_wait3A_41] : memref<100000x128xf32, #tpu.memory_space<hbm>> -> memref<100000x128xf32, #tpu.memory_space<hbm>>
    tpu.wait_indirect_dma semaphore(%arg10 : memref<!tpu.dma_semaphore, #tpu.memory_space<semaphore_mem>>) src(%dma_wait3A_42 : memref<100000x128xf32, #tpu.memory_space<hbm>>) dst(%arg7 : memref<200x128xf32, #tpu.memory_space<vmem>>)
    %scan3A_43 = arith.constant 0 : i32
    %scan3A_44 = arith.constant 0 : i32
    %scan3A_45 = arith.constant 25 : i32
    %scan3A_46 = arith.addi %scan3A_44, %scan3A_45 : i32
    %scan3A_47 = arith.constant 1 : i32
    scf.for %scan3A_144 = %scan3A_44 to %scan3A_46 step %scan3A_47  : i32 {
      %mul3A_145 = arith.constant 8 : i32
      %mul3A_146 = arith.muli %scan3A_144, %mul3A_145 : i32
      %add3A_147 = arith.constant 0 : i32
      %add3A_148 = arith.addi %mul3A_146, %add3A_147 : i32
      %get3A = arith.index_cast %add3A_148 : i32 to index
      %get3A_149 = arith.constant 0 : index
      %get3A_150 = tpu.vector_load %arg7[%get3A, %get3A_149] {strides = array<i32>} : memref<200x128xf32, #tpu.memory_space<vmem>>, vector<1x16xf32>,
      %get3A_151 = vector.shape_cast %get3A_150 : vector<1x16xf32> to vector<16xf32>
      %add3A_152 = arith.constant 0 : i32
      %add3A_153 = arith.addi %mul3A_146, %add3A_152 : i32
      %swap3A = arith.index_cast %add3A_153 : i32 to index
      %swap3A_154 = arith.constant 0 : index
      %swap3A_155 = tpu.vector_load %arg9[%swap3A, %swap3A_154] {strides = array<i32>} : memref<200x64xf32, #tpu.memory_space<vmem>>, vector<1x16xf32>,
      %swap3A_156 = vector.shape_cast %swap3A_155 : vector<1x16xf32> to vector<16xf32>
      %swap3A_157 = vector.shape_cast %get3A_151 : vector<16xf32> to vector<1x16xf32>
      tpu.vector_store %arg9[%swap3A, %swap3A_154], %swap3A_157 {strides = array<i32>} : memref<200x64xf32, #tpu.memory_space<vmem>>, vector<1x16xf32>,
      %add3A_158 = arith.constant 0 : i32
      %add3A_159 = arith.addi %mul3A_146, %add3A_158 : i32
      %get3A_160 = arith.index_cast %add3A_159 : i32 to index
      %get3A_161 = arith.constant 16 : index
      %get3A_162 = tpu.vector_load %arg7[%get3A_160, %get3A_161] {strides = array<i32>} : memref<200x128xf32, #tpu.memory_space<vmem>>, vector<1x16xf32>,
      %get3A_163 = vector.shape_cast %get3A_162 : vector<1x16xf32> to vector<16xf32>
      %add3A_164 = arith.constant 0 : i32
      %add3A_165 = arith.addi %mul3A_146, %add3A_164 : i32
      %swap3A_166 = arith.index_cast %add3A_165 : i32 to index
      %swap3A_167 = arith.constant 16 : index
      %swap3A_168 = tpu.vector_load %arg9[%swap3A_166, %swap3A_167] {strides = array<i32>} : memref<200x64xf32, #tpu.memory_space<vmem>>, vector<1x16xf32>,
      %swap3A_169 = vector.shape_cast %swap3A_168 : vector<1x16xf32> to vector<16xf32>
      %swap3A_170 = vector.shape_cast %get3A_163 : vector<16xf32> to vector<1x16xf32>
      tpu.vector_store %arg9[%swap3A_166, %swap3A_167], %swap3A_170 {strides = array<i32>} : memref<200x64xf32, #tpu.memory_space<vmem>>, vector<1x16xf32>,
      %add3A_171 = arith.constant 0 : i32
      %add3A_172 = arith.addi %mul3A_146, %add3A_171 : i32
      %get3A_173 = arith.index_cast %add3A_172 : i32 to index
      %get3A_174 = arith.constant 32 : index
      %get3A_175 = tpu.vector_load %arg7[%get3A_173, %get3A_174] {strides = array<i32>} : memref<200x128xf32, #tpu.memory_space<vmem>>, vector<1x16xf32>,
      %get3A_176 = vector.shape_cast %get3A_175 : vector<1x16xf32> to vector<16xf32>
      %add3A_177 = arith.constant 0 : i32
      %add3A_178 = arith.addi %mul3A_146, %add3A_177 : i32
      %swap3A_179 = arith.index_cast %add3A_178 : i32 to index
      %swap3A_180 = arith.constant 32 : index
      %swap3A_181 = tpu.vector_load %arg9[%swap3A_179, %swap3A_180] {strides = array<i32>} : memref<200x64xf32, #tpu.memory_space<vmem>>, vector<1x16xf32>,
      %swap3A_182 = vector.shape_cast %swap3A_181 : vector<1x16xf32> to vector<16xf32>
      %swap3A_183 = vector.shape_cast %get3A_176 : vector<16xf32> to vector<1x16xf32>
      tpu.vector_store %arg9[%swap3A_179, %swap3A_180], %swap3A_183 {strides = array<i32>} : memref<200x64xf32, #tpu.memory_space<vmem>>, vector<1x16xf32>,
      %add3A_184 = arith.constant 0 : i32
      %add3A_185 = arith.addi %mul3A_146, %add3A_184 : i32
      %get3A_186 = arith.index_cast %add3A_185 : i32 to index
      %get3A_187 = arith.constant 48 : index
      %get3A_188 = tpu.vector_load %arg7[%get3A_186, %get3A_187] {strides = array<i32>} : memref<200x128xf32, #tpu.memory_space<vmem>>, vector<1x16xf32>,
      %get3A_189 = vector.shape_cast %get3A_188 : vector<1x16xf32> to vector<16xf32>
      %add3A_190 = arith.constant 0 : i32
      %add3A_191 = arith.addi %mul3A_146, %add3A_190 : i32
      %swap3A_192 = arith.index_cast %add3A_191 : i32 to index
      %swap3A_193 = arith.constant 48 : index
      %swap3A_194 = tpu.vector_load %arg9[%swap3A_192, %swap3A_193] {strides = array<i32>} : memref<200x64xf32, #tpu.memory_space<vmem>>, vector<1x16xf32>,
      %swap3A_195 = vector.shape_cast %swap3A_194 : vector<1x16xf32> to vector<16xf32>
      %swap3A_196 = vector.shape_cast %get3A_189 : vector<16xf32> to vector<1x16xf32>
      tpu.vector_store %arg9[%swap3A_192, %swap3A_193], %swap3A_196 {strides = array<i32>} : memref<200x64xf32, #tpu.memory_space<vmem>>, vector<1x16xf32>,
      %add3A_197 = arith.constant 1 : i32
      %add3A_198 = arith.addi %mul3A_146, %add3A_197 : i32
      %get3A_199 = arith.index_cast %add3A_198 : i32 to index
      %get3A_200 = arith.constant 0 : index
      %get3A_201 = tpu.vector_load %arg7[%get3A_199, %get3A_200] {strides = array<i32>} : memref<200x128xf32, #tpu.memory_space<vmem>>, vector<1x16xf32>,
      %get3A_202 = vector.shape_cast %get3A_201 : vector<1x16xf32> to vector<16xf32>
      %add3A_203 = arith.constant 1 : i32
      %add3A_204 = arith.addi %mul3A_146, %add3A_203 : i32
      %swap3A_205 = arith.index_cast %add3A_204 : i32 to index
      %swap3A_206 = arith.constant 0 : index
      %swap3A_207 = tpu.vector_load %arg9[%swap3A_205, %swap3A_206] {strides = array<i32>} : memref<200x64xf32, #tpu.memory_space<vmem>>, vector<1x16xf32>,
      %swap3A_208 = vector.shape_cast %swap3A_207 : vector<1x16xf32> to vector<16xf32>
      %swap3A_209 = vector.shape_cast %get3A_202 : vector<16xf32> to vector<1x16xf32>
      tpu.vector_store %arg9[%swap3A_205, %swap3A_206], %swap3A_209 {strides = array<i32>} : memref<200x64xf32, #tpu.memory_space<vmem>>, vector<1x16xf32>,
      %add3A_210 = arith.constant 1 : i32
      %add3A_211 = arith.addi %mul3A_146, %add3A_210 : i32
      %get3A_212 = arith.index_cast %add3A_211 : i32 to index
      %get3A_213 = arith.constant 16 : index
      %get3A_214 = tpu.vector_load %arg7[%get3A_212, %get3A_213] {strides = array<i32>} : memref<200x128xf32, #tpu.memory_space<vmem>>, vector<1x16xf32>,
      %get3A_215 = vector.shape_cast %get3A_214 : vector<1x16xf32> to vector<16xf32>
      %add3A_216 = arith.constant 1 : i32
      %add3A_217 = arith.addi %mul3A_146, %add3A_216 : i32
      %swap3A_218 = arith.index_cast %add3A_217 : i32 to index
      %swap3A_219 = arith.constant 16 : index
      %swap3A_220 = tpu.vector_load %arg9[%swap3A_218, %swap3A_219] {strides = array<i32>} : memref<200x64xf32, #tpu.memory_space<vmem>>, vector<1x16xf32>,
      %swap3A_221 = vector.shape_cast %swap3A_220 : vector<1x16xf32> to vector<16xf32>
      %swap3A_222 = vector.shape_cast %get3A_215 : vector<16xf32> to vector<1x16xf32>
      tpu.vector_store %arg9[%swap3A_218, %swap3A_219], %swap3A_222 {strides = array<i32>} : memref<200x64xf32, #tpu.memory_space<vmem>>, vector<1x16xf32>,
      %add3A_223 = arith.constant 1 : i32
      %add3A_224 = arith.addi %mul3A_146, %add3A_223 : i32
      %get3A_225 = arith.index_cast %add3A_224 : i32 to index
      %get3A_226 = arith.constant 32 : index
      %get3A_227 = tpu.vector_load %arg7[%get3A_225, %get3A_226] {strides = array<i32>} : memref<200x128xf32, #tpu.memory_space<vmem>>, vector<1x16xf32>,
      %get3A_228 = vector.shape_cast %get3A_227 : vector<1x16xf32> to vector<16xf32>
      %add3A_229 = arith.constant 1 : i32
      %add3A_230 = arith.addi %mul3A_146, %add3A_229 : i32
      %swap3A_231 = arith.index_cast %add3A_230 : i32 to index
      %swap3A_232 = arith.constant 32 : index
      %swap3A_233 = tpu.vector_load %arg9[%swap3A_231, %swap3A_232] {strides = array<i32>} : memref<200x64xf32, #tpu.memory_space<vmem>>, vector<1x16xf32>,
      %swap3A_234 = vector.shape_cast %swap3A_233 : vector<1x16xf32> to vector<16xf32>
      %swap3A_235 = vector.shape_cast %get3A_228 : vector<16xf32> to vector<1x16xf32>
      tpu.vector_store %arg9[%swap3A_231, %swap3A_232], %swap3A_235 {strides = array<i32>} : memref<200x64xf32, #tpu.memory_space<vmem>>, vector<1x16xf32>,
      %add3A_236 = arith.constant 1 : i32
      %add3A_237 = arith.addi %mul3A_146, %add3A_236 : i32
      %get3A_238 = arith.index_cast %add3A_237 : i32 to index
      %get3A_239 = arith.constant 48 : index
      %get3A_240 = tpu.vector_load %arg7[%get3A_238, %get3A_239] {strides = array<i32>} : memref<200x128xf32, #tpu.memory_space<vmem>>, vector<1x16xf32>,
      %get3A_241 = vector.shape_cast %get3A_240 : vector<1x16xf32> to vector<16xf32>
      %add3A_242 = arith.constant 1 : i32
      %add3A_243 = arith.addi %mul3A_146, %add3A_242 : i32
      %swap3A_244 = arith.index_cast %add3A_243 : i32 to index
      %swap3A_245 = arith.constant 48 : index
      %swap3A_246 = tpu.vector_load %arg9[%swap3A_244, %swap3A_245] {strides = array<i32>} : memref<200x64xf32, #tpu.memory_space<vmem>>, vector<1x16xf32>,
      %swap3A_247 = vector.shape_cast %swap3A_246 : vector<1x16xf32> to vector<16xf32>
      %swap3A_248 = vector.shape_cast %get3A_241 : vector<16xf32> to vector<1x16xf32>
      tpu.vector_store %arg9[%swap3A_244, %swap3A_245], %swap3A_248 {strides = array<i32>} : memref<200x64xf32, #tpu.memory_space<vmem>>, vector<1x16xf32>,
      %add3A_249 = arith.constant 2 : i32
      %add3A_250 = arith.addi %mul3A_146, %add3A_249 : i32
      %get3A_251 = arith.index_cast %add3A_250 : i32 to index
      %get3A_252 = arith.constant 0 : index
      %get3A_253 = tpu.vector_load %arg7[%get3A_251, %get3A_252] {strides = array<i32>} : memref<200x128xf32, #tpu.memory_space<vmem>>, vector<1x16xf32>,
      %get3A_254 = vector.shape_cast %get3A_253 : vector<1x16xf32> to vector<16xf32>
      %add3A_255 = arith.constant 2 : i32
      %add3A_256 = arith.addi %mul3A_146, %add3A_255 : i32
      %swap3A_257 = arith.index_cast %add3A_256 : i32 to index
      %swap3A_258 = arith.constant 0 : index
      %swap3A_259 = tpu.vector_load %arg9[%swap3A_257, %swap3A_258] {strides = array<i32>} : memref<200x64xf32, #tpu.memory_space<vmem>>, vector<1x16xf32>,
      %swap3A_260 = vector.shape_cast %swap3A_259 : vector<1x16xf32> to vector<16xf32>
      %swap3A_261 = vector.shape_cast %get3A_254 : vector<16xf32> to vector<1x16xf32>
      tpu.vector_store %arg9[%swap3A_257, %swap3A_258], %swap3A_261 {strides = array<i32>} : memref<200x64xf32, #tpu.memory_space<vmem>>, vector<1x16xf32>,
      %add3A_262 = arith.constant 2 : i32
      %add3A_263 = arith.addi %mul3A_146, %add3A_262 : i32
      %get3A_264 = arith.index_cast %add3A_263 : i32 to index
      %get3A_265 = arith.constant 16 : index
      %get3A_266 = tpu.vector_load %arg7[%get3A_264, %get3A_265] {strides = array<i32>} : memref<200x128xf32, #tpu.memory_space<vmem>>, vector<1x16xf32>,
      %get3A_267 = vector.shape_cast %get3A_266 : vector<1x16xf32> to vector<16xf32>
      %add3A_268 = arith.constant 2 : i32
      %add3A_269 = arith.addi %mul3A_146, %add3A_268 : i32
      %swap3A_270 = arith.index_cast %add3A_269 : i32 to index
      %swap3A_271 = arith.constant 16 : index
      %swap3A_272 = tpu.vector_load %arg9[%swap3A_270, %swap3A_271] {strides = array<i32>} : memref<200x64xf32, #tpu.memory_space<vmem>>, vector<1x16xf32>,
      %swap3A_273 = vector.shape_cast %swap3A_272 : vector<1x16xf32> to vector<16xf32>
      %swap3A_274 = vector.shape_cast %get3A_267 : vector<16xf32> to vector<1x16xf32>
      tpu.vector_store %arg9[%swap3A_270, %swap3A_271], %swap3A_274 {strides = array<i32>} : memref<200x64xf32, #tpu.memory_space<vmem>>, vector<1x16xf32>,
      %add3A_275 = arith.constant 2 : i32
      %add3A_276 = arith.addi %mul3A_146, %add3A_275 : i32
      %get3A_277 = arith.index_cast %add3A_276 : i32 to index
      %get3A_278 = arith.constant 32 : index
      %get3A_279 = tpu.vector_load %arg7[%get3A_277, %get3A_278] {strides = array<i32>} : memref<200x128xf32, #tpu.memory_space<vmem>>, vector<1x16xf32>,
      %get3A_280 = vector.shape_cast %get3A_279 : vector<1x16xf32> to vector<16xf32>
      %add3A_281 = arith.constant 2 : i32
      %add3A_282 = arith.addi %mul3A_146, %add3A_281 : i32
      %swap3A_283 = arith.index_cast %add3A_282 : i32 to index
      %swap3A_284 = arith.constant 32 : index
      %swap3A_285 = tpu.vector_load %arg9[%swap3A_283, %swap3A_284] {strides = array<i32>} : memref<200x64xf32, #tpu.memory_space<vmem>>, vector<1x16xf32>,
      %swap3A_286 = vector.shape_cast %swap3A_285 : vector<1x16xf32> to vector<16xf32>
      %swap3A_287 = vector.shape_cast %get3A_280 : vector<16xf32> to vector<1x16xf32>
      tpu.vector_store %arg9[%swap3A_283, %swap3A_284], %swap3A_287 {strides = array<i32>} : memref<200x64xf32, #tpu.memory_space<vmem>>, vector<1x16xf32>,
      %add3A_288 = arith.constant 2 : i32
      %add3A_289 = arith.addi %mul3A_146, %add3A_288 : i32
      %get3A_290 = arith.index_cast %add3A_289 : i32 to index
      %get3A_291 = arith.constant 48 : index
      %get3A_292 = tpu.vector_load %arg7[%get3A_290, %get3A_291] {strides = array<i32>} : memref<200x128xf32, #tpu.memory_space<vmem>>, vector<1x16xf32>,
      %get3A_293 = vector.shape_cast %get3A_292 : vector<1x16xf32> to vector<16xf32>
      %add3A_294 = arith.constant 2 : i32
      %add3A_295 = arith.addi %mul3A_146, %add3A_294 : i32
      %swap3A_296 = arith.index_cast %add3A_295 : i32 to index
      %swap3A_297 = arith.constant 48 : index
      %swap3A_298 = tpu.vector_load %arg9[%swap3A_296, %swap3A_297] {strides = array<i32>} : memref<200x64xf32, #tpu.memory_space<vmem>>, vector<1x16xf32>,
      %swap3A_299 = vector.shape_cast %swap3A_298 : vector<1x16xf32> to vector<16xf32>
      %swap3A_300 = vector.shape_cast %get3A_293 : vector<16xf32> to vector<1x16xf32>
      tpu.vector_store %arg9[%swap3A_296, %swap3A_297], %swap3A_300 {strides = array<i32>} : memref<200x64xf32, #tpu.memory_space<vmem>>, vector<1x16xf32>,
      %add3A_301 = arith.constant 3 : i32
      %add3A_302 = arith.addi %mul3A_146, %add3A_301 : i32
      %get3A_303 = arith.index_cast %add3A_302 : i32 to index
      %get3A_304 = arith.constant 0 : index
      %get3A_305 = tpu.vector_load %arg7[%get3A_303, %get3A_304] {strides = array<i32>} : memref<200x128xf32, #tpu.memory_space<vmem>>, vector<1x16xf32>,
      %get3A_306 = vector.shape_cast %get3A_305 : vector<1x16xf32> to vector<16xf32>
      %add3A_307 = arith.constant 3 : i32
      %add3A_308 = arith.addi %mul3A_146, %add3A_307 : i32
      %swap3A_309 = arith.index_cast %add3A_308 : i32 to index
      %swap3A_310 = arith.constant 0 : index
      %swap3A_311 = tpu.vector_load %arg9[%swap3A_309, %swap3A_310] {strides = array<i32>} : memref<200x64xf32, #tpu.memory_space<vmem>>, vector<1x16xf32>,
      %swap3A_312 = vector.shape_cast %swap3A_311 : vector<1x16xf32> to vector<16xf32>
      %swap3A_313 = vector.shape_cast %get3A_306 : vector<16xf32> to vector<1x16xf32>
      tpu.vector_store %arg9[%swap3A_309, %swap3A_310], %swap3A_313 {strides = array<i32>} : memref<200x64xf32, #tpu.memory_space<vmem>>, vector<1x16xf32>,
      %add3A_314 = arith.constant 3 : i32
      %add3A_315 = arith.addi %mul3A_146, %add3A_314 : i32
      %get3A_316 = arith.index_cast %add3A_315 : i32 to index
      %get3A_317 = arith.constant 16 : index
      %get3A_318 = tpu.vector_load %arg7[%get3A_316, %get3A_317] {strides = array<i32>} : memref<200x128xf32, #tpu.memory_space<vmem>>, vector<1x16xf32>,
      %get3A_319 = vector.shape_cast %get3A_318 : vector<1x16xf32> to vector<16xf32>
      %add3A_320 = arith.constant 3 : i32
      %add3A_321 = arith.addi %mul3A_146, %add3A_320 : i32
      %swap3A_322 = arith.index_cast %add3A_321 : i32 to index
      %swap3A_323 = arith.constant 16 : index
      %swap3A_324 = tpu.vector_load %arg9[%swap3A_322, %swap3A_323] {strides = array<i32>} : memref<200x64xf32, #tpu.memory_space<vmem>>, vector<1x16xf32>,
      %swap3A_325 = vector.shape_cast %swap3A_324 : vector<1x16xf32> to vector<16xf32>
      %swap3A_326 = vector.shape_cast %get3A_319 : vector<16xf32> to vector<1x16xf32>
      tpu.vector_store %arg9[%swap3A_322, %swap3A_323], %swap3A_326 {strides = array<i32>} : memref<200x64xf32, #tpu.memory_space<vmem>>, vector<1x16xf32>,
      %add3A_327 = arith.constant 3 : i32
      %add3A_328 = arith.addi %mul3A_146, %add3A_327 : i32
      %get3A_329 = arith.index_cast %add3A_328 : i32 to index
      %get3A_330 = arith.constant 32 : index
      %get3A_331 = tpu.vector_load %arg7[%get3A_329, %get3A_330] {strides = array<i32>} : memref<200x128xf32, #tpu.memory_space<vmem>>, vector<1x16xf32>,
      %get3A_332 = vector.shape_cast %get3A_331 : vector<1x16xf32> to vector<16xf32>
      %add3A_333 = arith.constant 3 : i32
      %add3A_334 = arith.addi %mul3A_146, %add3A_333 : i32
      %swap3A_335 = arith.index_cast %add3A_334 : i32 to index
      %swap3A_336 = arith.constant 32 : index
      %swap3A_337 = tpu.vector_load %arg9[%swap3A_335, %swap3A_336] {strides = array<i32>} : memref<200x64xf32, #tpu.memory_space<vmem>>, vector<1x16xf32>,
      %swap3A_338 = vector.shape_cast %swap3A_337 : vector<1x16xf32> to vector<16xf32>
      %swap3A_339 = vector.shape_cast %get3A_332 : vector<16xf32> to vector<1x16xf32>
      tpu.vector_store %arg9[%swap3A_335, %swap3A_336], %swap3A_339 {strides = array<i32>} : memref<200x64xf32, #tpu.memory_space<vmem>>, vector<1x16xf32>,
      %add3A_340 = arith.constant 3 : i32
      %add3A_341 = arith.addi %mul3A_146, %add3A_340 : i32
      %get3A_342 = arith.index_cast %add3A_341 : i32 to index
      %get3A_343 = arith.constant 48 : index
      %get3A_344 = tpu.vector_load %arg7[%get3A_342, %get3A_343] {strides = array<i32>} : memref<200x128xf32, #tpu.memory_space<vmem>>, vector<1x16xf32>,
      %get3A_345 = vector.shape_cast %get3A_344 : vector<1x16xf32> to vector<16xf32>
      %add3A_346 = arith.constant 3 : i32
      %add3A_347 = arith.addi %mul3A_146, %add3A_346 : i32
      %swap3A_348 = arith.index_cast %add3A_347 : i32 to index
      %swap3A_349 = arith.constant 48 : index
      %swap3A_350 = tpu.vector_load %arg9[%swap3A_348, %swap3A_349] {strides = array<i32>} : memref<200x64xf32, #tpu.memory_space<vmem>>, vector<1x16xf32>,
      %swap3A_351 = vector.shape_cast %swap3A_350 : vector<1x16xf32> to vector<16xf32>
      %swap3A_352 = vector.shape_cast %get3A_345 : vector<16xf32> to vector<1x16xf32>
      tpu.vector_store %arg9[%swap3A_348, %swap3A_349], %swap3A_352 {strides = array<i32>} : memref<200x64xf32, #tpu.memory_space<vmem>>, vector<1x16xf32>,
      %add3A_353 = arith.constant 4 : i32
      %add3A_354 = arith.addi %mul3A_146, %add3A_353 : i32
      %get3A_355 = arith.index_cast %add3A_354 : i32 to index
      %get3A_356 = arith.constant 0 : index
      %get3A_357 = tpu.vector_load %arg7[%get3A_355, %get3A_356] {strides = array<i32>} : memref<200x128xf32, #tpu.memory_space<vmem>>, vector<1x16xf32>,
      %get3A_358 = vector.shape_cast %get3A_357 : vector<1x16xf32> to vector<16xf32>
      %add3A_359 = arith.constant 4 : i32
      %add3A_360 = arith.addi %mul3A_146, %add3A_359 : i32
      %swap3A_361 = arith.index_cast %add3A_360 : i32 to index
      %swap3A_362 = arith.constant 0 : index
      %swap3A_363 = tpu.vector_load %arg9[%swap3A_361, %swap3A_362] {strides = array<i32>} : memref<200x64xf32, #tpu.memory_space<vmem>>, vector<1x16xf32>,
      %swap3A_364 = vector.shape_cast %swap3A_363 : vector<1x16xf32> to vector<16xf32>
      %swap3A_365 = vector.shape_cast %get3A_358 : vector<16xf32> to vector<1x16xf32>
      tpu.vector_store %arg9[%swap3A_361, %swap3A_362], %swap3A_365 {strides = array<i32>} : memref<200x64xf32, #tpu.memory_space<vmem>>, vector<1x16xf32>,
      %add3A_366 = arith.constant 4 : i32
      %add3A_367 = arith.addi %mul3A_146, %add3A_366 : i32
      %get3A_368 = arith.index_cast %add3A_367 : i32 to index
      %get3A_369 = arith.constant 16 : index
      %get3A_370 = tpu.vector_load %arg7[%get3A_368, %get3A_369] {strides = array<i32>} : memref<200x128xf32, #tpu.memory_space<vmem>>, vector<1x16xf32>,
      %get3A_371 = vector.shape_cast %get3A_370 : vector<1x16xf32> to vector<16xf32>
      %add3A_372 = arith.constant 4 : i32
      %add3A_373 = arith.addi %mul3A_146, %add3A_372 : i32
      %swap3A_374 = arith.index_cast %add3A_373 : i32 to index
      %swap3A_375 = arith.constant 16 : index
      %swap3A_376 = tpu.vector_load %arg9[%swap3A_374, %swap3A_375] {strides = array<i32>} : memref<200x64xf32, #tpu.memory_space<vmem>>, vector<1x16xf32>,
      %swap3A_377 = vector.shape_cast %swap3A_376 : vector<1x16xf32> to vector<16xf32>
      %swap3A_378 = vector.shape_cast %get3A_371 : vector<16xf32> to vector<1x16xf32>
      tpu.vector_store %arg9[%swap3A_374, %swap3A_375], %swap3A_378 {strides = array<i32>} : memref<200x64xf32, #tpu.memory_space<vmem>>, vector<1x16xf32>,
      %add3A_379 = arith.constant 4 : i32
      %add3A_380 = arith.addi %mul3A_146, %add3A_379 : i32
      %get3A_381 = arith.index_cast %add3A_380 : i32 to index
      %get3A_382 = arith.constant 32 : index
      %get3A_383 = tpu.vector_load %arg7[%get3A_381, %get3A_382] {strides = array<i32>} : memref<200x128xf32, #tpu.memory_space<vmem>>, vector<1x16xf32>,
      %get3A_384 = vector.shape_cast %get3A_383 : vector<1x16xf32> to vector<16xf32>
      %add3A_385 = arith.constant 4 : i32
      %add3A_386 = arith.addi %mul3A_146, %add3A_385 : i32
      %swap3A_387 = arith.index_cast %add3A_386 : i32 to index
      %swap3A_388 = arith.constant 32 : index
      %swap3A_389 = tpu.vector_load %arg9[%swap3A_387, %swap3A_388] {strides = array<i32>} : memref<200x64xf32, #tpu.memory_space<vmem>>, vector<1x16xf32>,
      %swap3A_390 = vector.shape_cast %swap3A_389 : vector<1x16xf32> to vector<16xf32>
      %swap3A_391 = vector.shape_cast %get3A_384 : vector<16xf32> to vector<1x16xf32>
      tpu.vector_store %arg9[%swap3A_387, %swap3A_388], %swap3A_391 {strides = array<i32>} : memref<200x64xf32, #tpu.memory_space<vmem>>, vector<1x16xf32>,
      %add3A_392 = arith.constant 4 : i32
      %add3A_393 = arith.addi %mul3A_146, %add3A_392 : i32
      %get3A_394 = arith.index_cast %add3A_393 : i32 to index
      %get3A_395 = arith.constant 48 : index
      %get3A_396 = tpu.vector_load %arg7[%get3A_394, %get3A_395] {strides = array<i32>} : memref<200x128xf32, #tpu.memory_space<vmem>>, vector<1x16xf32>,
      %get3A_397 = vector.shape_cast %get3A_396 : vector<1x16xf32> to vector<16xf32>
      %add3A_398 = arith.constant 4 : i32
      %add3A_399 = arith.addi %mul3A_146, %add3A_398 : i32
      %swap3A_400 = arith.index_cast %add3A_399 : i32 to index
      %swap3A_401 = arith.constant 48 : index
      %swap3A_402 = tpu.vector_load %arg9[%swap3A_400, %swap3A_401] {strides = array<i32>} : memref<200x64xf32, #tpu.memory_space<vmem>>, vector<1x16xf32>,
      %swap3A_403 = vector.shape_cast %swap3A_402 : vector<1x16xf32> to vector<16xf32>
      %swap3A_404 = vector.shape_cast %get3A_397 : vector<16xf32> to vector<1x16xf32>
      tpu.vector_store %arg9[%swap3A_400, %swap3A_401], %swap3A_404 {strides = array<i32>} : memref<200x64xf32, #tpu.memory_space<vmem>>, vector<1x16xf32>,
      %add3A_405 = arith.constant 5 : i32
      %add3A_406 = arith.addi %mul3A_146, %add3A_405 : i32
      %get3A_407 = arith.index_cast %add3A_406 : i32 to index
      %get3A_408 = arith.constant 0 : index
      %get3A_409 = tpu.vector_load %arg7[%get3A_407, %get3A_408] {strides = array<i32>} : memref<200x128xf32, #tpu.memory_space<vmem>>, vector<1x16xf32>,
      %get3A_410 = vector.shape_cast %get3A_409 : vector<1x16xf32> to vector<16xf32>
      %add3A_411 = arith.constant 5 : i32
      %add3A_412 = arith.addi %mul3A_146, %add3A_411 : i32
      %swap3A_413 = arith.index_cast %add3A_412 : i32 to index
      %swap3A_414 = arith.constant 0 : index
      %swap3A_415 = tpu.vector_load %arg9[%swap3A_413, %swap3A_414] {strides = array<i32>} : memref<200x64xf32, #tpu.memory_space<vmem>>, vector<1x16xf32>,
      %swap3A_416 = vector.shape_cast %swap3A_415 : vector<1x16xf32> to vector<16xf32>
      %swap3A_417 = vector.shape_cast %get3A_410 : vector<16xf32> to vector<1x16xf32>
      tpu.vector_store %arg9[%swap3A_413, %swap3A_414], %swap3A_417 {strides = array<i32>} : memref<200x64xf32, #tpu.memory_space<vmem>>, vector<1x16xf32>,
      %add3A_418 = arith.constant 5 : i32
      %add3A_419 = arith.addi %mul3A_146, %add3A_418 : i32
      %get3A_420 = arith.index_cast %add3A_419 : i32 to index
      %get3A_421 = arith.constant 16 : index
      %get3A_422 = tpu.vector_load %arg7[%get3A_420, %get3A_421] {strides = array<i32>} : memref<200x128xf32, #tpu.memory_space<vmem>>, vector<1x16xf32>,
      %get3A_423 = vector.shape_cast %get3A_422 : vector<1x16xf32> to vector<16xf32>
      %add3A_424 = arith.constant 5 : i32
      %add3A_425 = arith.addi %mul3A_146, %add3A_424 : i32
      %swap3A_426 = arith.index_cast %add3A_425 : i32 to index
      %swap3A_427 = arith.constant 16 : index
      %swap3A_428 = tpu.vector_load %arg9[%swap3A_426, %swap3A_427] {strides = array<i32>} : memref<200x64xf32, #tpu.memory_space<vmem>>, vector<1x16xf32>,
      %swap3A_429 = vector.shape_cast %swap3A_428 : vector<1x16xf32> to vector<16xf32>
      %swap3A_430 = vector.shape_cast %get3A_423 : vector<16xf32> to vector<1x16xf32>
      tpu.vector_store %arg9[%swap3A_426, %swap3A_427], %swap3A_430 {strides = array<i32>} : memref<200x64xf32, #tpu.memory_space<vmem>>, vector<1x16xf32>,
      %add3A_431 = arith.constant 5 : i32
      %add3A_432 = arith.addi %mul3A_146, %add3A_431 : i32
      %get3A_433 = arith.index_cast %add3A_432 : i32 to index
      %get3A_434 = arith.constant 32 : index
      %get3A_435 = tpu.vector_load %arg7[%get3A_433, %get3A_434] {strides = array<i32>} : memref<200x128xf32, #tpu.memory_space<vmem>>, vector<1x16xf32>,
      %get3A_436 = vector.shape_cast %get3A_435 : vector<1x16xf32> to vector<16xf32>
      %add3A_437 = arith.constant 5 : i32
      %add3A_438 = arith.addi %mul3A_146, %add3A_437 : i32
      %swap3A_439 = arith.index_cast %add3A_438 : i32 to index
      %swap3A_440 = arith.constant 32 : index
      %swap3A_441 = tpu.vector_load %arg9[%swap3A_439, %swap3A_440] {strides = array<i32>} : memref<200x64xf32, #tpu.memory_space<vmem>>, vector<1x16xf32>,
      %swap3A_442 = vector.shape_cast %swap3A_441 : vector<1x16xf32> to vector<16xf32>
      %swap3A_443 = vector.shape_cast %get3A_436 : vector<16xf32> to vector<1x16xf32>
      tpu.vector_store %arg9[%swap3A_439, %swap3A_440], %swap3A_443 {strides = array<i32>} : memref<200x64xf32, #tpu.memory_space<vmem>>, vector<1x16xf32>,
      %add3A_444 = arith.constant 5 : i32
      %add3A_445 = arith.addi %mul3A_146, %add3A_444 : i32
      %get3A_446 = arith.index_cast %add3A_445 : i32 to index
      %get3A_447 = arith.constant 48 : index
      %get3A_448 = tpu.vector_load %arg7[%get3A_446, %get3A_447] {strides = array<i32>} : memref<200x128xf32, #tpu.memory_space<vmem>>, vector<1x16xf32>,
      %get3A_449 = vector.shape_cast %get3A_448 : vector<1x16xf32> to vector<16xf32>
      %add3A_450 = arith.constant 5 : i32
      %add3A_451 = arith.addi %mul3A_146, %add3A_450 : i32
      %swap3A_452 = arith.index_cast %add3A_451 : i32 to index
      %swap3A_453 = arith.constant 48 : index
      %swap3A_454 = tpu.vector_load %arg9[%swap3A_452, %swap3A_453] {strides = array<i32>} : memref<200x64xf32, #tpu.memory_space<vmem>>, vector<1x16xf32>,
      %swap3A_455 = vector.shape_cast %swap3A_454 : vector<1x16xf32> to vector<16xf32>
      %swap3A_456 = vector.shape_cast %get3A_449 : vector<16xf32> to vector<1x16xf32>
      tpu.vector_store %arg9[%swap3A_452, %swap3A_453], %swap3A_456 {strides = array<i32>} : memref<200x64xf32, #tpu.memory_space<vmem>>, vector<1x16xf32>,
      %add3A_457 = arith.constant 6 : i32
      %add3A_458 = arith.addi %mul3A_146, %add3A_457 : i32
      %get3A_459 = arith.index_cast %add3A_458 : i32 to index
      %get3A_460 = arith.constant 0 : index
      %get3A_461 = tpu.vector_load %arg7[%get3A_459, %get3A_460] {strides = array<i32>} : memref<200x128xf32, #tpu.memory_space<vmem>>, vector<1x16xf32>,
      %get3A_462 = vector.shape_cast %get3A_461 : vector<1x16xf32> to vector<16xf32>
      %add3A_463 = arith.constant 6 : i32
      %add3A_464 = arith.addi %mul3A_146, %add3A_463 : i32
      %swap3A_465 = arith.index_cast %add3A_464 : i32 to index
      %swap3A_466 = arith.constant 0 : index
      %swap3A_467 = tpu.vector_load %arg9[%swap3A_465, %swap3A_466] {strides = array<i32>} : memref<200x64xf32, #tpu.memory_space<vmem>>, vector<1x16xf32>,
      %swap3A_468 = vector.shape_cast %swap3A_467 : vector<1x16xf32> to vector<16xf32>
      %swap3A_469 = vector.shape_cast %get3A_462 : vector<16xf32> to vector<1x16xf32>
      tpu.vector_store %arg9[%swap3A_465, %swap3A_466], %swap3A_469 {strides = array<i32>} : memref<200x64xf32, #tpu.memory_space<vmem>>, vector<1x16xf32>,
      %add3A_470 = arith.constant 6 : i32
      %add3A_471 = arith.addi %mul3A_146, %add3A_470 : i32
      %get3A_472 = arith.index_cast %add3A_471 : i32 to index
      %get3A_473 = arith.constant 16 : index
      %get3A_474 = tpu.vector_load %arg7[%get3A_472, %get3A_473] {strides = array<i32>} : memref<200x128xf32, #tpu.memory_space<vmem>>, vector<1x16xf32>,
      %get3A_475 = vector.shape_cast %get3A_474 : vector<1x16xf32> to vector<16xf32>
      %add3A_476 = arith.constant 6 : i32
      %add3A_477 = arith.addi %mul3A_146, %add3A_476 : i32
      %swap3A_478 = arith.index_cast %add3A_477 : i32 to index
      %swap3A_479 = arith.constant 16 : index
      %swap3A_480 = tpu.vector_load %arg9[%swap3A_478, %swap3A_479] {strides = array<i32>} : memref<200x64xf32, #tpu.memory_space<vmem>>, vector<1x16xf32>,
      %swap3A_481 = vector.shape_cast %swap3A_480 : vector<1x16xf32> to vector<16xf32>
      %swap3A_482 = vector.shape_cast %get3A_475 : vector<16xf32> to vector<1x16xf32>
      tpu.vector_store %arg9[%swap3A_478, %swap3A_479], %swap3A_482 {strides = array<i32>} : memref<200x64xf32, #tpu.memory_space<vmem>>, vector<1x16xf32>,
      %add3A_483 = arith.constant 6 : i32
      %add3A_484 = arith.addi %mul3A_146, %add3A_483 : i32
      %get3A_485 = arith.index_cast %add3A_484 : i32 to index
      %get3A_486 = arith.constant 32 : index
      %get3A_487 = tpu.vector_load %arg7[%get3A_485, %get3A_486] {strides = array<i32>} : memref<200x128xf32, #tpu.memory_space<vmem>>, vector<1x16xf32>,
      %get3A_488 = vector.shape_cast %get3A_487 : vector<1x16xf32> to vector<16xf32>
      %add3A_489 = arith.constant 6 : i32
      %add3A_490 = arith.addi %mul3A_146, %add3A_489 : i32
      %swap3A_491 = arith.index_cast %add3A_490 : i32 to index
      %swap3A_492 = arith.constant 32 : index
      %swap3A_493 = tpu.vector_load %arg9[%swap3A_491, %swap3A_492] {strides = array<i32>} : memref<200x64xf32, #tpu.memory_space<vmem>>, vector<1x16xf32>,
      %swap3A_494 = vector.shape_cast %swap3A_493 : vector<1x16xf32> to vector<16xf32>
      %swap3A_495 = vector.shape_cast %get3A_488 : vector<16xf32> to vector<1x16xf32>
      tpu.vector_store %arg9[%swap3A_491, %swap3A_492], %swap3A_495 {strides = array<i32>} : memref<200x64xf32, #tpu.memory_space<vmem>>, vector<1x16xf32>,
      %add3A_496 = arith.constant 6 : i32
      %add3A_497 = arith.addi %mul3A_146, %add3A_496 : i32
      %get3A_498 = arith.index_cast %add3A_497 : i32 to index
      %get3A_499 = arith.constant 48 : index
      %get3A_500 = tpu.vector_load %arg7[%get3A_498, %get3A_499] {strides = array<i32>} : memref<200x128xf32, #tpu.memory_space<vmem>>, vector<1x16xf32>,
      %get3A_501 = vector.shape_cast %get3A_500 : vector<1x16xf32> to vector<16xf32>
      %add3A_502 = arith.constant 6 : i32
      %add3A_503 = arith.addi %mul3A_146, %add3A_502 : i32
      %swap3A_504 = arith.index_cast %add3A_503 : i32 to index
      %swap3A_505 = arith.constant 48 : index
      %swap3A_506 = tpu.vector_load %arg9[%swap3A_504, %swap3A_505] {strides = array<i32>} : memref<200x64xf32, #tpu.memory_space<vmem>>, vector<1x16xf32>,
      %swap3A_507 = vector.shape_cast %swap3A_506 : vector<1x16xf32> to vector<16xf32>
      %swap3A_508 = vector.shape_cast %get3A_501 : vector<16xf32> to vector<1x16xf32>
      tpu.vector_store %arg9[%swap3A_504, %swap3A_505], %swap3A_508 {strides = array<i32>} : memref<200x64xf32, #tpu.memory_space<vmem>>, vector<1x16xf32>,
      %add3A_509 = arith.constant 7 : i32
      %add3A_510 = arith.addi %mul3A_146, %add3A_509 : i32
      %get3A_511 = arith.index_cast %add3A_510 : i32 to index
      %get3A_512 = arith.constant 0 : index
      %get3A_513 = tpu.vector_load %arg7[%get3A_511, %get3A_512] {strides = array<i32>} : memref<200x128xf32, #tpu.memory_space<vmem>>, vector<1x16xf32>,
      %get3A_514 = vector.shape_cast %get3A_513 : vector<1x16xf32> to vector<16xf32>
      %add3A_515 = arith.constant 7 : i32
      %add3A_516 = arith.addi %mul3A_146, %add3A_515 : i32
      %swap3A_517 = arith.index_cast %add3A_516 : i32 to index
      %swap3A_518 = arith.constant 0 : index
      %swap3A_519 = tpu.vector_load %arg9[%swap3A_517, %swap3A_518] {strides = array<i32>} : memref<200x64xf32, #tpu.memory_space<vmem>>, vector<1x16xf32>,
      %swap3A_520 = vector.shape_cast %swap3A_519 : vector<1x16xf32> to vector<16xf32>
      %swap3A_521 = vector.shape_cast %get3A_514 : vector<16xf32> to vector<1x16xf32>
      tpu.vector_store %arg9[%swap3A_517, %swap3A_518], %swap3A_521 {strides = array<i32>} : memref<200x64xf32, #tpu.memory_space<vmem>>, vector<1x16xf32>,
      %add3A_522 = arith.constant 7 : i32
      %add3A_523 = arith.addi %mul3A_146, %add3A_522 : i32
      %get3A_524 = arith.index_cast %add3A_523 : i32 to index
      %get3A_525 = arith.constant 16 : index
      %get3A_526 = tpu.vector_load %arg7[%get3A_524, %get3A_525] {strides = array<i32>} : memref<200x128xf32, #tpu.memory_space<vmem>>, vector<1x16xf32>,
      %get3A_527 = vector.shape_cast %get3A_526 : vector<1x16xf32> to vector<16xf32>
      %add3A_528 = arith.constant 7 : i32
      %add3A_529 = arith.addi %mul3A_146, %add3A_528 : i32
      %swap3A_530 = arith.index_cast %add3A_529 : i32 to index
      %swap3A_531 = arith.constant 16 : index
      %swap3A_532 = tpu.vector_load %arg9[%swap3A_530, %swap3A_531] {strides = array<i32>} : memref<200x64xf32, #tpu.memory_space<vmem>>, vector<1x16xf32>,
      %swap3A_533 = vector.shape_cast %swap3A_532 : vector<1x16xf32> to vector<16xf32>
      %swap3A_534 = vector.shape_cast %get3A_527 : vector<16xf32> to vector<1x16xf32>
      tpu.vector_store %arg9[%swap3A_530, %swap3A_531], %swap3A_534 {strides = array<i32>} : memref<200x64xf32, #tpu.memory_space<vmem>>, vector<1x16xf32>,
      %add3A_535 = arith.constant 7 : i32
      %add3A_536 = arith.addi %mul3A_146, %add3A_535 : i32
      %get3A_537 = arith.index_cast %add3A_536 : i32 to index
      %get3A_538 = arith.constant 32 : index
      %get3A_539 = tpu.vector_load %arg7[%get3A_537, %get3A_538] {strides = array<i32>} : memref<200x128xf32, #tpu.memory_space<vmem>>, vector<1x16xf32>,
      %get3A_540 = vector.shape_cast %get3A_539 : vector<1x16xf32> to vector<16xf32>
      %add3A_541 = arith.constant 7 : i32
      %add3A_542 = arith.addi %mul3A_146, %add3A_541 : i32
      %swap3A_543 = arith.index_cast %add3A_542 : i32 to index
      %swap3A_544 = arith.constant 32 : index
      %swap3A_545 = tpu.vector_load %arg9[%swap3A_543, %swap3A_544] {strides = array<i32>} : memref<200x64xf32, #tpu.memory_space<vmem>>, vector<1x16xf32>,
      %swap3A_546 = vector.shape_cast %swap3A_545 : vector<1x16xf32> to vector<16xf32>
      %swap3A_547 = vector.shape_cast %get3A_540 : vector<16xf32> to vector<1x16xf32>
      tpu.vector_store %arg9[%swap3A_543, %swap3A_544], %swap3A_547 {strides = array<i32>} : memref<200x64xf32, #tpu.memory_space<vmem>>, vector<1x16xf32>,
      %add3A_548 = arith.constant 7 : i32
      %add3A_549 = arith.addi %mul3A_146, %add3A_548 : i32
      %get3A_550 = arith.index_cast %add3A_549 : i32 to index
      %get3A_551 = arith.constant 48 : index
      %get3A_552 = tpu.vector_load %arg7[%get3A_550, %get3A_551] {strides = array<i32>} : memref<200x128xf32, #tpu.memory_space<vmem>>, vector<1x16xf32>,
      %get3A_553 = vector.shape_cast %get3A_552 : vector<1x16xf32> to vector<16xf32>
      %add3A_554 = arith.constant 7 : i32
      %add3A_555 = arith.addi %mul3A_146, %add3A_554 : i32
      %swap3A_556 = arith.index_cast %add3A_555 : i32 to index
      %swap3A_557 = arith.constant 48 : index
      %swap3A_558 = tpu.vector_load %arg9[%swap3A_556, %swap3A_557] {strides = array<i32>} : memref<200x64xf32, #tpu.memory_space<vmem>>, vector<1x16xf32>,
      %swap3A_559 = vector.shape_cast %swap3A_558 : vector<1x16xf32> to vector<16xf32>
      %swap3A_560 = vector.shape_cast %get3A_553 : vector<16xf32> to vector<1x16xf32>
      tpu.vector_store %arg9[%swap3A_556, %swap3A_557], %swap3A_560 {strides = array<i32>} : memref<200x64xf32, #tpu.memory_space<vmem>>, vector<1x16xf32>,
    }
    %scan3A_48 = arith.constant 25 : i32
    %dma_start3A_49 = arith.constant 600 : i32
    %dma_start3A_50 = tpu.memref_slice %arg5[%dma_start3A_49] : memref<25600xi32, #tpu.memory_space<vmem>> -> memref<200xi32, #tpu.memory_space<vmem>>
    %dma_start3A_51 = arith.constant 0 : i32
    %dma_start3A_52 = arith.constant 0 : i32
    %dma_start3A_53 = tpu.memref_slice %arg3[%dma_start3A_51, %dma_start3A_52] : memref<100000x128xf32, #tpu.memory_space<hbm>> -> memref<100000x128xf32, #tpu.memory_space<hbm>>
    tpu.enqueue_indirect_dma source(%dma_start3A_53 : memref<100000x128xf32, #tpu.memory_space<hbm>>) target(%arg7 : memref<200x128xf32, #tpu.memory_space<vmem>>) offsets(%dma_start3A_50 : memref<200xi32, #tpu.memory_space<vmem>>) semaphore(%arg10 : memref<!tpu.dma_semaphore, #tpu.memory_space<semaphore_mem>>)
    %add3A_54 = arith.constant 1 : i32
    %add3A_55 = arith.addi %mul3A_4, %add3A_54 : i32
    %dma_start3A_56 = arith.constant 0 : i32
    %dma_start3A_57 = arith.constant 0 : i32
    %dma_start3A_58 = tpu.memref_slice %arg4[%add3A_55, %dma_start3A_56, %dma_start3A_57] : memref<4096x200x64xf32, #tpu.memory_space<hbm>> -> memref<1x200x64xf32, #tpu.memory_space<hbm>>
    %dma_start3A_59 = tpu.memref_squeeze %dma_start3A_58 : memref<1x200x64xf32, #tpu.memory_space<hbm>> -> memref<200x64xf32, #tpu.memory_space<hbm>>
    %dma_start3A_60 = arith.constant 0 : i32
    %dma_start3A_61 = arith.constant 0 : i32
    %dma_start3A_62 = tpu.memref_slice %arg4[%add3A_55, %dma_start3A_60, %dma_start3A_61] : memref<4096x200x64xf32, #tpu.memory_space<hbm>> -> memref<1x200x64xf32, #tpu.memory_space<hbm>>
    %dma_start3A_63 = tpu.memref_squeeze %dma_start3A_62 : memref<1x200x64xf32, #tpu.memory_space<hbm>> -> memref<200x64xf32, #tpu.memory_space<hbm>>
    tpu.enqueue_dma source(%arg9 : memref<200x64xf32, #tpu.memory_space<vmem>>) target(%dma_start3A_63 : memref<200x64xf32, #tpu.memory_space<hbm>>) target_semaphore(%arg11 : memref<!tpu.dma_semaphore, #tpu.memory_space<semaphore_mem>>)
    %scan3A_64 = arith.constant 0 : i32
    %scan3A_65 = arith.constant 1 : i32
    %scan3A_66 = arith.constant 62 : i32
    %scan3A_67 = arith.addi %scan3A_65, %scan3A_66 : i32
    %scan3A_68 = arith.constant 1 : i32
    scf.for %scan3A_144 = %scan3A_65 to %scan3A_67 step %scan3A_68  : i32 {
      %mul3A_145 = arith.constant 2 : i32
      %mul3A_146 = arith.muli %mul3A_145, %scan3A_144 : i32
      %add3A_147 = arith.constant 0 : i32
      %add3A_148 = arith.addi %mul3A_146, %add3A_147 : i32
      %dma_wait3A_149 = arith.constant 0 : i32
      %dma_wait3A_150 = tpu.memref_slice %arg5[%dma_wait3A_149] : memref<25600xi32, #tpu.memory_space<vmem>> -> memref<200xi32, #tpu.memory_space<vmem>>
      %dma_wait3A_151 = arith.constant 0 : i32
      %dma_wait3A_152 = arith.constant 0 : i32
      %dma_wait3A_153 = tpu.memref_slice %arg3[%dma_wait3A_151, %dma_wait3A_152] : memref<100000x128xf32, #tpu.memory_space<hbm>> -> memref<100000x128xf32, #tpu.memory_space<hbm>>
      tpu.wait_indirect_dma semaphore(%arg10 : memref<!tpu.dma_semaphore, #tpu.memory_space<semaphore_mem>>) src(%dma_wait3A_153 : memref<100000x128xf32, #tpu.memory_space<hbm>>) dst(%arg6 : memref<200x128xf32, #tpu.memory_space<vmem>>)
      %dma_wait3A_154 = arith.constant 0 : i32
      %dma_wait3A_155 = arith.constant 0 : i32
      %dma_wait3A_156 = tpu.memref_slice %arg4[%mul3A_4, %dma_wait3A_154, %dma_wait3A_155] : memref<4096x200x64xf32, #tpu.memory_space<hbm>> -> memref<1x200x64xf32, #tpu.memory_space<hbm>>
      %dma_wait3A_157 = tpu.memref_squeeze %dma_wait3A_156 : memref<1x200x64xf32, #tpu.memory_space<hbm>> -> memref<200x64xf32, #tpu.memory_space<hbm>>
      %dma_wait3A_158 = arith.constant 0 : i32
      %dma_wait3A_159 = arith.constant 0 : i32
      %dma_wait3A_160 = tpu.memref_slice %arg4[%mul3A_4, %dma_wait3A_158, %dma_wait3A_159] : memref<4096x200x64xf32, #tpu.memory_space<hbm>> -> memref<1x200x64xf32, #tpu.memory_space<hbm>>
      %dma_wait3A_161 = tpu.memref_squeeze %dma_wait3A_160 : memref<1x200x64xf32, #tpu.memory_space<hbm>> -> memref<200x64xf32, #tpu.memory_space<hbm>>
      tpu.wait_dma2 semaphore(%arg11 : memref<!tpu.dma_semaphore, #tpu.memory_space<semaphore_mem>>) src(%arg8 : memref<200x64xf32, #tpu.memory_space<vmem>>) dst(%dma_wait3A_161 : memref<200x64xf32, #tpu.memory_space<hbm>>)
      %scan3A_162 = arith.constant 0 : i32
      %scan3A_163 = arith.constant 0 : i32
      %scan3A_164 = arith.constant 25 : i32
      %scan3A_165 = arith.addi %scan3A_163, %scan3A_164 : i32
      %scan3A_166 = arith.constant 1 : i32
      scf.for %scan3A_225 = %scan3A_163 to %scan3A_165 step %scan3A_166  : i32 {
        %mul3A_226 = arith.constant 8 : i32
        %mul3A_227 = arith.muli %scan3A_225, %mul3A_226 : i32
        %add3A_228 = arith.constant 0 : i32
        %add3A_229 = arith.addi %mul3A_227, %add3A_228 : i32
        %get3A = arith.index_cast %add3A_229 : i32 to index
        %get3A_230 = arith.constant 0 : index
        %get3A_231 = tpu.vector_load %arg6[%get3A, %get3A_230] {strides = array<i32>} : memref<200x128xf32, #tpu.memory_space<vmem>>, vector<1x16xf32>,
        %get3A_232 = vector.shape_cast %get3A_231 : vector<1x16xf32> to vector<16xf32>
        %add3A_233 = arith.constant 0 : i32
        %add3A_234 = arith.addi %mul3A_227, %add3A_233 : i32
        %swap3A = arith.index_cast %add3A_234 : i32 to index
        %swap3A_235 = arith.constant 0 : index
        %swap3A_236 = tpu.vector_load %arg8[%swap3A, %swap3A_235] {strides = array<i32>} : memref<200x64xf32, #tpu.memory_space<vmem>>, vector<1x16xf32>,
        %swap3A_237 = vector.shape_cast %swap3A_236 : vector<1x16xf32> to vector<16xf32>
        %swap3A_238 = vector.shape_cast %get3A_232 : vector<16xf32> to vector<1x16xf32>
        tpu.vector_store %arg8[%swap3A, %swap3A_235], %swap3A_238 {strides = array<i32>} : memref<200x64xf32, #tpu.memory_space<vmem>>, vector<1x16xf32>,
        %add3A_239 = arith.constant 0 : i32
        %add3A_240 = arith.addi %mul3A_227, %add3A_239 : i32
        %get3A_241 = arith.index_cast %add3A_240 : i32 to index
        %get3A_242 = arith.constant 16 : index
        %get3A_243 = tpu.vector_load %arg6[%get3A_241, %get3A_242] {strides = array<i32>} : memref<200x128xf32, #tpu.memory_space<vmem>>, vector<1x16xf32>,
        %get3A_244 = vector.shape_cast %get3A_243 : vector<1x16xf32> to vector<16xf32>
        %add3A_245 = arith.constant 0 : i32
        %add3A_246 = arith.addi %mul3A_227, %add3A_245 : i32
        %swap3A_247 = arith.index_cast %add3A_246 : i32 to index
        %swap3A_248 = arith.constant 16 : index
        %swap3A_249 = tpu.vector_load %arg8[%swap3A_247, %swap3A_248] {strides = array<i32>} : memref<200x64xf32, #tpu.memory_space<vmem>>, vector<1x16xf32>,
        %swap3A_250 = vector.shape_cast %swap3A_249 : vector<1x16xf32> to vector<16xf32>
        %swap3A_251 = vector.shape_cast %get3A_244 : vector<16xf32> to vector<1x16xf32>
        tpu.vector_store %arg8[%swap3A_247, %swap3A_248], %swap3A_251 {strides = array<i32>} : memref<200x64xf32, #tpu.memory_space<vmem>>, vector<1x16xf32>,
        %add3A_252 = arith.constant 0 : i32
        %add3A_253 = arith.addi %mul3A_227, %add3A_252 : i32
        %get3A_254 = arith.index_cast %add3A_253 : i32 to index
        %get3A_255 = arith.constant 32 : index
        %get3A_256 = tpu.vector_load %arg6[%get3A_254, %get3A_255] {strides = array<i32>} : memref<200x128xf32, #tpu.memory_space<vmem>>, vector<1x16xf32>,
        %get3A_257 = vector.shape_cast %get3A_256 : vector<1x16xf32> to vector<16xf32>
        %add3A_258 = arith.constant 0 : i32
        %add3A_259 = arith.addi %mul3A_227, %add3A_258 : i32
        %swap3A_260 = arith.index_cast %add3A_259 : i32 to index
        %swap3A_261 = arith.constant 32 : index
        %swap3A_262 = tpu.vector_load %arg8[%swap3A_260, %swap3A_261] {strides = array<i32>} : memref<200x64xf32, #tpu.memory_space<vmem>>, vector<1x16xf32>,
        %swap3A_263 = vector.shape_cast %swap3A_262 : vector<1x16xf32> to vector<16xf32>
        %swap3A_264 = vector.shape_cast %get3A_257 : vector<16xf32> to vector<1x16xf32>
        tpu.vector_store %arg8[%swap3A_260, %swap3A_261], %swap3A_264 {strides = array<i32>} : memref<200x64xf32, #tpu.memory_space<vmem>>, vector<1x16xf32>,
        %add3A_265 = arith.constant 0 : i32
        %add3A_266 = arith.addi %mul3A_227, %add3A_265 : i32
        %get3A_267 = arith.index_cast %add3A_266 : i32 to index
        %get3A_268 = arith.constant 48 : index
        %get3A_269 = tpu.vector_load %arg6[%get3A_267, %get3A_268] {strides = array<i32>} : memref<200x128xf32, #tpu.memory_space<vmem>>, vector<1x16xf32>,
        %get3A_270 = vector.shape_cast %get3A_269 : vector<1x16xf32> to vector<16xf32>
        %add3A_271 = arith.constant 0 : i32
        %add3A_272 = arith.addi %mul3A_227, %add3A_271 : i32
        %swap3A_273 = arith.index_cast %add3A_272 : i32 to index
        %swap3A_274 = arith.constant 48 : index
        %swap3A_275 = tpu.vector_load %arg8[%swap3A_273, %swap3A_274] {strides = array<i32>} : memref<200x64xf32, #tpu.memory_space<vmem>>, vector<1x16xf32>,
        %swap3A_276 = vector.shape_cast %swap3A_275 : vector<1x16xf32> to vector<16xf32>
        %swap3A_277 = vector.shape_cast %get3A_270 : vector<16xf32> to vector<1x16xf32>
        tpu.vector_store %arg8[%swap3A_273, %swap3A_274], %swap3A_277 {strides = array<i32>} : memref<200x64xf32, #tpu.memory_space<vmem>>, vector<1x16xf32>,
        %add3A_278 = arith.constant 1 : i32
        %add3A_279 = arith.addi %mul3A_227, %add3A_278 : i32
        %get3A_280 = arith.index_cast %add3A_279 : i32 to index
        %get3A_281 = arith.constant 0 : index
        %get3A_282 = tpu.vector_load %arg6[%get3A_280, %get3A_281] {strides = array<i32>} : memref<200x128xf32, #tpu.memory_space<vmem>>, vector<1x16xf32>,
        %get3A_283 = vector.shape_cast %get3A_282 : vector<1x16xf32> to vector<16xf32>
        %add3A_284 = arith.constant 1 : i32
        %add3A_285 = arith.addi %mul3A_227, %add3A_284 : i32
        %swap3A_286 = arith.index_cast %add3A_285 : i32 to index
        %swap3A_287 = arith.constant 0 : index
        %swap3A_288 = tpu.vector_load %arg8[%swap3A_286, %swap3A_287] {strides = array<i32>} : memref<200x64xf32, #tpu.memory_space<vmem>>, vector<1x16xf32>,
        %swap3A_289 = vector.shape_cast %swap3A_288 : vector<1x16xf32> to vector<16xf32>
        %swap3A_290 = vector.shape_cast %get3A_283 : vector<16xf32> to vector<1x16xf32>
        tpu.vector_store %arg8[%swap3A_286, %swap3A_287], %swap3A_290 {strides = array<i32>} : memref<200x64xf32, #tpu.memory_space<vmem>>, vector<1x16xf32>,
        %add3A_291 = arith.constant 1 : i32
        %add3A_292 = arith.addi %mul3A_227, %add3A_291 : i32
        %get3A_293 = arith.index_cast %add3A_292 : i32 to index
        %get3A_294 = arith.constant 16 : index
        %get3A_295 = tpu.vector_load %arg6[%get3A_293, %get3A_294] {strides = array<i32>} : memref<200x128xf32, #tpu.memory_space<vmem>>, vector<1x16xf32>,
        %get3A_296 = vector.shape_cast %get3A_295 : vector<1x16xf32> to vector<16xf32>
        %add3A_297 = arith.constant 1 : i32
        %add3A_298 = arith.addi %mul3A_227, %add3A_297 : i32
        %swap3A_299 = arith.index_cast %add3A_298 : i32 to index
        %swap3A_300 = arith.constant 16 : index
        %swap3A_301 = tpu.vector_load %arg8[%swap3A_299, %swap3A_300] {strides = array<i32>} : memref<200x64xf32, #tpu.memory_space<vmem>>, vector<1x16xf32>,
        %swap3A_302 = vector.shape_cast %swap3A_301 : vector<1x16xf32> to vector<16xf32>
        %swap3A_303 = vector.shape_cast %get3A_296 : vector<16xf32> to vector<1x16xf32>
        tpu.vector_store %arg8[%swap3A_299, %swap3A_300], %swap3A_303 {strides = array<i32>} : memref<200x64xf32, #tpu.memory_space<vmem>>, vector<1x16xf32>,
        %add3A_304 = arith.constant 1 : i32
        %add3A_305 = arith.addi %mul3A_227, %add3A_304 : i32
        %get3A_306 = arith.index_cast %add3A_305 : i32 to index
        %get3A_307 = arith.constant 32 : index
        %get3A_308 = tpu.vector_load %arg6[%get3A_306, %get3A_307] {strides = array<i32>} : memref<200x128xf32, #tpu.memory_space<vmem>>, vector<1x16xf32>,
        %get3A_309 = vector.shape_cast %get3A_308 : vector<1x16xf32> to vector<16xf32>
        %add3A_310 = arith.constant 1 : i32
        %add3A_311 = arith.addi %mul3A_227, %add3A_310 : i32
        %swap3A_312 = arith.index_cast %add3A_311 : i32 to index
        %swap3A_313 = arith.constant 32 : index
        %swap3A_314 = tpu.vector_load %arg8[%swap3A_312, %swap3A_313] {strides = array<i32>} : memref<200x64xf32, #tpu.memory_space<vmem>>, vector<1x16xf32>,
        %swap3A_315 = vector.shape_cast %swap3A_314 : vector<1x16xf32> to vector<16xf32>
        %swap3A_316 = vector.shape_cast %get3A_309 : vector<16xf32> to vector<1x16xf32>
        tpu.vector_store %arg8[%swap3A_312, %swap3A_313], %swap3A_316 {strides = array<i32>} : memref<200x64xf32, #tpu.memory_space<vmem>>, vector<1x16xf32>,
        %add3A_317 = arith.constant 1 : i32
        %add3A_318 = arith.addi %mul3A_227, %add3A_317 : i32
        %get3A_319 = arith.index_cast %add3A_318 : i32 to index
        %get3A_320 = arith.constant 48 : index
        %get3A_321 = tpu.vector_load %arg6[%get3A_319, %get3A_320] {strides = array<i32>} : memref<200x128xf32, #tpu.memory_space<vmem>>, vector<1x16xf32>,
        %get3A_322 = vector.shape_cast %get3A_321 : vector<1x16xf32> to vector<16xf32>
        %add3A_323 = arith.constant 1 : i32
        %add3A_324 = arith.addi %mul3A_227, %add3A_323 : i32
        %swap3A_325 = arith.index_cast %add3A_324 : i32 to index
        %swap3A_326 = arith.constant 48 : index
        %swap3A_327 = tpu.vector_load %arg8[%swap3A_325, %swap3A_326] {strides = array<i32>} : memref<200x64xf32, #tpu.memory_space<vmem>>, vector<1x16xf32>,
        %swap3A_328 = vector.shape_cast %swap3A_327 : vector<1x16xf32> to vector<16xf32>
        %swap3A_329 = vector.shape_cast %get3A_322 : vector<16xf32> to vector<1x16xf32>
        tpu.vector_store %arg8[%swap3A_325, %swap3A_326], %swap3A_329 {strides = array<i32>} : memref<200x64xf32, #tpu.memory_space<vmem>>, vector<1x16xf32>,
        %add3A_330 = arith.constant 2 : i32
        %add3A_331 = arith.addi %mul3A_227, %add3A_330 : i32
        %get3A_332 = arith.index_cast %add3A_331 : i32 to index
        %get3A_333 = arith.constant 0 : index
        %get3A_334 = tpu.vector_load %arg6[%get3A_332, %get3A_333] {strides = array<i32>} : memref<200x128xf32, #tpu.memory_space<vmem>>, vector<1x16xf32>,
        %get3A_335 = vector.shape_cast %get3A_334 : vector<1x16xf32> to vector<16xf32>
        %add3A_336 = arith.constant 2 : i32
        %add3A_337 = arith.addi %mul3A_227, %add3A_336 : i32
        %swap3A_338 = arith.index_cast %add3A_337 : i32 to index
        %swap3A_339 = arith.constant 0 : index
        %swap3A_340 = tpu.vector_load %arg8[%swap3A_338, %swap3A_339] {strides = array<i32>} : memref<200x64xf32, #tpu.memory_space<vmem>>, vector<1x16xf32>,
        %swap3A_341 = vector.shape_cast %swap3A_340 : vector<1x16xf32> to vector<16xf32>
        %swap3A_342 = vector.shape_cast %get3A_335 : vector<16xf32> to vector<1x16xf32>
        tpu.vector_store %arg8[%swap3A_338, %swap3A_339], %swap3A_342 {strides = array<i32>} : memref<200x64xf32, #tpu.memory_space<vmem>>, vector<1x16xf32>,
        %add3A_343 = arith.constant 2 : i32
        %add3A_344 = arith.addi %mul3A_227, %add3A_343 : i32
        %get3A_345 = arith.index_cast %add3A_344 : i32 to index
        %get3A_346 = arith.constant 16 : index
        %get3A_347 = tpu.vector_load %arg6[%get3A_345, %get3A_346] {strides = array<i32>} : memref<200x128xf32, #tpu.memory_space<vmem>>, vector<1x16xf32>,
        %get3A_348 = vector.shape_cast %get3A_347 : vector<1x16xf32> to vector<16xf32>
        %add3A_349 = arith.constant 2 : i32
        %add3A_350 = arith.addi %mul3A_227, %add3A_349 : i32
        %swap3A_351 = arith.index_cast %add3A_350 : i32 to index
        %swap3A_352 = arith.constant 16 : index
        %swap3A_353 = tpu.vector_load %arg8[%swap3A_351, %swap3A_352] {strides = array<i32>} : memref<200x64xf32, #tpu.memory_space<vmem>>, vector<1x16xf32>,
        %swap3A_354 = vector.shape_cast %swap3A_353 : vector<1x16xf32> to vector<16xf32>
        %swap3A_355 = vector.shape_cast %get3A_348 : vector<16xf32> to vector<1x16xf32>
        tpu.vector_store %arg8[%swap3A_351, %swap3A_352], %swap3A_355 {strides = array<i32>} : memref<200x64xf32, #tpu.memory_space<vmem>>, vector<1x16xf32>,
        %add3A_356 = arith.constant 2 : i32
        %add3A_357 = arith.addi %mul3A_227, %add3A_356 : i32
        %get3A_358 = arith.index_cast %add3A_357 : i32 to index
        %get3A_359 = arith.constant 32 : index
        %get3A_360 = tpu.vector_load %arg6[%get3A_358, %get3A_359] {strides = array<i32>} : memref<200x128xf32, #tpu.memory_space<vmem>>, vector<1x16xf32>,
        %get3A_361 = vector.shape_cast %get3A_360 : vector<1x16xf32> to vector<16xf32>
        %add3A_362 = arith.constant 2 : i32
        %add3A_363 = arith.addi %mul3A_227, %add3A_362 : i32
        %swap3A_364 = arith.index_cast %add3A_363 : i32 to index
        %swap3A_365 = arith.constant 32 : index
        %swap3A_366 = tpu.vector_load %arg8[%swap3A_364, %swap3A_365] {strides = array<i32>} : memref<200x64xf32, #tpu.memory_space<vmem>>, vector<1x16xf32>,
        %swap3A_367 = vector.shape_cast %swap3A_366 : vector<1x16xf32> to vector<16xf32>
        %swap3A_368 = vector.shape_cast %get3A_361 : vector<16xf32> to vector<1x16xf32>
        tpu.vector_store %arg8[%swap3A_364, %swap3A_365], %swap3A_368 {strides = array<i32>} : memref<200x64xf32, #tpu.memory_space<vmem>>, vector<1x16xf32>,
        %add3A_369 = arith.constant 2 : i32
        %add3A_370 = arith.addi %mul3A_227, %add3A_369 : i32
        %get3A_371 = arith.index_cast %add3A_370 : i32 to index
        %get3A_372 = arith.constant 48 : index
        %get3A_373 = tpu.vector_load %arg6[%get3A_371, %get3A_372] {strides = array<i32>} : memref<200x128xf32, #tpu.memory_space<vmem>>, vector<1x16xf32>,
        %get3A_374 = vector.shape_cast %get3A_373 : vector<1x16xf32> to vector<16xf32>
        %add3A_375 = arith.constant 2 : i32
        %add3A_376 = arith.addi %mul3A_227, %add3A_375 : i32
        %swap3A_377 = arith.index_cast %add3A_376 : i32 to index
        %swap3A_378 = arith.constant 48 : index
        %swap3A_379 = tpu.vector_load %arg8[%swap3A_377, %swap3A_378] {strides = array<i32>} : memref<200x64xf32, #tpu.memory_space<vmem>>, vector<1x16xf32>,
        %swap3A_380 = vector.shape_cast %swap3A_379 : vector<1x16xf32> to vector<16xf32>
        %swap3A_381 = vector.shape_cast %get3A_374 : vector<16xf32> to vector<1x16xf32>
        tpu.vector_store %arg8[%swap3A_377, %swap3A_378], %swap3A_381 {strides = array<i32>} : memref<200x64xf32, #tpu.memory_space<vmem>>, vector<1x16xf32>,
        %add3A_382 = arith.constant 3 : i32
        %add3A_383 = arith.addi %mul3A_227, %add3A_382 : i32
        %get3A_384 = arith.index_cast %add3A_383 : i32 to index
        %get3A_385 = arith.constant 0 : index
        %get3A_386 = tpu.vector_load %arg6[%get3A_384, %get3A_385] {strides = array<i32>} : memref<200x128xf32, #tpu.memory_space<vmem>>, vector<1x16xf32>,
        %get3A_387 = vector.shape_cast %get3A_386 : vector<1x16xf32> to vector<16xf32>
        %add3A_388 = arith.constant 3 : i32
        %add3A_389 = arith.addi %mul3A_227, %add3A_388 : i32
        %swap3A_390 = arith.index_cast %add3A_389 : i32 to index
        %swap3A_391 = arith.constant 0 : index
        %swap3A_392 = tpu.vector_load %arg8[%swap3A_390, %swap3A_391] {strides = array<i32>} : memref<200x64xf32, #tpu.memory_space<vmem>>, vector<1x16xf32>,
        %swap3A_393 = vector.shape_cast %swap3A_392 : vector<1x16xf32> to vector<16xf32>
        %swap3A_394 = vector.shape_cast %get3A_387 : vector<16xf32> to vector<1x16xf32>
        tpu.vector_store %arg8[%swap3A_390, %swap3A_391], %swap3A_394 {strides = array<i32>} : memref<200x64xf32, #tpu.memory_space<vmem>>, vector<1x16xf32>,
        %add3A_395 = arith.constant 3 : i32
        %add3A_396 = arith.addi %mul3A_227, %add3A_395 : i32
        %get3A_397 = arith.index_cast %add3A_396 : i32 to index
        %get3A_398 = arith.constant 16 : index
        %get3A_399 = tpu.vector_load %arg6[%get3A_397, %get3A_398] {strides = array<i32>} : memref<200x128xf32, #tpu.memory_space<vmem>>, vector<1x16xf32>,
        %get3A_400 = vector.shape_cast %get3A_399 : vector<1x16xf32> to vector<16xf32>
        %add3A_401 = arith.constant 3 : i32
        %add3A_402 = arith.addi %mul3A_227, %add3A_401 : i32
        %swap3A_403 = arith.index_cast %add3A_402 : i32 to index
        %swap3A_404 = arith.constant 16 : index
        %swap3A_405 = tpu.vector_load %arg8[%swap3A_403, %swap3A_404] {strides = array<i32>} : memref<200x64xf32, #tpu.memory_space<vmem>>, vector<1x16xf32>,
        %swap3A_406 = vector.shape_cast %swap3A_405 : vector<1x16xf32> to vector<16xf32>
        %swap3A_407 = vector.shape_cast %get3A_400 : vector<16xf32> to vector<1x16xf32>
        tpu.vector_store %arg8[%swap3A_403, %swap3A_404], %swap3A_407 {strides = array<i32>} : memref<200x64xf32, #tpu.memory_space<vmem>>, vector<1x16xf32>,
        %add3A_408 = arith.constant 3 : i32
        %add3A_409 = arith.addi %mul3A_227, %add3A_408 : i32
        %get3A_410 = arith.index_cast %add3A_409 : i32 to index
        %get3A_411 = arith.constant 32 : index
        %get3A_412 = tpu.vector_load %arg6[%get3A_410, %get3A_411] {strides = array<i32>} : memref<200x128xf32, #tpu.memory_space<vmem>>, vector<1x16xf32>,
        %get3A_413 = vector.shape_cast %get3A_412 : vector<1x16xf32> to vector<16xf32>
        %add3A_414 = arith.constant 3 : i32
        %add3A_415 = arith.addi %mul3A_227, %add3A_414 : i32
        %swap3A_416 = arith.index_cast %add3A_415 : i32 to index
        %swap3A_417 = arith.constant 32 : index
        %swap3A_418 = tpu.vector_load %arg8[%swap3A_416, %swap3A_417] {strides = array<i32>} : memref<200x64xf32, #tpu.memory_space<vmem>>, vector<1x16xf32>,
        %swap3A_419 = vector.shape_cast %swap3A_418 : vector<1x16xf32> to vector<16xf32>
        %swap3A_420 = vector.shape_cast %get3A_413 : vector<16xf32> to vector<1x16xf32>
        tpu.vector_store %arg8[%swap3A_416, %swap3A_417], %swap3A_420 {strides = array<i32>} : memref<200x64xf32, #tpu.memory_space<vmem>>, vector<1x16xf32>,
        %add3A_421 = arith.constant 3 : i32
        %add3A_422 = arith.addi %mul3A_227, %add3A_421 : i32
        %get3A_423 = arith.index_cast %add3A_422 : i32 to index
        %get3A_424 = arith.constant 48 : index
        %get3A_425 = tpu.vector_load %arg6[%get3A_423, %get3A_424] {strides = array<i32>} : memref<200x128xf32, #tpu.memory_space<vmem>>, vector<1x16xf32>,
        %get3A_426 = vector.shape_cast %get3A_425 : vector<1x16xf32> to vector<16xf32>
        %add3A_427 = arith.constant 3 : i32
        %add3A_428 = arith.addi %mul3A_227, %add3A_427 : i32
        %swap3A_429 = arith.index_cast %add3A_428 : i32 to index
        %swap3A_430 = arith.constant 48 : index
        %swap3A_431 = tpu.vector_load %arg8[%swap3A_429, %swap3A_430] {strides = array<i32>} : memref<200x64xf32, #tpu.memory_space<vmem>>, vector<1x16xf32>,
        %swap3A_432 = vector.shape_cast %swap3A_431 : vector<1x16xf32> to vector<16xf32>
        %swap3A_433 = vector.shape_cast %get3A_426 : vector<16xf32> to vector<1x16xf32>
        tpu.vector_store %arg8[%swap3A_429, %swap3A_430], %swap3A_433 {strides = array<i32>} : memref<200x64xf32, #tpu.memory_space<vmem>>, vector<1x16xf32>,
        %add3A_434 = arith.constant 4 : i32
        %add3A_435 = arith.addi %mul3A_227, %add3A_434 : i32
        %get3A_436 = arith.index_cast %add3A_435 : i32 to index
        %get3A_437 = arith.constant 0 : index
        %get3A_438 = tpu.vector_load %arg6[%get3A_436, %get3A_437] {strides = array<i32>} : memref<200x128xf32, #tpu.memory_space<vmem>>, vector<1x16xf32>,
        %get3A_439 = vector.shape_cast %get3A_438 : vector<1x16xf32> to vector<16xf32>
        %add3A_440 = arith.constant 4 : i32
        %add3A_441 = arith.addi %mul3A_227, %add3A_440 : i32
        %swap3A_442 = arith.index_cast %add3A_441 : i32 to index
        %swap3A_443 = arith.constant 0 : index
        %swap3A_444 = tpu.vector_load %arg8[%swap3A_442, %swap3A_443] {strides = array<i32>} : memref<200x64xf32, #tpu.memory_space<vmem>>, vector<1x16xf32>,
        %swap3A_445 = vector.shape_cast %swap3A_444 : vector<1x16xf32> to vector<16xf32>
        %swap3A_446 = vector.shape_cast %get3A_439 : vector<16xf32> to vector<1x16xf32>
        tpu.vector_store %arg8[%swap3A_442, %swap3A_443], %swap3A_446 {strides = array<i32>} : memref<200x64xf32, #tpu.memory_space<vmem>>, vector<1x16xf32>,
        %add3A_447 = arith.constant 4 : i32
        %add3A_448 = arith.addi %mul3A_227, %add3A_447 : i32
        %get3A_449 = arith.index_cast %add3A_448 : i32 to index
        %get3A_450 = arith.constant 16 : index
        %get3A_451 = tpu.vector_load %arg6[%get3A_449, %get3A_450] {strides = array<i32>} : memref<200x128xf32, #tpu.memory_space<vmem>>, vector<1x16xf32>,
        %get3A_452 = vector.shape_cast %get3A_451 : vector<1x16xf32> to vector<16xf32>
        %add3A_453 = arith.constant 4 : i32
        %add3A_454 = arith.addi %mul3A_227, %add3A_453 : i32
        %swap3A_455 = arith.index_cast %add3A_454 : i32 to index
        %swap3A_456 = arith.constant 16 : index
        %swap3A_457 = tpu.vector_load %arg8[%swap3A_455, %swap3A_456] {strides = array<i32>} : memref<200x64xf32, #tpu.memory_space<vmem>>, vector<1x16xf32>,
        %swap3A_458 = vector.shape_cast %swap3A_457 : vector<1x16xf32> to vector<16xf32>
        %swap3A_459 = vector.shape_cast %get3A_452 : vector<16xf32> to vector<1x16xf32>
        tpu.vector_store %arg8[%swap3A_455, %swap3A_456], %swap3A_459 {strides = array<i32>} : memref<200x64xf32, #tpu.memory_space<vmem>>, vector<1x16xf32>,
        %add3A_460 = arith.constant 4 : i32
        %add3A_461 = arith.addi %mul3A_227, %add3A_460 : i32
        %get3A_462 = arith.index_cast %add3A_461 : i32 to index
        %get3A_463 = arith.constant 32 : index
        %get3A_464 = tpu.vector_load %arg6[%get3A_462, %get3A_463] {strides = array<i32>} : memref<200x128xf32, #tpu.memory_space<vmem>>, vector<1x16xf32>,
        %get3A_465 = vector.shape_cast %get3A_464 : vector<1x16xf32> to vector<16xf32>
        %add3A_466 = arith.constant 4 : i32
        %add3A_467 = arith.addi %mul3A_227, %add3A_466 : i32
        %swap3A_468 = arith.index_cast %add3A_467 : i32 to index
        %swap3A_469 = arith.constant 32 : index
        %swap3A_470 = tpu.vector_load %arg8[%swap3A_468, %swap3A_469] {strides = array<i32>} : memref<200x64xf32, #tpu.memory_space<vmem>>, vector<1x16xf32>,
        %swap3A_471 = vector.shape_cast %swap3A_470 : vector<1x16xf32> to vector<16xf32>
        %swap3A_472 = vector.shape_cast %get3A_465 : vector<16xf32> to vector<1x16xf32>
        tpu.vector_store %arg8[%swap3A_468, %swap3A_469], %swap3A_472 {strides = array<i32>} : memref<200x64xf32, #tpu.memory_space<vmem>>, vector<1x16xf32>,
        %add3A_473 = arith.constant 4 : i32
        %add3A_474 = arith.addi %mul3A_227, %add3A_473 : i32
        %get3A_475 = arith.index_cast %add3A_474 : i32 to index
        %get3A_476 = arith.constant 48 : index
        %get3A_477 = tpu.vector_load %arg6[%get3A_475, %get3A_476] {strides = array<i32>} : memref<200x128xf32, #tpu.memory_space<vmem>>, vector<1x16xf32>,
        %get3A_478 = vector.shape_cast %get3A_477 : vector<1x16xf32> to vector<16xf32>
        %add3A_479 = arith.constant 4 : i32
        %add3A_480 = arith.addi %mul3A_227, %add3A_479 : i32
        %swap3A_481 = arith.index_cast %add3A_480 : i32 to index
        %swap3A_482 = arith.constant 48 : index
        %swap3A_483 = tpu.vector_load %arg8[%swap3A_481, %swap3A_482] {strides = array<i32>} : memref<200x64xf32, #tpu.memory_space<vmem>>, vector<1x16xf32>,
        %swap3A_484 = vector.shape_cast %swap3A_483 : vector<1x16xf32> to vector<16xf32>
        %swap3A_485 = vector.shape_cast %get3A_478 : vector<16xf32> to vector<1x16xf32>
        tpu.vector_store %arg8[%swap3A_481, %swap3A_482], %swap3A_485 {strides = array<i32>} : memref<200x64xf32, #tpu.memory_space<vmem>>, vector<1x16xf32>,
        %add3A_486 = arith.constant 5 : i32
        %add3A_487 = arith.addi %mul3A_227, %add3A_486 : i32
        %get3A_488 = arith.index_cast %add3A_487 : i32 to index
        %get3A_489 = arith.constant 0 : index
        %get3A_490 = tpu.vector_load %arg6[%get3A_488, %get3A_489] {strides = array<i32>} : memref<200x128xf32, #tpu.memory_space<vmem>>, vector<1x16xf32>,
        %get3A_491 = vector.shape_cast %get3A_490 : vector<1x16xf32> to vector<16xf32>
        %add3A_492 = arith.constant 5 : i32
        %add3A_493 = arith.addi %mul3A_227, %add3A_492 : i32
        %swap3A_494 = arith.index_cast %add3A_493 : i32 to index
        %swap3A_495 = arith.constant 0 : index
        %swap3A_496 = tpu.vector_load %arg8[%swap3A_494, %swap3A_495] {strides = array<i32>} : memref<200x64xf32, #tpu.memory_space<vmem>>, vector<1x16xf32>,
        %swap3A_497 = vector.shape_cast %swap3A_496 : vector<1x16xf32> to vector<16xf32>
        %swap3A_498 = vector.shape_cast %get3A_491 : vector<16xf32> to vector<1x16xf32>
        tpu.vector_store %arg8[%swap3A_494, %swap3A_495], %swap3A_498 {strides = array<i32>} : memref<200x64xf32, #tpu.memory_space<vmem>>, vector<1x16xf32>,
        %add3A_499 = arith.constant 5 : i32
        %add3A_500 = arith.addi %mul3A_227, %add3A_499 : i32
        %get3A_501 = arith.index_cast %add3A_500 : i32 to index
        %get3A_502 = arith.constant 16 : index
        %get3A_503 = tpu.vector_load %arg6[%get3A_501, %get3A_502] {strides = array<i32>} : memref<200x128xf32, #tpu.memory_space<vmem>>, vector<1x16xf32>,
        %get3A_504 = vector.shape_cast %get3A_503 : vector<1x16xf32> to vector<16xf32>
        %add3A_505 = arith.constant 5 : i32
        %add3A_506 = arith.addi %mul3A_227, %add3A_505 : i32
        %swap3A_507 = arith.index_cast %add3A_506 : i32 to index
        %swap3A_508 = arith.constant 16 : index
        %swap3A_509 = tpu.vector_load %arg8[%swap3A_507, %swap3A_508] {strides = array<i32>} : memref<200x64xf32, #tpu.memory_space<vmem>>, vector<1x16xf32>,
        %swap3A_510 = vector.shape_cast %swap3A_509 : vector<1x16xf32> to vector<16xf32>
        %swap3A_511 = vector.shape_cast %get3A_504 : vector<16xf32> to vector<1x16xf32>
        tpu.vector_store %arg8[%swap3A_507, %swap3A_508], %swap3A_511 {strides = array<i32>} : memref<200x64xf32, #tpu.memory_space<vmem>>, vector<1x16xf32>,
        %add3A_512 = arith.constant 5 : i32
        %add3A_513 = arith.addi %mul3A_227, %add3A_512 : i32
        %get3A_514 = arith.index_cast %add3A_513 : i32 to index
        %get3A_515 = arith.constant 32 : index
        %get3A_516 = tpu.vector_load %arg6[%get3A_514, %get3A_515] {strides = array<i32>} : memref<200x128xf32, #tpu.memory_space<vmem>>, vector<1x16xf32>,
        %get3A_517 = vector.shape_cast %get3A_516 : vector<1x16xf32> to vector<16xf32>
        %add3A_518 = arith.constant 5 : i32
        %add3A_519 = arith.addi %mul3A_227, %add3A_518 : i32
        %swap3A_520 = arith.index_cast %add3A_519 : i32 to index
        %swap3A_521 = arith.constant 32 : index
        %swap3A_522 = tpu.vector_load %arg8[%swap3A_520, %swap3A_521] {strides = array<i32>} : memref<200x64xf32, #tpu.memory_space<vmem>>, vector<1x16xf32>,
        %swap3A_523 = vector.shape_cast %swap3A_522 : vector<1x16xf32> to vector<16xf32>
        %swap3A_524 = vector.shape_cast %get3A_517 : vector<16xf32> to vector<1x16xf32>
        tpu.vector_store %arg8[%swap3A_520, %swap3A_521], %swap3A_524 {strides = array<i32>} : memref<200x64xf32, #tpu.memory_space<vmem>>, vector<1x16xf32>,
        %add3A_525 = arith.constant 5 : i32
        %add3A_526 = arith.addi %mul3A_227, %add3A_525 : i32
        %get3A_527 = arith.index_cast %add3A_526 : i32 to index
        %get3A_528 = arith.constant 48 : index
        %get3A_529 = tpu.vector_load %arg6[%get3A_527, %get3A_528] {strides = array<i32>} : memref<200x128xf32, #tpu.memory_space<vmem>>, vector<1x16xf32>,
        %get3A_530 = vector.shape_cast %get3A_529 : vector<1x16xf32> to vector<16xf32>
        %add3A_531 = arith.constant 5 : i32
        %add3A_532 = arith.addi %mul3A_227, %add3A_531 : i32
        %swap3A_533 = arith.index_cast %add3A_532 : i32 to index
        %swap3A_534 = arith.constant 48 : index
        %swap3A_535 = tpu.vector_load %arg8[%swap3A_533, %swap3A_534] {strides = array<i32>} : memref<200x64xf32, #tpu.memory_space<vmem>>, vector<1x16xf32>,
        %swap3A_536 = vector.shape_cast %swap3A_535 : vector<1x16xf32> to vector<16xf32>
        %swap3A_537 = vector.shape_cast %get3A_530 : vector<16xf32> to vector<1x16xf32>
        tpu.vector_store %arg8[%swap3A_533, %swap3A_534], %swap3A_537 {strides = array<i32>} : memref<200x64xf32, #tpu.memory_space<vmem>>, vector<1x16xf32>,
        %add3A_538 = arith.constant 6 : i32
        %add3A_539 = arith.addi %mul3A_227, %add3A_538 : i32
        %get3A_540 = arith.index_cast %add3A_539 : i32 to index
        %get3A_541 = arith.constant 0 : index
        %get3A_542 = tpu.vector_load %arg6[%get3A_540, %get3A_541] {strides = array<i32>} : memref<200x128xf32, #tpu.memory_space<vmem>>, vector<1x16xf32>,
        %get3A_543 = vector.shape_cast %get3A_542 : vector<1x16xf32> to vector<16xf32>
        %add3A_544 = arith.constant 6 : i32
        %add3A_545 = arith.addi %mul3A_227, %add3A_544 : i32
        %swap3A_546 = arith.index_cast %add3A_545 : i32 to index
        %swap3A_547 = arith.constant 0 : index
        %swap3A_548 = tpu.vector_load %arg8[%swap3A_546, %swap3A_547] {strides = array<i32>} : memref<200x64xf32, #tpu.memory_space<vmem>>, vector<1x16xf32>,
        %swap3A_549 = vector.shape_cast %swap3A_548 : vector<1x16xf32> to vector<16xf32>
        %swap3A_550 = vector.shape_cast %get3A_543 : vector<16xf32> to vector<1x16xf32>
        tpu.vector_store %arg8[%swap3A_546, %swap3A_547], %swap3A_550 {strides = array<i32>} : memref<200x64xf32, #tpu.memory_space<vmem>>, vector<1x16xf32>,
        %add3A_551 = arith.constant 6 : i32
        %add3A_552 = arith.addi %mul3A_227, %add3A_551 : i32
        %get3A_553 = arith.index_cast %add3A_552 : i32 to index
        %get3A_554 = arith.constant 16 : index
        %get3A_555 = tpu.vector_load %arg6[%get3A_553, %get3A_554] {strides = array<i32>} : memref<200x128xf32, #tpu.memory_space<vmem>>, vector<1x16xf32>,
        %get3A_556 = vector.shape_cast %get3A_555 : vector<1x16xf32> to vector<16xf32>
        %add3A_557 = arith.constant 6 : i32
        %add3A_558 = arith.addi %mul3A_227, %add3A_557 : i32
        %swap3A_559 = arith.index_cast %add3A_558 : i32 to index
        %swap3A_560 = arith.constant 16 : index
        %swap3A_561 = tpu.vector_load %arg8[%swap3A_559, %swap3A_560] {strides = array<i32>} : memref<200x64xf32, #tpu.memory_space<vmem>>, vector<1x16xf32>,
        %swap3A_562 = vector.shape_cast %swap3A_561 : vector<1x16xf32> to vector<16xf32>
        %swap3A_563 = vector.shape_cast %get3A_556 : vector<16xf32> to vector<1x16xf32>
        tpu.vector_store %arg8[%swap3A_559, %swap3A_560], %swap3A_563 {strides = array<i32>} : memref<200x64xf32, #tpu.memory_space<vmem>>, vector<1x16xf32>,
        %add3A_564 = arith.constant 6 : i32
        %add3A_565 = arith.addi %mul3A_227, %add3A_564 : i32
        %get3A_566 = arith.index_cast %add3A_565 : i32 to index
        %get3A_567 = arith.constant 32 : index
        %get3A_568 = tpu.vector_load %arg6[%get3A_566, %get3A_567] {strides = array<i32>} : memref<200x128xf32, #tpu.memory_space<vmem>>, vector<1x16xf32>,
        %get3A_569 = vector.shape_cast %get3A_568 : vector<1x16xf32> to vector<16xf32>
        %add3A_570 = arith.constant 6 : i32
        %add3A_571 = arith.addi %mul3A_227, %add3A_570 : i32
        %swap3A_572 = arith.index_cast %add3A_571 : i32 to index
        %swap3A_573 = arith.constant 32 : index
        %swap3A_574 = tpu.vector_load %arg8[%swap3A_572, %swap3A_573] {strides = array<i32>} : memref<200x64xf32, #tpu.memory_space<vmem>>, vector<1x16xf32>,
        %swap3A_575 = vector.shape_cast %swap3A_574 : vector<1x16xf32> to vector<16xf32>
        %swap3A_576 = vector.shape_cast %get3A_569 : vector<16xf32> to vector<1x16xf32>
        tpu.vector_store %arg8[%swap3A_572, %swap3A_573], %swap3A_576 {strides = array<i32>} : memref<200x64xf32, #tpu.memory_space<vmem>>, vector<1x16xf32>,
        %add3A_577 = arith.constant 6 : i32
        %add3A_578 = arith.addi %mul3A_227, %add3A_577 : i32
        %get3A_579 = arith.index_cast %add3A_578 : i32 to index
        %get3A_580 = arith.constant 48 : index
        %get3A_581 = tpu.vector_load %arg6[%get3A_579, %get3A_580] {strides = array<i32>} : memref<200x128xf32, #tpu.memory_space<vmem>>, vector<1x16xf32>,
        %get3A_582 = vector.shape_cast %get3A_581 : vector<1x16xf32> to vector<16xf32>
        %add3A_583 = arith.constant 6 : i32
        %add3A_584 = arith.addi %mul3A_227, %add3A_583 : i32
        %swap3A_585 = arith.index_cast %add3A_584 : i32 to index
        %swap3A_586 = arith.constant 48 : index
        %swap3A_587 = tpu.vector_load %arg8[%swap3A_585, %swap3A_586] {strides = array<i32>} : memref<200x64xf32, #tpu.memory_space<vmem>>, vector<1x16xf32>,
        %swap3A_588 = vector.shape_cast %swap3A_587 : vector<1x16xf32> to vector<16xf32>
        %swap3A_589 = vector.shape_cast %get3A_582 : vector<16xf32> to vector<1x16xf32>
        tpu.vector_store %arg8[%swap3A_585, %swap3A_586], %swap3A_589 {strides = array<i32>} : memref<200x64xf32, #tpu.memory_space<vmem>>, vector<1x16xf32>,
        %add3A_590 = arith.constant 7 : i32
        %add3A_591 = arith.addi %mul3A_227, %add3A_590 : i32
        %get3A_592 = arith.index_cast %add3A_591 : i32 to index
        %get3A_593 = arith.constant 0 : index
        %get3A_594 = tpu.vector_load %arg6[%get3A_592, %get3A_593] {strides = array<i32>} : memref<200x128xf32, #tpu.memory_space<vmem>>, vector<1x16xf32>,
        %get3A_595 = vector.shape_cast %get3A_594 : vector<1x16xf32> to vector<16xf32>
        %add3A_596 = arith.constant 7 : i32
        %add3A_597 = arith.addi %mul3A_227, %add3A_596 : i32
        %swap3A_598 = arith.index_cast %add3A_597 : i32 to index
        %swap3A_599 = arith.constant 0 : index
        %swap3A_600 = tpu.vector_load %arg8[%swap3A_598, %swap3A_599] {strides = array<i32>} : memref<200x64xf32, #tpu.memory_space<vmem>>, vector<1x16xf32>,
        %swap3A_601 = vector.shape_cast %swap3A_600 : vector<1x16xf32> to vector<16xf32>
        %swap3A_602 = vector.shape_cast %get3A_595 : vector<16xf32> to vector<1x16xf32>
        tpu.vector_store %arg8[%swap3A_598, %swap3A_599], %swap3A_602 {strides = array<i32>} : memref<200x64xf32, #tpu.memory_space<vmem>>, vector<1x16xf32>,
        %add3A_603 = arith.constant 7 : i32
        %add3A_604 = arith.addi %mul3A_227, %add3A_603 : i32
        %get3A_605 = arith.index_cast %add3A_604 : i32 to index
        %get3A_606 = arith.constant 16 : index
        %get3A_607 = tpu.vector_load %arg6[%get3A_605, %get3A_606] {strides = array<i32>} : memref<200x128xf32, #tpu.memory_space<vmem>>, vector<1x16xf32>,
        %get3A_608 = vector.shape_cast %get3A_607 : vector<1x16xf32> to vector<16xf32>
        %add3A_609 = arith.constant 7 : i32
        %add3A_610 = arith.addi %mul3A_227, %add3A_609 : i32
        %swap3A_611 = arith.index_cast %add3A_610 : i32 to index
        %swap3A_612 = arith.constant 16 : index
        %swap3A_613 = tpu.vector_load %arg8[%swap3A_611, %swap3A_612] {strides = array<i32>} : memref<200x64xf32, #tpu.memory_space<vmem>>, vector<1x16xf32>,
        %swap3A_614 = vector.shape_cast %swap3A_613 : vector<1x16xf32> to vector<16xf32>
        %swap3A_615 = vector.shape_cast %get3A_608 : vector<16xf32> to vector<1x16xf32>
        tpu.vector_store %arg8[%swap3A_611, %swap3A_612], %swap3A_615 {strides = array<i32>} : memref<200x64xf32, #tpu.memory_space<vmem>>, vector<1x16xf32>,
        %add3A_616 = arith.constant 7 : i32
        %add3A_617 = arith.addi %mul3A_227, %add3A_616 : i32
        %get3A_618 = arith.index_cast %add3A_617 : i32 to index
        %get3A_619 = arith.constant 32 : index
        %get3A_620 = tpu.vector_load %arg6[%get3A_618, %get3A_619] {strides = array<i32>} : memref<200x128xf32, #tpu.memory_space<vmem>>, vector<1x16xf32>,
        %get3A_621 = vector.shape_cast %get3A_620 : vector<1x16xf32> to vector<16xf32>
        %add3A_622 = arith.constant 7 : i32
        %add3A_623 = arith.addi %mul3A_227, %add3A_622 : i32
        %swap3A_624 = arith.index_cast %add3A_623 : i32 to index
        %swap3A_625 = arith.constant 32 : index
        %swap3A_626 = tpu.vector_load %arg8[%swap3A_624, %swap3A_625] {strides = array<i32>} : memref<200x64xf32, #tpu.memory_space<vmem>>, vector<1x16xf32>,
        %swap3A_627 = vector.shape_cast %swap3A_626 : vector<1x16xf32> to vector<16xf32>
        %swap3A_628 = vector.shape_cast %get3A_621 : vector<16xf32> to vector<1x16xf32>
        tpu.vector_store %arg8[%swap3A_624, %swap3A_625], %swap3A_628 {strides = array<i32>} : memref<200x64xf32, #tpu.memory_space<vmem>>, vector<1x16xf32>,
        %add3A_629 = arith.constant 7 : i32
        %add3A_630 = arith.addi %mul3A_227, %add3A_629 : i32
        %get3A_631 = arith.index_cast %add3A_630 : i32 to index
        %get3A_632 = arith.constant 48 : index
        %get3A_633 = tpu.vector_load %arg6[%get3A_631, %get3A_632] {strides = array<i32>} : memref<200x128xf32, #tpu.memory_space<vmem>>, vector<1x16xf32>,
        %get3A_634 = vector.shape_cast %get3A_633 : vector<1x16xf32> to vector<16xf32>
        %add3A_635 = arith.constant 7 : i32
        %add3A_636 = arith.addi %mul3A_227, %add3A_635 : i32
        %swap3A_637 = arith.index_cast %add3A_636 : i32 to index
        %swap3A_638 = arith.constant 48 : index
        %swap3A_639 = tpu.vector_load %arg8[%swap3A_637, %swap3A_638] {strides = array<i32>} : memref<200x64xf32, #tpu.memory_space<vmem>>, vector<1x16xf32>,
        %swap3A_640 = vector.shape_cast %swap3A_639 : vector<1x16xf32> to vector<16xf32>
        %swap3A_641 = vector.shape_cast %get3A_634 : vector<16xf32> to vector<1x16xf32>
        tpu.vector_store %arg8[%swap3A_637, %swap3A_638], %swap3A_641 {strides = array<i32>} : memref<200x64xf32, #tpu.memory_space<vmem>>, vector<1x16xf32>,
      }
      %scan3A_167 = arith.constant 25 : i32
      %add3A_168 = arith.constant 2 : i32
      %add3A_169 = arith.addi %add3A_148, %add3A_168 : i32
      %mul3A_170 = arith.constant 200 : i32
      %mul3A_171 = arith.muli %add3A_169, %mul3A_170 : i32
      %dma_start3A_172 = tpu.memref_slice %arg5[%mul3A_171] : memref<25600xi32, #tpu.memory_space<vmem>> -> memref<200xi32, #tpu.memory_space<vmem>>
      %dma_start3A_173 = arith.constant 0 : i32
      %dma_start3A_174 = arith.constant 0 : i32
      %dma_start3A_175 = tpu.memref_slice %arg3[%dma_start3A_173, %dma_start3A_174] : memref<100000x128xf32, #tpu.memory_space<hbm>> -> memref<100000x128xf32, #tpu.memory_space<hbm>>
      tpu.enqueue_indirect_dma source(%dma_start3A_175 : memref<100000x128xf32, #tpu.memory_space<hbm>>) target(%arg6 : memref<200x128xf32, #tpu.memory_space<vmem>>) offsets(%dma_start3A_172 : memref<200xi32, #tpu.memory_space<vmem>>) semaphore(%arg10 : memref<!tpu.dma_semaphore, #tpu.memory_space<semaphore_mem>>)
      %add3A_176 = arith.addi %mul3A_4, %add3A_148 : i32
      %dma_start3A_177 = arith.constant 0 : i32
      %dma_start3A_178 = arith.constant 0 : i32
      %dma_start3A_179 = tpu.memref_slice %arg4[%add3A_176, %dma_start3A_177, %dma_start3A_178] : memref<4096x200x64xf32, #tpu.memory_space<hbm>> -> memref<1x200x64xf32, #tpu.memory_space<hbm>>
      %dma_start3A_180 = tpu.memref_squeeze %dma_start3A_179 : memref<1x200x64xf32, #tpu.memory_space<hbm>> -> memref<200x64xf32, #tpu.memory_space<hbm>>
      %dma_start3A_181 = arith.constant 0 : i32
      %dma_start3A_182 = arith.constant 0 : i32
      %dma_start3A_183 = tpu.memref_slice %arg4[%add3A_176, %dma_start3A_181, %dma_start3A_182] : memref<4096x200x64xf32, #tpu.memory_space<hbm>> -> memref<1x200x64xf32, #tpu.memory_space<hbm>>
      %dma_start3A_184 = tpu.memref_squeeze %dma_start3A_183 : memref<1x200x64xf32, #tpu.memory_space<hbm>> -> memref<200x64xf32, #tpu.memory_space<hbm>>
      tpu.enqueue_dma source(%arg8 : memref<200x64xf32, #tpu.memory_space<vmem>>) target(%dma_start3A_184 : memref<200x64xf32, #tpu.memory_space<hbm>>) target_semaphore(%arg11 : memref<!tpu.dma_semaphore, #tpu.memory_space<semaphore_mem>>)
      %mul3A_185 = arith.constant 2 : i32
      %mul3A_186 = arith.muli %mul3A_185, %scan3A_144 : i32
      %add3A_187 = arith.constant 1 : i32
      %add3A_188 = arith.addi %mul3A_186, %add3A_187 : i32
      %dma_wait3A_189 = arith.constant 0 : i32
      %dma_wait3A_190 = tpu.memref_slice %arg5[%dma_wait3A_189] : memref<25600xi32, #tpu.memory_space<vmem>> -> memref<200xi32, #tpu.memory_space<vmem>>
      %dma_wait3A_191 = arith.constant 0 : i32
      %dma_wait3A_192 = arith.constant 0 : i32
      %dma_wait3A_193 = tpu.memref_slice %arg3[%dma_wait3A_191, %dma_wait3A_192] : memref<100000x128xf32, #tpu.memory_space<hbm>> -> memref<100000x128xf32, #tpu.memory_space<hbm>>
      tpu.wait_indirect_dma semaphore(%arg10 : memref<!tpu.dma_semaphore, #tpu.memory_space<semaphore_mem>>) src(%dma_wait3A_193 : memref<100000x128xf32, #tpu.memory_space<hbm>>) dst(%arg7 : memref<200x128xf32, #tpu.memory_space<vmem>>)
      %dma_wait3A_194 = arith.constant 0 : i32
      %dma_wait3A_195 = arith.constant 0 : i32
      %dma_wait3A_196 = tpu.memref_slice %arg4[%mul3A_4, %dma_wait3A_194, %dma_wait3A_195] : memref<4096x200x64xf32, #tpu.memory_space<hbm>> -> memref<1x200x64xf32, #tpu.memory_space<hbm>>
      %dma_wait3A_197 = tpu.memref_squeeze %dma_wait3A_196 : memref<1x200x64xf32, #tpu.memory_space<hbm>> -> memref<200x64xf32, #tpu.memory_space<hbm>>
      %dma_wait3A_198 = arith.constant 0 : i32
      %dma_wait3A_199 = arith.constant 0 : i32
      %dma_wait3A_200 = tpu.memref_slice %arg4[%mul3A_4, %dma_wait3A_198, %dma_wait3A_199] : memref<4096x200x64xf32, #tpu.memory_space<hbm>> -> memref<1x200x64xf32, #tpu.memory_space<hbm>>
      %dma_wait3A_201 = tpu.memref_squeeze %dma_wait3A_200 : memref<1x200x64xf32, #tpu.memory_space<hbm>> -> memref<200x64xf32, #tpu.memory_space<hbm>>
      tpu.wait_dma2 semaphore(%arg11 : memref<!tpu.dma_semaphore, #tpu.memory_space<semaphore_mem>>) src(%arg9 : memref<200x64xf32, #tpu.memory_space<vmem>>) dst(%dma_wait3A_201 : memref<200x64xf32, #tpu.memory_space<hbm>>)
      %scan3A_202 = arith.constant 0 : i32
      %scan3A_203 = arith.constant 0 : i32
      %scan3A_204 = arith.constant 25 : i32
      %scan3A_205 = arith.addi %scan3A_203, %scan3A_204 : i32
      %scan3A_206 = arith.constant 1 : i32
      scf.for %scan3A_225 = %scan3A_203 to %scan3A_205 step %scan3A_206  : i32 {
        %mul3A_226 = arith.constant 8 : i32
        %mul3A_227 = arith.muli %scan3A_225, %mul3A_226 : i32
        %add3A_228 = arith.constant 0 : i32
        %add3A_229 = arith.addi %mul3A_227, %add3A_228 : i32
        %get3A = arith.index_cast %add3A_229 : i32 to index
        %get3A_230 = arith.constant 0 : index
        %get3A_231 = tpu.vector_load %arg7[%get3A, %get3A_230] {strides = array<i32>} : memref<200x128xf32, #tpu.memory_space<vmem>>, vector<1x16xf32>,
        %get3A_232 = vector.shape_cast %get3A_231 : vector<1x16xf32> to vector<16xf32>
        %add3A_233 = arith.constant 0 : i32
        %add3A_234 = arith.addi %mul3A_227, %add3A_233 : i32
        %swap3A = arith.index_cast %add3A_234 : i32 to index
        %swap3A_235 = arith.constant 0 : index
        %swap3A_236 = tpu.vector_load %arg9[%swap3A, %swap3A_235] {strides = array<i32>} : memref<200x64xf32, #tpu.memory_space<vmem>>, vector<1x16xf32>,
        %swap3A_237 = vector.shape_cast %swap3A_236 : vector<1x16xf32> to vector<16xf32>
        %swap3A_238 = vector.shape_cast %get3A_232 : vector<16xf32> to vector<1x16xf32>
        tpu.vector_store %arg9[%swap3A, %swap3A_235], %swap3A_238 {strides = array<i32>} : memref<200x64xf32, #tpu.memory_space<vmem>>, vector<1x16xf32>,
        %add3A_239 = arith.constant 0 : i32
        %add3A_240 = arith.addi %mul3A_227, %add3A_239 : i32
        %get3A_241 = arith.index_cast %add3A_240 : i32 to index
        %get3A_242 = arith.constant 16 : index
        %get3A_243 = tpu.vector_load %arg7[%get3A_241, %get3A_242] {strides = array<i32>} : memref<200x128xf32, #tpu.memory_space<vmem>>, vector<1x16xf32>,
        %get3A_244 = vector.shape_cast %get3A_243 : vector<1x16xf32> to vector<16xf32>
        %add3A_245 = arith.constant 0 : i32
        %add3A_246 = arith.addi %mul3A_227, %add3A_245 : i32
        %swap3A_247 = arith.index_cast %add3A_246 : i32 to index
        %swap3A_248 = arith.constant 16 : index
        %swap3A_249 = tpu.vector_load %arg9[%swap3A_247, %swap3A_248] {strides = array<i32>} : memref<200x64xf32, #tpu.memory_space<vmem>>, vector<1x16xf32>,
        %swap3A_250 = vector.shape_cast %swap3A_249 : vector<1x16xf32> to vector<16xf32>
        %swap3A_251 = vector.shape_cast %get3A_244 : vector<16xf32> to vector<1x16xf32>
        tpu.vector_store %arg9[%swap3A_247, %swap3A_248], %swap3A_251 {strides = array<i32>} : memref<200x64xf32, #tpu.memory_space<vmem>>, vector<1x16xf32>,
        %add3A_252 = arith.constant 0 : i32
        %add3A_253 = arith.addi %mul3A_227, %add3A_252 : i32
        %get3A_254 = arith.index_cast %add3A_253 : i32 to index
        %get3A_255 = arith.constant 32 : index
        %get3A_256 = tpu.vector_load %arg7[%get3A_254, %get3A_255] {strides = array<i32>} : memref<200x128xf32, #tpu.memory_space<vmem>>, vector<1x16xf32>,
        %get3A_257 = vector.shape_cast %get3A_256 : vector<1x16xf32> to vector<16xf32>
        %add3A_258 = arith.constant 0 : i32
        %add3A_259 = arith.addi %mul3A_227, %add3A_258 : i32
        %swap3A_260 = arith.index_cast %add3A_259 : i32 to index
        %swap3A_261 = arith.constant 32 : index
        %swap3A_262 = tpu.vector_load %arg9[%swap3A_260, %swap3A_261] {strides = array<i32>} : memref<200x64xf32, #tpu.memory_space<vmem>>, vector<1x16xf32>,
        %swap3A_263 = vector.shape_cast %swap3A_262 : vector<1x16xf32> to vector<16xf32>
        %swap3A_264 = vector.shape_cast %get3A_257 : vector<16xf32> to vector<1x16xf32>
        tpu.vector_store %arg9[%swap3A_260, %swap3A_261], %swap3A_264 {strides = array<i32>} : memref<200x64xf32, #tpu.memory_space<vmem>>, vector<1x16xf32>,
        %add3A_265 = arith.constant 0 : i32
        %add3A_266 = arith.addi %mul3A_227, %add3A_265 : i32
        %get3A_267 = arith.index_cast %add3A_266 : i32 to index
        %get3A_268 = arith.constant 48 : index
        %get3A_269 = tpu.vector_load %arg7[%get3A_267, %get3A_268] {strides = array<i32>} : memref<200x128xf32, #tpu.memory_space<vmem>>, vector<1x16xf32>,
        %get3A_270 = vector.shape_cast %get3A_269 : vector<1x16xf32> to vector<16xf32>
        %add3A_271 = arith.constant 0 : i32
        %add3A_272 = arith.addi %mul3A_227, %add3A_271 : i32
        %swap3A_273 = arith.index_cast %add3A_272 : i32 to index
        %swap3A_274 = arith.constant 48 : index
        %swap3A_275 = tpu.vector_load %arg9[%swap3A_273, %swap3A_274] {strides = array<i32>} : memref<200x64xf32, #tpu.memory_space<vmem>>, vector<1x16xf32>,
        %swap3A_276 = vector.shape_cast %swap3A_275 : vector<1x16xf32> to vector<16xf32>
        %swap3A_277 = vector.shape_cast %get3A_270 : vector<16xf32> to vector<1x16xf32>
        tpu.vector_store %arg9[%swap3A_273, %swap3A_274], %swap3A_277 {strides = array<i32>} : memref<200x64xf32, #tpu.memory_space<vmem>>, vector<1x16xf32>,
        %add3A_278 = arith.constant 1 : i32
        %add3A_279 = arith.addi %mul3A_227, %add3A_278 : i32
        %get3A_280 = arith.index_cast %add3A_279 : i32 to index
        %get3A_281 = arith.constant 0 : index
        %get3A_282 = tpu.vector_load %arg7[%get3A_280, %get3A_281] {strides = array<i32>} : memref<200x128xf32, #tpu.memory_space<vmem>>, vector<1x16xf32>,
        %get3A_283 = vector.shape_cast %get3A_282 : vector<1x16xf32> to vector<16xf32>
        %add3A_284 = arith.constant 1 : i32
        %add3A_285 = arith.addi %mul3A_227, %add3A_284 : i32
        %swap3A_286 = arith.index_cast %add3A_285 : i32 to index
        %swap3A_287 = arith.constant 0 : index
        %swap3A_288 = tpu.vector_load %arg9[%swap3A_286, %swap3A_287] {strides = array<i32>} : memref<200x64xf32, #tpu.memory_space<vmem>>, vector<1x16xf32>,
        %swap3A_289 = vector.shape_cast %swap3A_288 : vector<1x16xf32> to vector<16xf32>
        %swap3A_290 = vector.shape_cast %get3A_283 : vector<16xf32> to vector<1x16xf32>
        tpu.vector_store %arg9[%swap3A_286, %swap3A_287], %swap3A_290 {strides = array<i32>} : memref<200x64xf32, #tpu.memory_space<vmem>>, vector<1x16xf32>,
        %add3A_291 = arith.constant 1 : i32
        %add3A_292 = arith.addi %mul3A_227, %add3A_291 : i32
        %get3A_293 = arith.index_cast %add3A_292 : i32 to index
        %get3A_294 = arith.constant 16 : index
        %get3A_295 = tpu.vector_load %arg7[%get3A_293, %get3A_294] {strides = array<i32>} : memref<200x128xf32, #tpu.memory_space<vmem>>, vector<1x16xf32>,
        %get3A_296 = vector.shape_cast %get3A_295 : vector<1x16xf32> to vector<16xf32>
        %add3A_297 = arith.constant 1 : i32
        %add3A_298 = arith.addi %mul3A_227, %add3A_297 : i32
        %swap3A_299 = arith.index_cast %add3A_298 : i32 to index
        %swap3A_300 = arith.constant 16 : index
        %swap3A_301 = tpu.vector_load %arg9[%swap3A_299, %swap3A_300] {strides = array<i32>} : memref<200x64xf32, #tpu.memory_space<vmem>>, vector<1x16xf32>,
        %swap3A_302 = vector.shape_cast %swap3A_301 : vector<1x16xf32> to vector<16xf32>
        %swap3A_303 = vector.shape_cast %get3A_296 : vector<16xf32> to vector<1x16xf32>
        tpu.vector_store %arg9[%swap3A_299, %swap3A_300], %swap3A_303 {strides = array<i32>} : memref<200x64xf32, #tpu.memory_space<vmem>>, vector<1x16xf32>,
        %add3A_304 = arith.constant 1 : i32
        %add3A_305 = arith.addi %mul3A_227, %add3A_304 : i32
        %get3A_306 = arith.index_cast %add3A_305 : i32 to index
        %get3A_307 = arith.constant 32 : index
        %get3A_308 = tpu.vector_load %arg7[%get3A_306, %get3A_307] {strides = array<i32>} : memref<200x128xf32, #tpu.memory_space<vmem>>, vector<1x16xf32>,
        %get3A_309 = vector.shape_cast %get3A_308 : vector<1x16xf32> to vector<16xf32>
        %add3A_310 = arith.constant 1 : i32
        %add3A_311 = arith.addi %mul3A_227, %add3A_310 : i32
        %swap3A_312 = arith.index_cast %add3A_311 : i32 to index
        %swap3A_313 = arith.constant 32 : index
        %swap3A_314 = tpu.vector_load %arg9[%swap3A_312, %swap3A_313] {strides = array<i32>} : memref<200x64xf32, #tpu.memory_space<vmem>>, vector<1x16xf32>,
        %swap3A_315 = vector.shape_cast %swap3A_314 : vector<1x16xf32> to vector<16xf32>
        %swap3A_316 = vector.shape_cast %get3A_309 : vector<16xf32> to vector<1x16xf32>
        tpu.vector_store %arg9[%swap3A_312, %swap3A_313], %swap3A_316 {strides = array<i32>} : memref<200x64xf32, #tpu.memory_space<vmem>>, vector<1x16xf32>,
        %add3A_317 = arith.constant 1 : i32
        %add3A_318 = arith.addi %mul3A_227, %add3A_317 : i32
        %get3A_319 = arith.index_cast %add3A_318 : i32 to index
        %get3A_320 = arith.constant 48 : index
        %get3A_321 = tpu.vector_load %arg7[%get3A_319, %get3A_320] {strides = array<i32>} : memref<200x128xf32, #tpu.memory_space<vmem>>, vector<1x16xf32>,
        %get3A_322 = vector.shape_cast %get3A_321 : vector<1x16xf32> to vector<16xf32>
        %add3A_323 = arith.constant 1 : i32
        %add3A_324 = arith.addi %mul3A_227, %add3A_323 : i32
        %swap3A_325 = arith.index_cast %add3A_324 : i32 to index
        %swap3A_326 = arith.constant 48 : index
        %swap3A_327 = tpu.vector_load %arg9[%swap3A_325, %swap3A_326] {strides = array<i32>} : memref<200x64xf32, #tpu.memory_space<vmem>>, vector<1x16xf32>,
        %swap3A_328 = vector.shape_cast %swap3A_327 : vector<1x16xf32> to vector<16xf32>
        %swap3A_329 = vector.shape_cast %get3A_322 : vector<16xf32> to vector<1x16xf32>
        tpu.vector_store %arg9[%swap3A_325, %swap3A_326], %swap3A_329 {strides = array<i32>} : memref<200x64xf32, #tpu.memory_space<vmem>>, vector<1x16xf32>,
        %add3A_330 = arith.constant 2 : i32
        %add3A_331 = arith.addi %mul3A_227, %add3A_330 : i32
        %get3A_332 = arith.index_cast %add3A_331 : i32 to index
        %get3A_333 = arith.constant 0 : index
        %get3A_334 = tpu.vector_load %arg7[%get3A_332, %get3A_333] {strides = array<i32>} : memref<200x128xf32, #tpu.memory_space<vmem>>, vector<1x16xf32>,
        %get3A_335 = vector.shape_cast %get3A_334 : vector<1x16xf32> to vector<16xf32>
        %add3A_336 = arith.constant 2 : i32
        %add3A_337 = arith.addi %mul3A_227, %add3A_336 : i32
        %swap3A_338 = arith.index_cast %add3A_337 : i32 to index
        %swap3A_339 = arith.constant 0 : index
        %swap3A_340 = tpu.vector_load %arg9[%swap3A_338, %swap3A_339] {strides = array<i32>} : memref<200x64xf32, #tpu.memory_space<vmem>>, vector<1x16xf32>,
        %swap3A_341 = vector.shape_cast %swap3A_340 : vector<1x16xf32> to vector<16xf32>
        %swap3A_342 = vector.shape_cast %get3A_335 : vector<16xf32> to vector<1x16xf32>
        tpu.vector_store %arg9[%swap3A_338, %swap3A_339], %swap3A_342 {strides = array<i32>} : memref<200x64xf32, #tpu.memory_space<vmem>>, vector<1x16xf32>,
        %add3A_343 = arith.constant 2 : i32
        %add3A_344 = arith.addi %mul3A_227, %add3A_343 : i32
        %get3A_345 = arith.index_cast %add3A_344 : i32 to index
        %get3A_346 = arith.constant 16 : index
        %get3A_347 = tpu.vector_load %arg7[%get3A_345, %get3A_346] {strides = array<i32>} : memref<200x128xf32, #tpu.memory_space<vmem>>, vector<1x16xf32>,
        %get3A_348 = vector.shape_cast %get3A_347 : vector<1x16xf32> to vector<16xf32>
        %add3A_349 = arith.constant 2 : i32
        %add3A_350 = arith.addi %mul3A_227, %add3A_349 : i32
        %swap3A_351 = arith.index_cast %add3A_350 : i32 to index
        %swap3A_352 = arith.constant 16 : index
        %swap3A_353 = tpu.vector_load %arg9[%swap3A_351, %swap3A_352] {strides = array<i32>} : memref<200x64xf32, #tpu.memory_space<vmem>>, vector<1x16xf32>,
        %swap3A_354 = vector.shape_cast %swap3A_353 : vector<1x16xf32> to vector<16xf32>
        %swap3A_355 = vector.shape_cast %get3A_348 : vector<16xf32> to vector<1x16xf32>
        tpu.vector_store %arg9[%swap3A_351, %swap3A_352], %swap3A_355 {strides = array<i32>} : memref<200x64xf32, #tpu.memory_space<vmem>>, vector<1x16xf32>,
        %add3A_356 = arith.constant 2 : i32
        %add3A_357 = arith.addi %mul3A_227, %add3A_356 : i32
        %get3A_358 = arith.index_cast %add3A_357 : i32 to index
        %get3A_359 = arith.constant 32 : index
        %get3A_360 = tpu.vector_load %arg7[%get3A_358, %get3A_359] {strides = array<i32>} : memref<200x128xf32, #tpu.memory_space<vmem>>, vector<1x16xf32>,
        %get3A_361 = vector.shape_cast %get3A_360 : vector<1x16xf32> to vector<16xf32>
        %add3A_362 = arith.constant 2 : i32
        %add3A_363 = arith.addi %mul3A_227, %add3A_362 : i32
        %swap3A_364 = arith.index_cast %add3A_363 : i32 to index
        %swap3A_365 = arith.constant 32 : index
        %swap3A_366 = tpu.vector_load %arg9[%swap3A_364, %swap3A_365] {strides = array<i32>} : memref<200x64xf32, #tpu.memory_space<vmem>>, vector<1x16xf32>,
        %swap3A_367 = vector.shape_cast %swap3A_366 : vector<1x16xf32> to vector<16xf32>
        %swap3A_368 = vector.shape_cast %get3A_361 : vector<16xf32> to vector<1x16xf32>
        tpu.vector_store %arg9[%swap3A_364, %swap3A_365], %swap3A_368 {strides = array<i32>} : memref<200x64xf32, #tpu.memory_space<vmem>>, vector<1x16xf32>,
        %add3A_369 = arith.constant 2 : i32
        %add3A_370 = arith.addi %mul3A_227, %add3A_369 : i32
        %get3A_371 = arith.index_cast %add3A_370 : i32 to index
        %get3A_372 = arith.constant 48 : index
        %get3A_373 = tpu.vector_load %arg7[%get3A_371, %get3A_372] {strides = array<i32>} : memref<200x128xf32, #tpu.memory_space<vmem>>, vector<1x16xf32>,
        %get3A_374 = vector.shape_cast %get3A_373 : vector<1x16xf32> to vector<16xf32>
        %add3A_375 = arith.constant 2 : i32
        %add3A_376 = arith.addi %mul3A_227, %add3A_375 : i32
        %swap3A_377 = arith.index_cast %add3A_376 : i32 to index
        %swap3A_378 = arith.constant 48 : index
        %swap3A_379 = tpu.vector_load %arg9[%swap3A_377, %swap3A_378] {strides = array<i32>} : memref<200x64xf32, #tpu.memory_space<vmem>>, vector<1x16xf32>,
        %swap3A_380 = vector.shape_cast %swap3A_379 : vector<1x16xf32> to vector<16xf32>
        %swap3A_381 = vector.shape_cast %get3A_374 : vector<16xf32> to vector<1x16xf32>
        tpu.vector_store %arg9[%swap3A_377, %swap3A_378], %swap3A_381 {strides = array<i32>} : memref<200x64xf32, #tpu.memory_space<vmem>>, vector<1x16xf32>,
        %add3A_382 = arith.constant 3 : i32
        %add3A_383 = arith.addi %mul3A_227, %add3A_382 : i32
        %get3A_384 = arith.index_cast %add3A_383 : i32 to index
        %get3A_385 = arith.constant 0 : index
        %get3A_386 = tpu.vector_load %arg7[%get3A_384, %get3A_385] {strides = array<i32>} : memref<200x128xf32, #tpu.memory_space<vmem>>, vector<1x16xf32>,
        %get3A_387 = vector.shape_cast %get3A_386 : vector<1x16xf32> to vector<16xf32>
        %add3A_388 = arith.constant 3 : i32
        %add3A_389 = arith.addi %mul3A_227, %add3A_388 : i32
        %swap3A_390 = arith.index_cast %add3A_389 : i32 to index
        %swap3A_391 = arith.constant 0 : index
        %swap3A_392 = tpu.vector_load %arg9[%swap3A_390, %swap3A_391] {strides = array<i32>} : memref<200x64xf32, #tpu.memory_space<vmem>>, vector<1x16xf32>,
        %swap3A_393 = vector.shape_cast %swap3A_392 : vector<1x16xf32> to vector<16xf32>
        %swap3A_394 = vector.shape_cast %get3A_387 : vector<16xf32> to vector<1x16xf32>
        tpu.vector_store %arg9[%swap3A_390, %swap3A_391], %swap3A_394 {strides = array<i32>} : memref<200x64xf32, #tpu.memory_space<vmem>>, vector<1x16xf32>,
        %add3A_395 = arith.constant 3 : i32
        %add3A_396 = arith.addi %mul3A_227, %add3A_395 : i32
        %get3A_397 = arith.index_cast %add3A_396 : i32 to index
        %get3A_398 = arith.constant 16 : index
        %get3A_399 = tpu.vector_load %arg7[%get3A_397, %get3A_398] {strides = array<i32>} : memref<200x128xf32, #tpu.memory_space<vmem>>, vector<1x16xf32>,
        %get3A_400 = vector.shape_cast %get3A_399 : vector<1x16xf32> to vector<16xf32>
        %add3A_401 = arith.constant 3 : i32
        %add3A_402 = arith.addi %mul3A_227, %add3A_401 : i32
        %swap3A_403 = arith.index_cast %add3A_402 : i32 to index
        %swap3A_404 = arith.constant 16 : index
        %swap3A_405 = tpu.vector_load %arg9[%swap3A_403, %swap3A_404] {strides = array<i32>} : memref<200x64xf32, #tpu.memory_space<vmem>>, vector<1x16xf32>,
        %swap3A_406 = vector.shape_cast %swap3A_405 : vector<1x16xf32> to vector<16xf32>
        %swap3A_407 = vector.shape_cast %get3A_400 : vector<16xf32> to vector<1x16xf32>
        tpu.vector_store %arg9[%swap3A_403, %swap3A_404], %swap3A_407 {strides = array<i32>} : memref<200x64xf32, #tpu.memory_space<vmem>>, vector<1x16xf32>,
        %add3A_408 = arith.constant 3 : i32
        %add3A_409 = arith.addi %mul3A_227, %add3A_408 : i32
        %get3A_410 = arith.index_cast %add3A_409 : i32 to index
        %get3A_411 = arith.constant 32 : index
        %get3A_412 = tpu.vector_load %arg7[%get3A_410, %get3A_411] {strides = array<i32>} : memref<200x128xf32, #tpu.memory_space<vmem>>, vector<1x16xf32>,
        %get3A_413 = vector.shape_cast %get3A_412 : vector<1x16xf32> to vector<16xf32>
        %add3A_414 = arith.constant 3 : i32
        %add3A_415 = arith.addi %mul3A_227, %add3A_414 : i32
        %swap3A_416 = arith.index_cast %add3A_415 : i32 to index
        %swap3A_417 = arith.constant 32 : index
        %swap3A_418 = tpu.vector_load %arg9[%swap3A_416, %swap3A_417] {strides = array<i32>} : memref<200x64xf32, #tpu.memory_space<vmem>>, vector<1x16xf32>,
        %swap3A_419 = vector.shape_cast %swap3A_418 : vector<1x16xf32> to vector<16xf32>
        %swap3A_420 = vector.shape_cast %get3A_413 : vector<16xf32> to vector<1x16xf32>
        tpu.vector_store %arg9[%swap3A_416, %swap3A_417], %swap3A_420 {strides = array<i32>} : memref<200x64xf32, #tpu.memory_space<vmem>>, vector<1x16xf32>,
        %add3A_421 = arith.constant 3 : i32
        %add3A_422 = arith.addi %mul3A_227, %add3A_421 : i32
        %get3A_423 = arith.index_cast %add3A_422 : i32 to index
        %get3A_424 = arith.constant 48 : index
        %get3A_425 = tpu.vector_load %arg7[%get3A_423, %get3A_424] {strides = array<i32>} : memref<200x128xf32, #tpu.memory_space<vmem>>, vector<1x16xf32>,
        %get3A_426 = vector.shape_cast %get3A_425 : vector<1x16xf32> to vector<16xf32>
        %add3A_427 = arith.constant 3 : i32
        %add3A_428 = arith.addi %mul3A_227, %add3A_427 : i32
        %swap3A_429 = arith.index_cast %add3A_428 : i32 to index
        %swap3A_430 = arith.constant 48 : index
        %swap3A_431 = tpu.vector_load %arg9[%swap3A_429, %swap3A_430] {strides = array<i32>} : memref<200x64xf32, #tpu.memory_space<vmem>>, vector<1x16xf32>,
        %swap3A_432 = vector.shape_cast %swap3A_431 : vector<1x16xf32> to vector<16xf32>
        %swap3A_433 = vector.shape_cast %get3A_426 : vector<16xf32> to vector<1x16xf32>
        tpu.vector_store %arg9[%swap3A_429, %swap3A_430], %swap3A_433 {strides = array<i32>} : memref<200x64xf32, #tpu.memory_space<vmem>>, vector<1x16xf32>,
        %add3A_434 = arith.constant 4 : i32
        %add3A_435 = arith.addi %mul3A_227, %add3A_434 : i32
        %get3A_436 = arith.index_cast %add3A_435 : i32 to index
        %get3A_437 = arith.constant 0 : index
        %get3A_438 = tpu.vector_load %arg7[%get3A_436, %get3A_437] {strides = array<i32>} : memref<200x128xf32, #tpu.memory_space<vmem>>, vector<1x16xf32>,
        %get3A_439 = vector.shape_cast %get3A_438 : vector<1x16xf32> to vector<16xf32>
        %add3A_440 = arith.constant 4 : i32
        %add3A_441 = arith.addi %mul3A_227, %add3A_440 : i32
        %swap3A_442 = arith.index_cast %add3A_441 : i32 to index
        %swap3A_443 = arith.constant 0 : index
        %swap3A_444 = tpu.vector_load %arg9[%swap3A_442, %swap3A_443] {strides = array<i32>} : memref<200x64xf32, #tpu.memory_space<vmem>>, vector<1x16xf32>,
        %swap3A_445 = vector.shape_cast %swap3A_444 : vector<1x16xf32> to vector<16xf32>
        %swap3A_446 = vector.shape_cast %get3A_439 : vector<16xf32> to vector<1x16xf32>
        tpu.vector_store %arg9[%swap3A_442, %swap3A_443], %swap3A_446 {strides = array<i32>} : memref<200x64xf32, #tpu.memory_space<vmem>>, vector<1x16xf32>,
        %add3A_447 = arith.constant 4 : i32
        %add3A_448 = arith.addi %mul3A_227, %add3A_447 : i32
        %get3A_449 = arith.index_cast %add3A_448 : i32 to index
        %get3A_450 = arith.constant 16 : index
        %get3A_451 = tpu.vector_load %arg7[%get3A_449, %get3A_450] {strides = array<i32>} : memref<200x128xf32, #tpu.memory_space<vmem>>, vector<1x16xf32>,
        %get3A_452 = vector.shape_cast %get3A_451 : vector<1x16xf32> to vector<16xf32>
        %add3A_453 = arith.constant 4 : i32
        %add3A_454 = arith.addi %mul3A_227, %add3A_453 : i32
        %swap3A_455 = arith.index_cast %add3A_454 : i32 to index
        %swap3A_456 = arith.constant 16 : index
        %swap3A_457 = tpu.vector_load %arg9[%swap3A_455, %swap3A_456] {strides = array<i32>} : memref<200x64xf32, #tpu.memory_space<vmem>>, vector<1x16xf32>,
        %swap3A_458 = vector.shape_cast %swap3A_457 : vector<1x16xf32> to vector<16xf32>
        %swap3A_459 = vector.shape_cast %get3A_452 : vector<16xf32> to vector<1x16xf32>
        tpu.vector_store %arg9[%swap3A_455, %swap3A_456], %swap3A_459 {strides = array<i32>} : memref<200x64xf32, #tpu.memory_space<vmem>>, vector<1x16xf32>,
        %add3A_460 = arith.constant 4 : i32
        %add3A_461 = arith.addi %mul3A_227, %add3A_460 : i32
        %get3A_462 = arith.index_cast %add3A_461 : i32 to index
        %get3A_463 = arith.constant 32 : index
        %get3A_464 = tpu.vector_load %arg7[%get3A_462, %get3A_463] {strides = array<i32>} : memref<200x128xf32, #tpu.memory_space<vmem>>, vector<1x16xf32>,
        %get3A_465 = vector.shape_cast %get3A_464 : vector<1x16xf32> to vector<16xf32>
        %add3A_466 = arith.constant 4 : i32
        %add3A_467 = arith.addi %mul3A_227, %add3A_466 : i32
        %swap3A_468 = arith.index_cast %add3A_467 : i32 to index
        %swap3A_469 = arith.constant 32 : index
        %swap3A_470 = tpu.vector_load %arg9[%swap3A_468, %swap3A_469] {strides = array<i32>} : memref<200x64xf32, #tpu.memory_space<vmem>>, vector<1x16xf32>,
        %swap3A_471 = vector.shape_cast %swap3A_470 : vector<1x16xf32> to vector<16xf32>
        %swap3A_472 = vector.shape_cast %get3A_465 : vector<16xf32> to vector<1x16xf32>
        tpu.vector_store %arg9[%swap3A_468, %swap3A_469], %swap3A_472 {strides = array<i32>} : memref<200x64xf32, #tpu.memory_space<vmem>>, vector<1x16xf32>,
        %add3A_473 = arith.constant 4 : i32
        %add3A_474 = arith.addi %mul3A_227, %add3A_473 : i32
        %get3A_475 = arith.index_cast %add3A_474 : i32 to index
        %get3A_476 = arith.constant 48 : index
        %get3A_477 = tpu.vector_load %arg7[%get3A_475, %get3A_476] {strides = array<i32>} : memref<200x128xf32, #tpu.memory_space<vmem>>, vector<1x16xf32>,
        %get3A_478 = vector.shape_cast %get3A_477 : vector<1x16xf32> to vector<16xf32>
        %add3A_479 = arith.constant 4 : i32
        %add3A_480 = arith.addi %mul3A_227, %add3A_479 : i32
        %swap3A_481 = arith.index_cast %add3A_480 : i32 to index
        %swap3A_482 = arith.constant 48 : index
        %swap3A_483 = tpu.vector_load %arg9[%swap3A_481, %swap3A_482] {strides = array<i32>} : memref<200x64xf32, #tpu.memory_space<vmem>>, vector<1x16xf32>,
        %swap3A_484 = vector.shape_cast %swap3A_483 : vector<1x16xf32> to vector<16xf32>
        %swap3A_485 = vector.shape_cast %get3A_478 : vector<16xf32> to vector<1x16xf32>
        tpu.vector_store %arg9[%swap3A_481, %swap3A_482], %swap3A_485 {strides = array<i32>} : memref<200x64xf32, #tpu.memory_space<vmem>>, vector<1x16xf32>,
        %add3A_486 = arith.constant 5 : i32
        %add3A_487 = arith.addi %mul3A_227, %add3A_486 : i32
        %get3A_488 = arith.index_cast %add3A_487 : i32 to index
        %get3A_489 = arith.constant 0 : index
        %get3A_490 = tpu.vector_load %arg7[%get3A_488, %get3A_489] {strides = array<i32>} : memref<200x128xf32, #tpu.memory_space<vmem>>, vector<1x16xf32>,
        %get3A_491 = vector.shape_cast %get3A_490 : vector<1x16xf32> to vector<16xf32>
        %add3A_492 = arith.constant 5 : i32
        %add3A_493 = arith.addi %mul3A_227, %add3A_492 : i32
        %swap3A_494 = arith.index_cast %add3A_493 : i32 to index
        %swap3A_495 = arith.constant 0 : index
        %swap3A_496 = tpu.vector_load %arg9[%swap3A_494, %swap3A_495] {strides = array<i32>} : memref<200x64xf32, #tpu.memory_space<vmem>>, vector<1x16xf32>,
        %swap3A_497 = vector.shape_cast %swap3A_496 : vector<1x16xf32> to vector<16xf32>
        %swap3A_498 = vector.shape_cast %get3A_491 : vector<16xf32> to vector<1x16xf32>
        tpu.vector_store %arg9[%swap3A_494, %swap3A_495], %swap3A_498 {strides = array<i32>} : memref<200x64xf32, #tpu.memory_space<vmem>>, vector<1x16xf32>,
        %add3A_499 = arith.constant 5 : i32
        %add3A_500 = arith.addi %mul3A_227, %add3A_499 : i32
        %get3A_501 = arith.index_cast %add3A_500 : i32 to index
        %get3A_502 = arith.constant 16 : index
        %get3A_503 = tpu.vector_load %arg7[%get3A_501, %get3A_502] {strides = array<i32>} : memref<200x128xf32, #tpu.memory_space<vmem>>, vector<1x16xf32>,
        %get3A_504 = vector.shape_cast %get3A_503 : vector<1x16xf32> to vector<16xf32>
        %add3A_505 = arith.constant 5 : i32
        %add3A_506 = arith.addi %mul3A_227, %add3A_505 : i32
        %swap3A_507 = arith.index_cast %add3A_506 : i32 to index
        %swap3A_508 = arith.constant 16 : index
        %swap3A_509 = tpu.vector_load %arg9[%swap3A_507, %swap3A_508] {strides = array<i32>} : memref<200x64xf32, #tpu.memory_space<vmem>>, vector<1x16xf32>,
        %swap3A_510 = vector.shape_cast %swap3A_509 : vector<1x16xf32> to vector<16xf32>
        %swap3A_511 = vector.shape_cast %get3A_504 : vector<16xf32> to vector<1x16xf32>
        tpu.vector_store %arg9[%swap3A_507, %swap3A_508], %swap3A_511 {strides = array<i32>} : memref<200x64xf32, #tpu.memory_space<vmem>>, vector<1x16xf32>,
        %add3A_512 = arith.constant 5 : i32
        %add3A_513 = arith.addi %mul3A_227, %add3A_512 : i32
        %get3A_514 = arith.index_cast %add3A_513 : i32 to index
        %get3A_515 = arith.constant 32 : index
        %get3A_516 = tpu.vector_load %arg7[%get3A_514, %get3A_515] {strides = array<i32>} : memref<200x128xf32, #tpu.memory_space<vmem>>, vector<1x16xf32>,
        %get3A_517 = vector.shape_cast %get3A_516 : vector<1x16xf32> to vector<16xf32>
        %add3A_518 = arith.constant 5 : i32
        %add3A_519 = arith.addi %mul3A_227, %add3A_518 : i32
        %swap3A_520 = arith.index_cast %add3A_519 : i32 to index
        %swap3A_521 = arith.constant 32 : index
        %swap3A_522 = tpu.vector_load %arg9[%swap3A_520, %swap3A_521] {strides = array<i32>} : memref<200x64xf32, #tpu.memory_space<vmem>>, vector<1x16xf32>,
        %swap3A_523 = vector.shape_cast %swap3A_522 : vector<1x16xf32> to vector<16xf32>
        %swap3A_524 = vector.shape_cast %get3A_517 : vector<16xf32> to vector<1x16xf32>
        tpu.vector_store %arg9[%swap3A_520, %swap3A_521], %swap3A_524 {strides = array<i32>} : memref<200x64xf32, #tpu.memory_space<vmem>>, vector<1x16xf32>,
        %add3A_525 = arith.constant 5 : i32
        %add3A_526 = arith.addi %mul3A_227, %add3A_525 : i32
        %get3A_527 = arith.index_cast %add3A_526 : i32 to index
        %get3A_528 = arith.constant 48 : index
        %get3A_529 = tpu.vector_load %arg7[%get3A_527, %get3A_528] {strides = array<i32>} : memref<200x128xf32, #tpu.memory_space<vmem>>, vector<1x16xf32>,
        %get3A_530 = vector.shape_cast %get3A_529 : vector<1x16xf32> to vector<16xf32>
        %add3A_531 = arith.constant 5 : i32
        %add3A_532 = arith.addi %mul3A_227, %add3A_531 : i32
        %swap3A_533 = arith.index_cast %add3A_532 : i32 to index
        %swap3A_534 = arith.constant 48 : index
        %swap3A_535 = tpu.vector_load %arg9[%swap3A_533, %swap3A_534] {strides = array<i32>} : memref<200x64xf32, #tpu.memory_space<vmem>>, vector<1x16xf32>,
        %swap3A_536 = vector.shape_cast %swap3A_535 : vector<1x16xf32> to vector<16xf32>
        %swap3A_537 = vector.shape_cast %get3A_530 : vector<16xf32> to vector<1x16xf32>
        tpu.vector_store %arg9[%swap3A_533, %swap3A_534], %swap3A_537 {strides = array<i32>} : memref<200x64xf32, #tpu.memory_space<vmem>>, vector<1x16xf32>,
        %add3A_538 = arith.constant 6 : i32
        %add3A_539 = arith.addi %mul3A_227, %add3A_538 : i32
        %get3A_540 = arith.index_cast %add3A_539 : i32 to index
        %get3A_541 = arith.constant 0 : index
        %get3A_542 = tpu.vector_load %arg7[%get3A_540, %get3A_541] {strides = array<i32>} : memref<200x128xf32, #tpu.memory_space<vmem>>, vector<1x16xf32>,
        %get3A_543 = vector.shape_cast %get3A_542 : vector<1x16xf32> to vector<16xf32>
        %add3A_544 = arith.constant 6 : i32
        %add3A_545 = arith.addi %mul3A_227, %add3A_544 : i32
        %swap3A_546 = arith.index_cast %add3A_545 : i32 to index
        %swap3A_547 = arith.constant 0 : index
        %swap3A_548 = tpu.vector_load %arg9[%swap3A_546, %swap3A_547] {strides = array<i32>} : memref<200x64xf32, #tpu.memory_space<vmem>>, vector<1x16xf32>,
        %swap3A_549 = vector.shape_cast %swap3A_548 : vector<1x16xf32> to vector<16xf32>
        %swap3A_550 = vector.shape_cast %get3A_543 : vector<16xf32> to vector<1x16xf32>
        tpu.vector_store %arg9[%swap3A_546, %swap3A_547], %swap3A_550 {strides = array<i32>} : memref<200x64xf32, #tpu.memory_space<vmem>>, vector<1x16xf32>,
        %add3A_551 = arith.constant 6 : i32
        %add3A_552 = arith.addi %mul3A_227, %add3A_551 : i32
        %get3A_553 = arith.index_cast %add3A_552 : i32 to index
        %get3A_554 = arith.constant 16 : index
        %get3A_555 = tpu.vector_load %arg7[%get3A_553, %get3A_554] {strides = array<i32>} : memref<200x128xf32, #tpu.memory_space<vmem>>, vector<1x16xf32>,
        %get3A_556 = vector.shape_cast %get3A_555 : vector<1x16xf32> to vector<16xf32>
        %add3A_557 = arith.constant 6 : i32
        %add3A_558 = arith.addi %mul3A_227, %add3A_557 : i32
        %swap3A_559 = arith.index_cast %add3A_558 : i32 to index
        %swap3A_560 = arith.constant 16 : index
        %swap3A_561 = tpu.vector_load %arg9[%swap3A_559, %swap3A_560] {strides = array<i32>} : memref<200x64xf32, #tpu.memory_space<vmem>>, vector<1x16xf32>,
        %swap3A_562 = vector.shape_cast %swap3A_561 : vector<1x16xf32> to vector<16xf32>
        %swap3A_563 = vector.shape_cast %get3A_556 : vector<16xf32> to vector<1x16xf32>
        tpu.vector_store %arg9[%swap3A_559, %swap3A_560], %swap3A_563 {strides = array<i32>} : memref<200x64xf32, #tpu.memory_space<vmem>>, vector<1x16xf32>,
        %add3A_564 = arith.constant 6 : i32
        %add3A_565 = arith.addi %mul3A_227, %add3A_564 : i32
        %get3A_566 = arith.index_cast %add3A_565 : i32 to index
        %get3A_567 = arith.constant 32 : index
        %get3A_568 = tpu.vector_load %arg7[%get3A_566, %get3A_567] {strides = array<i32>} : memref<200x128xf32, #tpu.memory_space<vmem>>, vector<1x16xf32>,
        %get3A_569 = vector.shape_cast %get3A_568 : vector<1x16xf32> to vector<16xf32>
        %add3A_570 = arith.constant 6 : i32
        %add3A_571 = arith.addi %mul3A_227, %add3A_570 : i32
        %swap3A_572 = arith.index_cast %add3A_571 : i32 to index
        %swap3A_573 = arith.constant 32 : index
        %swap3A_574 = tpu.vector_load %arg9[%swap3A_572, %swap3A_573] {strides = array<i32>} : memref<200x64xf32, #tpu.memory_space<vmem>>, vector<1x16xf32>,
        %swap3A_575 = vector.shape_cast %swap3A_574 : vector<1x16xf32> to vector<16xf32>
        %swap3A_576 = vector.shape_cast %get3A_569 : vector<16xf32> to vector<1x16xf32>
        tpu.vector_store %arg9[%swap3A_572, %swap3A_573], %swap3A_576 {strides = array<i32>} : memref<200x64xf32, #tpu.memory_space<vmem>>, vector<1x16xf32>,
        %add3A_577 = arith.constant 6 : i32
        %add3A_578 = arith.addi %mul3A_227, %add3A_577 : i32
        %get3A_579 = arith.index_cast %add3A_578 : i32 to index
        %get3A_580 = arith.constant 48 : index
        %get3A_581 = tpu.vector_load %arg7[%get3A_579, %get3A_580] {strides = array<i32>} : memref<200x128xf32, #tpu.memory_space<vmem>>, vector<1x16xf32>,
        %get3A_582 = vector.shape_cast %get3A_581 : vector<1x16xf32> to vector<16xf32>
        %add3A_583 = arith.constant 6 : i32
        %add3A_584 = arith.addi %mul3A_227, %add3A_583 : i32
        %swap3A_585 = arith.index_cast %add3A_584 : i32 to index
        %swap3A_586 = arith.constant 48 : index
        %swap3A_587 = tpu.vector_load %arg9[%swap3A_585, %swap3A_586] {strides = array<i32>} : memref<200x64xf32, #tpu.memory_space<vmem>>, vector<1x16xf32>,
        %swap3A_588 = vector.shape_cast %swap3A_587 : vector<1x16xf32> to vector<16xf32>
        %swap3A_589 = vector.shape_cast %get3A_582 : vector<16xf32> to vector<1x16xf32>
        tpu.vector_store %arg9[%swap3A_585, %swap3A_586], %swap3A_589 {strides = array<i32>} : memref<200x64xf32, #tpu.memory_space<vmem>>, vector<1x16xf32>,
        %add3A_590 = arith.constant 7 : i32
        %add3A_591 = arith.addi %mul3A_227, %add3A_590 : i32
        %get3A_592 = arith.index_cast %add3A_591 : i32 to index
        %get3A_593 = arith.constant 0 : index
        %get3A_594 = tpu.vector_load %arg7[%get3A_592, %get3A_593] {strides = array<i32>} : memref<200x128xf32, #tpu.memory_space<vmem>>, vector<1x16xf32>,
        %get3A_595 = vector.shape_cast %get3A_594 : vector<1x16xf32> to vector<16xf32>
        %add3A_596 = arith.constant 7 : i32
        %add3A_597 = arith.addi %mul3A_227, %add3A_596 : i32
        %swap3A_598 = arith.index_cast %add3A_597 : i32 to index
        %swap3A_599 = arith.constant 0 : index
        %swap3A_600 = tpu.vector_load %arg9[%swap3A_598, %swap3A_599] {strides = array<i32>} : memref<200x64xf32, #tpu.memory_space<vmem>>, vector<1x16xf32>,
        %swap3A_601 = vector.shape_cast %swap3A_600 : vector<1x16xf32> to vector<16xf32>
        %swap3A_602 = vector.shape_cast %get3A_595 : vector<16xf32> to vector<1x16xf32>
        tpu.vector_store %arg9[%swap3A_598, %swap3A_599], %swap3A_602 {strides = array<i32>} : memref<200x64xf32, #tpu.memory_space<vmem>>, vector<1x16xf32>,
        %add3A_603 = arith.constant 7 : i32
        %add3A_604 = arith.addi %mul3A_227, %add3A_603 : i32
        %get3A_605 = arith.index_cast %add3A_604 : i32 to index
        %get3A_606 = arith.constant 16 : index
        %get3A_607 = tpu.vector_load %arg7[%get3A_605, %get3A_606] {strides = array<i32>} : memref<200x128xf32, #tpu.memory_space<vmem>>, vector<1x16xf32>,
        %get3A_608 = vector.shape_cast %get3A_607 : vector<1x16xf32> to vector<16xf32>
        %add3A_609 = arith.constant 7 : i32
        %add3A_610 = arith.addi %mul3A_227, %add3A_609 : i32
        %swap3A_611 = arith.index_cast %add3A_610 : i32 to index
        %swap3A_612 = arith.constant 16 : index
        %swap3A_613 = tpu.vector_load %arg9[%swap3A_611, %swap3A_612] {strides = array<i32>} : memref<200x64xf32, #tpu.memory_space<vmem>>, vector<1x16xf32>,
        %swap3A_614 = vector.shape_cast %swap3A_613 : vector<1x16xf32> to vector<16xf32>
        %swap3A_615 = vector.shape_cast %get3A_608 : vector<16xf32> to vector<1x16xf32>
        tpu.vector_store %arg9[%swap3A_611, %swap3A_612], %swap3A_615 {strides = array<i32>} : memref<200x64xf32, #tpu.memory_space<vmem>>, vector<1x16xf32>,
        %add3A_616 = arith.constant 7 : i32
        %add3A_617 = arith.addi %mul3A_227, %add3A_616 : i32
        %get3A_618 = arith.index_cast %add3A_617 : i32 to index
        %get3A_619 = arith.constant 32 : index
        %get3A_620 = tpu.vector_load %arg7[%get3A_618, %get3A_619] {strides = array<i32>} : memref<200x128xf32, #tpu.memory_space<vmem>>, vector<1x16xf32>,
        %get3A_621 = vector.shape_cast %get3A_620 : vector<1x16xf32> to vector<16xf32>
        %add3A_622 = arith.constant 7 : i32
        %add3A_623 = arith.addi %mul3A_227, %add3A_622 : i32
        %swap3A_624 = arith.index_cast %add3A_623 : i32 to index
        %swap3A_625 = arith.constant 32 : index
        %swap3A_626 = tpu.vector_load %arg9[%swap3A_624, %swap3A_625] {strides = array<i32>} : memref<200x64xf32, #tpu.memory_space<vmem>>, vector<1x16xf32>,
        %swap3A_627 = vector.shape_cast %swap3A_626 : vector<1x16xf32> to vector<16xf32>
        %swap3A_628 = vector.shape_cast %get3A_621 : vector<16xf32> to vector<1x16xf32>
        tpu.vector_store %arg9[%swap3A_624, %swap3A_625], %swap3A_628 {strides = array<i32>} : memref<200x64xf32, #tpu.memory_space<vmem>>, vector<1x16xf32>,
        %add3A_629 = arith.constant 7 : i32
        %add3A_630 = arith.addi %mul3A_227, %add3A_629 : i32
        %get3A_631 = arith.index_cast %add3A_630 : i32 to index
        %get3A_632 = arith.constant 48 : index
        %get3A_633 = tpu.vector_load %arg7[%get3A_631, %get3A_632] {strides = array<i32>} : memref<200x128xf32, #tpu.memory_space<vmem>>, vector<1x16xf32>,
        %get3A_634 = vector.shape_cast %get3A_633 : vector<1x16xf32> to vector<16xf32>
        %add3A_635 = arith.constant 7 : i32
        %add3A_636 = arith.addi %mul3A_227, %add3A_635 : i32
        %swap3A_637 = arith.index_cast %add3A_636 : i32 to index
        %swap3A_638 = arith.constant 48 : index
        %swap3A_639 = tpu.vector_load %arg9[%swap3A_637, %swap3A_638] {strides = array<i32>} : memref<200x64xf32, #tpu.memory_space<vmem>>, vector<1x16xf32>,
        %swap3A_640 = vector.shape_cast %swap3A_639 : vector<1x16xf32> to vector<16xf32>
        %swap3A_641 = vector.shape_cast %get3A_634 : vector<16xf32> to vector<1x16xf32>
        tpu.vector_store %arg9[%swap3A_637, %swap3A_638], %swap3A_641 {strides = array<i32>} : memref<200x64xf32, #tpu.memory_space<vmem>>, vector<1x16xf32>,
      }
      %scan3A_207 = arith.constant 25 : i32
      %add3A_208 = arith.constant 2 : i32
      %add3A_209 = arith.addi %add3A_188, %add3A_208 : i32
      %mul3A_210 = arith.constant 200 : i32
      %mul3A_211 = arith.muli %add3A_209, %mul3A_210 : i32
      %dma_start3A_212 = tpu.memref_slice %arg5[%mul3A_211] : memref<25600xi32, #tpu.memory_space<vmem>> -> memref<200xi32, #tpu.memory_space<vmem>>
      %dma_start3A_213 = arith.constant 0 : i32
      %dma_start3A_214 = arith.constant 0 : i32
      %dma_start3A_215 = tpu.memref_slice %arg3[%dma_start3A_213, %dma_start3A_214] : memref<100000x128xf32, #tpu.memory_space<hbm>> -> memref<100000x128xf32, #tpu.memory_space<hbm>>
      tpu.enqueue_indirect_dma source(%dma_start3A_215 : memref<100000x128xf32, #tpu.memory_space<hbm>>) target(%arg7 : memref<200x128xf32, #tpu.memory_space<vmem>>) offsets(%dma_start3A_212 : memref<200xi32, #tpu.memory_space<vmem>>) semaphore(%arg10 : memref<!tpu.dma_semaphore, #tpu.memory_space<semaphore_mem>>)
      %add3A_216 = arith.addi %mul3A_4, %add3A_188 : i32
      %dma_start3A_217 = arith.constant 0 : i32
      %dma_start3A_218 = arith.constant 0 : i32
      %dma_start3A_219 = tpu.memref_slice %arg4[%add3A_216, %dma_start3A_217, %dma_start3A_218] : memref<4096x200x64xf32, #tpu.memory_space<hbm>> -> memref<1x200x64xf32, #tpu.memory_space<hbm>>
      %dma_start3A_220 = tpu.memref_squeeze %dma_start3A_219 : memref<1x200x64xf32, #tpu.memory_space<hbm>> -> memref<200x64xf32, #tpu.memory_space<hbm>>
      %dma_start3A_221 = arith.constant 0 : i32
      %dma_start3A_222 = arith.constant 0 : i32
      %dma_start3A_223 = tpu.memref_slice %arg4[%add3A_216, %dma_start3A_221, %dma_start3A_222] : memref<4096x200x64xf32, #tpu.memory_space<hbm>> -> memref<1x200x64xf32, #tpu.memory_space<hbm>>
      %dma_start3A_224 = tpu.memref_squeeze %dma_start3A_223 : memref<1x200x64xf32, #tpu.memory_space<hbm>> -> memref<200x64xf32, #tpu.memory_space<hbm>>
      tpu.enqueue_dma source(%arg9 : memref<200x64xf32, #tpu.memory_space<vmem>>) target(%dma_start3A_224 : memref<200x64xf32, #tpu.memory_space<hbm>>) target_semaphore(%arg11 : memref<!tpu.dma_semaphore, #tpu.memory_space<semaphore_mem>>)
    }
    %scan3A_69 = arith.constant 62 : i32
    %dma_wait3A_70 = arith.constant 0 : i32
    %dma_wait3A_71 = tpu.memref_slice %arg5[%dma_wait3A_70] : memref<25600xi32, #tpu.memory_space<vmem>> -> memref<200xi32, #tpu.memory_space<vmem>>
    %dma_wait3A_72 = arith.constant 0 : i32
    %dma_wait3A_73 = arith.constant 0 : i32
    %dma_wait3A_74 = tpu.memref_slice %arg3[%dma_wait3A_72, %dma_wait3A_73] : memref<100000x128xf32, #tpu.memory_space<hbm>> -> memref<100000x128xf32, #tpu.memory_space<hbm>>
    tpu.wait_indirect_dma semaphore(%arg10 : memref<!tpu.dma_semaphore, #tpu.memory_space<semaphore_mem>>) src(%dma_wait3A_74 : memref<100000x128xf32, #tpu.memory_space<hbm>>) dst(%arg6 : memref<200x128xf32, #tpu.memory_space<vmem>>)
    %dma_wait3A_75 = arith.constant 0 : i32
    %dma_wait3A_76 = arith.constant 0 : i32
    %dma_wait3A_77 = tpu.memref_slice %arg4[%mul3A_4, %dma_wait3A_75, %dma_wait3A_76] : memref<4096x200x64xf32, #tpu.memory_space<hbm>> -> memref<1x200x64xf32, #tpu.memory_space<hbm>>
    %dma_wait3A_78 = tpu.memref_squeeze %dma_wait3A_77 : memref<1x200x64xf32, #tpu.memory_space<hbm>> -> memref<200x64xf32, #tpu.memory_space<hbm>>
    %dma_wait3A_79 = arith.constant 0 : i32
    %dma_wait3A_80 = arith.constant 0 : i32
    %dma_wait3A_81 = tpu.memref_slice %arg4[%mul3A_4, %dma_wait3A_79, %dma_wait3A_80] : memref<4096x200x64xf32, #tpu.memory_space<hbm>> -> memref<1x200x64xf32, #tpu.memory_space<hbm>>
    %dma_wait3A_82 = tpu.memref_squeeze %dma_wait3A_81 : memref<1x200x64xf32, #tpu.memory_space<hbm>> -> memref<200x64xf32, #tpu.memory_space<hbm>>
    tpu.wait_dma2 semaphore(%arg11 : memref<!tpu.dma_semaphore, #tpu.memory_space<semaphore_mem>>) src(%arg8 : memref<200x64xf32, #tpu.memory_space<vmem>>) dst(%dma_wait3A_82 : memref<200x64xf32, #tpu.memory_space<hbm>>)
    %scan3A_83 = arith.constant 0 : i32
    %scan3A_84 = arith.constant 0 : i32
    %scan3A_85 = arith.constant 25 : i32
    %scan3A_86 = arith.addi %scan3A_84, %scan3A_85 : i32
    %scan3A_87 = arith.constant 1 : i32
    scf.for %scan3A_144 = %scan3A_84 to %scan3A_86 step %scan3A_87  : i32 {
      %mul3A_145 = arith.constant 8 : i32
      %mul3A_146 = arith.muli %scan3A_144, %mul3A_145 : i32
      %add3A_147 = arith.constant 0 : i32
      %add3A_148 = arith.addi %mul3A_146, %add3A_147 : i32
      %get3A = arith.index_cast %add3A_148 : i32 to index
      %get3A_149 = arith.constant 0 : index
      %get3A_150 = tpu.vector_load %arg6[%get3A, %get3A_149] {strides = array<i32>} : memref<200x128xf32, #tpu.memory_space<vmem>>, vector<1x16xf32>,
      %get3A_151 = vector.shape_cast %get3A_150 : vector<1x16xf32> to vector<16xf32>
      %add3A_152 = arith.constant 0 : i32
      %add3A_153 = arith.addi %mul3A_146, %add3A_152 : i32
      %swap3A = arith.index_cast %add3A_153 : i32 to index
      %swap3A_154 = arith.constant 0 : index
      %swap3A_155 = tpu.vector_load %arg8[%swap3A, %swap3A_154] {strides = array<i32>} : memref<200x64xf32, #tpu.memory_space<vmem>>, vector<1x16xf32>,
      %swap3A_156 = vector.shape_cast %swap3A_155 : vector<1x16xf32> to vector<16xf32>
      %swap3A_157 = vector.shape_cast %get3A_151 : vector<16xf32> to vector<1x16xf32>
      tpu.vector_store %arg8[%swap3A, %swap3A_154], %swap3A_157 {strides = array<i32>} : memref<200x64xf32, #tpu.memory_space<vmem>>, vector<1x16xf32>,
      %add3A_158 = arith.constant 0 : i32
      %add3A_159 = arith.addi %mul3A_146, %add3A_158 : i32
      %get3A_160 = arith.index_cast %add3A_159 : i32 to index
      %get3A_161 = arith.constant 16 : index
      %get3A_162 = tpu.vector_load %arg6[%get3A_160, %get3A_161] {strides = array<i32>} : memref<200x128xf32, #tpu.memory_space<vmem>>, vector<1x16xf32>,
      %get3A_163 = vector.shape_cast %get3A_162 : vector<1x16xf32> to vector<16xf32>
      %add3A_164 = arith.constant 0 : i32
      %add3A_165 = arith.addi %mul3A_146, %add3A_164 : i32
      %swap3A_166 = arith.index_cast %add3A_165 : i32 to index
      %swap3A_167 = arith.constant 16 : index
      %swap3A_168 = tpu.vector_load %arg8[%swap3A_166, %swap3A_167] {strides = array<i32>} : memref<200x64xf32, #tpu.memory_space<vmem>>, vector<1x16xf32>,
      %swap3A_169 = vector.shape_cast %swap3A_168 : vector<1x16xf32> to vector<16xf32>
      %swap3A_170 = vector.shape_cast %get3A_163 : vector<16xf32> to vector<1x16xf32>
      tpu.vector_store %arg8[%swap3A_166, %swap3A_167], %swap3A_170 {strides = array<i32>} : memref<200x64xf32, #tpu.memory_space<vmem>>, vector<1x16xf32>,
      %add3A_171 = arith.constant 0 : i32
      %add3A_172 = arith.addi %mul3A_146, %add3A_171 : i32
      %get3A_173 = arith.index_cast %add3A_172 : i32 to index
      %get3A_174 = arith.constant 32 : index
      %get3A_175 = tpu.vector_load %arg6[%get3A_173, %get3A_174] {strides = array<i32>} : memref<200x128xf32, #tpu.memory_space<vmem>>, vector<1x16xf32>,
      %get3A_176 = vector.shape_cast %get3A_175 : vector<1x16xf32> to vector<16xf32>
      %add3A_177 = arith.constant 0 : i32
      %add3A_178 = arith.addi %mul3A_146, %add3A_177 : i32
      %swap3A_179 = arith.index_cast %add3A_178 : i32 to index
      %swap3A_180 = arith.constant 32 : index
      %swap3A_181 = tpu.vector_load %arg8[%swap3A_179, %swap3A_180] {strides = array<i32>} : memref<200x64xf32, #tpu.memory_space<vmem>>, vector<1x16xf32>,
      %swap3A_182 = vector.shape_cast %swap3A_181 : vector<1x16xf32> to vector<16xf32>
      %swap3A_183 = vector.shape_cast %get3A_176 : vector<16xf32> to vector<1x16xf32>
      tpu.vector_store %arg8[%swap3A_179, %swap3A_180], %swap3A_183 {strides = array<i32>} : memref<200x64xf32, #tpu.memory_space<vmem>>, vector<1x16xf32>,
      %add3A_184 = arith.constant 0 : i32
      %add3A_185 = arith.addi %mul3A_146, %add3A_184 : i32
      %get3A_186 = arith.index_cast %add3A_185 : i32 to index
      %get3A_187 = arith.constant 48 : index
      %get3A_188 = tpu.vector_load %arg6[%get3A_186, %get3A_187] {strides = array<i32>} : memref<200x128xf32, #tpu.memory_space<vmem>>, vector<1x16xf32>,
      %get3A_189 = vector.shape_cast %get3A_188 : vector<1x16xf32> to vector<16xf32>
      %add3A_190 = arith.constant 0 : i32
      %add3A_191 = arith.addi %mul3A_146, %add3A_190 : i32
      %swap3A_192 = arith.index_cast %add3A_191 : i32 to index
      %swap3A_193 = arith.constant 48 : index
      %swap3A_194 = tpu.vector_load %arg8[%swap3A_192, %swap3A_193] {strides = array<i32>} : memref<200x64xf32, #tpu.memory_space<vmem>>, vector<1x16xf32>,
      %swap3A_195 = vector.shape_cast %swap3A_194 : vector<1x16xf32> to vector<16xf32>
      %swap3A_196 = vector.shape_cast %get3A_189 : vector<16xf32> to vector<1x16xf32>
      tpu.vector_store %arg8[%swap3A_192, %swap3A_193], %swap3A_196 {strides = array<i32>} : memref<200x64xf32, #tpu.memory_space<vmem>>, vector<1x16xf32>,
      %add3A_197 = arith.constant 1 : i32
      %add3A_198 = arith.addi %mul3A_146, %add3A_197 : i32
      %get3A_199 = arith.index_cast %add3A_198 : i32 to index
      %get3A_200 = arith.constant 0 : index
      %get3A_201 = tpu.vector_load %arg6[%get3A_199, %get3A_200] {strides = array<i32>} : memref<200x128xf32, #tpu.memory_space<vmem>>, vector<1x16xf32>,
      %get3A_202 = vector.shape_cast %get3A_201 : vector<1x16xf32> to vector<16xf32>
      %add3A_203 = arith.constant 1 : i32
      %add3A_204 = arith.addi %mul3A_146, %add3A_203 : i32
      %swap3A_205 = arith.index_cast %add3A_204 : i32 to index
      %swap3A_206 = arith.constant 0 : index
      %swap3A_207 = tpu.vector_load %arg8[%swap3A_205, %swap3A_206] {strides = array<i32>} : memref<200x64xf32, #tpu.memory_space<vmem>>, vector<1x16xf32>,
      %swap3A_208 = vector.shape_cast %swap3A_207 : vector<1x16xf32> to vector<16xf32>
      %swap3A_209 = vector.shape_cast %get3A_202 : vector<16xf32> to vector<1x16xf32>
      tpu.vector_store %arg8[%swap3A_205, %swap3A_206], %swap3A_209 {strides = array<i32>} : memref<200x64xf32, #tpu.memory_space<vmem>>, vector<1x16xf32>,
      %add3A_210 = arith.constant 1 : i32
      %add3A_211 = arith.addi %mul3A_146, %add3A_210 : i32
      %get3A_212 = arith.index_cast %add3A_211 : i32 to index
      %get3A_213 = arith.constant 16 : index
      %get3A_214 = tpu.vector_load %arg6[%get3A_212, %get3A_213] {strides = array<i32>} : memref<200x128xf32, #tpu.memory_space<vmem>>, vector<1x16xf32>,
      %get3A_215 = vector.shape_cast %get3A_214 : vector<1x16xf32> to vector<16xf32>
      %add3A_216 = arith.constant 1 : i32
      %add3A_217 = arith.addi %mul3A_146, %add3A_216 : i32
      %swap3A_218 = arith.index_cast %add3A_217 : i32 to index
      %swap3A_219 = arith.constant 16 : index
      %swap3A_220 = tpu.vector_load %arg8[%swap3A_218, %swap3A_219] {strides = array<i32>} : memref<200x64xf32, #tpu.memory_space<vmem>>, vector<1x16xf32>,
      %swap3A_221 = vector.shape_cast %swap3A_220 : vector<1x16xf32> to vector<16xf32>
      %swap3A_222 = vector.shape_cast %get3A_215 : vector<16xf32> to vector<1x16xf32>
      tpu.vector_store %arg8[%swap3A_218, %swap3A_219], %swap3A_222 {strides = array<i32>} : memref<200x64xf32, #tpu.memory_space<vmem>>, vector<1x16xf32>,
      %add3A_223 = arith.constant 1 : i32
      %add3A_224 = arith.addi %mul3A_146, %add3A_223 : i32
      %get3A_225 = arith.index_cast %add3A_224 : i32 to index
      %get3A_226 = arith.constant 32 : index
      %get3A_227 = tpu.vector_load %arg6[%get3A_225, %get3A_226] {strides = array<i32>} : memref<200x128xf32, #tpu.memory_space<vmem>>, vector<1x16xf32>,
      %get3A_228 = vector.shape_cast %get3A_227 : vector<1x16xf32> to vector<16xf32>
      %add3A_229 = arith.constant 1 : i32
      %add3A_230 = arith.addi %mul3A_146, %add3A_229 : i32
      %swap3A_231 = arith.index_cast %add3A_230 : i32 to index
      %swap3A_232 = arith.constant 32 : index
      %swap3A_233 = tpu.vector_load %arg8[%swap3A_231, %swap3A_232] {strides = array<i32>} : memref<200x64xf32, #tpu.memory_space<vmem>>, vector<1x16xf32>,
      %swap3A_234 = vector.shape_cast %swap3A_233 : vector<1x16xf32> to vector<16xf32>
      %swap3A_235 = vector.shape_cast %get3A_228 : vector<16xf32> to vector<1x16xf32>
      tpu.vector_store %arg8[%swap3A_231, %swap3A_232], %swap3A_235 {strides = array<i32>} : memref<200x64xf32, #tpu.memory_space<vmem>>, vector<1x16xf32>,
      %add3A_236 = arith.constant 1 : i32
      %add3A_237 = arith.addi %mul3A_146, %add3A_236 : i32
      %get3A_238 = arith.index_cast %add3A_237 : i32 to index
      %get3A_239 = arith.constant 48 : index
      %get3A_240 = tpu.vector_load %arg6[%get3A_238, %get3A_239] {strides = array<i32>} : memref<200x128xf32, #tpu.memory_space<vmem>>, vector<1x16xf32>,
      %get3A_241 = vector.shape_cast %get3A_240 : vector<1x16xf32> to vector<16xf32>
      %add3A_242 = arith.constant 1 : i32
      %add3A_243 = arith.addi %mul3A_146, %add3A_242 : i32
      %swap3A_244 = arith.index_cast %add3A_243 : i32 to index
      %swap3A_245 = arith.constant 48 : index
      %swap3A_246 = tpu.vector_load %arg8[%swap3A_244, %swap3A_245] {strides = array<i32>} : memref<200x64xf32, #tpu.memory_space<vmem>>, vector<1x16xf32>,
      %swap3A_247 = vector.shape_cast %swap3A_246 : vector<1x16xf32> to vector<16xf32>
      %swap3A_248 = vector.shape_cast %get3A_241 : vector<16xf32> to vector<1x16xf32>
      tpu.vector_store %arg8[%swap3A_244, %swap3A_245], %swap3A_248 {strides = array<i32>} : memref<200x64xf32, #tpu.memory_space<vmem>>, vector<1x16xf32>,
      %add3A_249 = arith.constant 2 : i32
      %add3A_250 = arith.addi %mul3A_146, %add3A_249 : i32
      %get3A_251 = arith.index_cast %add3A_250 : i32 to index
      %get3A_252 = arith.constant 0 : index
      %get3A_253 = tpu.vector_load %arg6[%get3A_251, %get3A_252] {strides = array<i32>} : memref<200x128xf32, #tpu.memory_space<vmem>>, vector<1x16xf32>,
      %get3A_254 = vector.shape_cast %get3A_253 : vector<1x16xf32> to vector<16xf32>
      %add3A_255 = arith.constant 2 : i32
      %add3A_256 = arith.addi %mul3A_146, %add3A_255 : i32
      %swap3A_257 = arith.index_cast %add3A_256 : i32 to index
      %swap3A_258 = arith.constant 0 : index
      %swap3A_259 = tpu.vector_load %arg8[%swap3A_257, %swap3A_258] {strides = array<i32>} : memref<200x64xf32, #tpu.memory_space<vmem>>, vector<1x16xf32>,
      %swap3A_260 = vector.shape_cast %swap3A_259 : vector<1x16xf32> to vector<16xf32>
      %swap3A_261 = vector.shape_cast %get3A_254 : vector<16xf32> to vector<1x16xf32>
      tpu.vector_store %arg8[%swap3A_257, %swap3A_258], %swap3A_261 {strides = array<i32>} : memref<200x64xf32, #tpu.memory_space<vmem>>, vector<1x16xf32>,
      %add3A_262 = arith.constant 2 : i32
      %add3A_263 = arith.addi %mul3A_146, %add3A_262 : i32
      %get3A_264 = arith.index_cast %add3A_263 : i32 to index
      %get3A_265 = arith.constant 16 : index
      %get3A_266 = tpu.vector_load %arg6[%get3A_264, %get3A_265] {strides = array<i32>} : memref<200x128xf32, #tpu.memory_space<vmem>>, vector<1x16xf32>,
      %get3A_267 = vector.shape_cast %get3A_266 : vector<1x16xf32> to vector<16xf32>
      %add3A_268 = arith.constant 2 : i32
      %add3A_269 = arith.addi %mul3A_146, %add3A_268 : i32
      %swap3A_270 = arith.index_cast %add3A_269 : i32 to index
      %swap3A_271 = arith.constant 16 : index
      %swap3A_272 = tpu.vector_load %arg8[%swap3A_270, %swap3A_271] {strides = array<i32>} : memref<200x64xf32, #tpu.memory_space<vmem>>, vector<1x16xf32>,
      %swap3A_273 = vector.shape_cast %swap3A_272 : vector<1x16xf32> to vector<16xf32>
      %swap3A_274 = vector.shape_cast %get3A_267 : vector<16xf32> to vector<1x16xf32>
      tpu.vector_store %arg8[%swap3A_270, %swap3A_271], %swap3A_274 {strides = array<i32>} : memref<200x64xf32, #tpu.memory_space<vmem>>, vector<1x16xf32>,
      %add3A_275 = arith.constant 2 : i32
      %add3A_276 = arith.addi %mul3A_146, %add3A_275 : i32
      %get3A_277 = arith.index_cast %add3A_276 : i32 to index
      %get3A_278 = arith.constant 32 : index
      %get3A_279 = tpu.vector_load %arg6[%get3A_277, %get3A_278] {strides = array<i32>} : memref<200x128xf32, #tpu.memory_space<vmem>>, vector<1x16xf32>,
      %get3A_280 = vector.shape_cast %get3A_279 : vector<1x16xf32> to vector<16xf32>
      %add3A_281 = arith.constant 2 : i32
      %add3A_282 = arith.addi %mul3A_146, %add3A_281 : i32
      %swap3A_283 = arith.index_cast %add3A_282 : i32 to index
      %swap3A_284 = arith.constant 32 : index
      %swap3A_285 = tpu.vector_load %arg8[%swap3A_283, %swap3A_284] {strides = array<i32>} : memref<200x64xf32, #tpu.memory_space<vmem>>, vector<1x16xf32>,
      %swap3A_286 = vector.shape_cast %swap3A_285 : vector<1x16xf32> to vector<16xf32>
      %swap3A_287 = vector.shape_cast %get3A_280 : vector<16xf32> to vector<1x16xf32>
      tpu.vector_store %arg8[%swap3A_283, %swap3A_284], %swap3A_287 {strides = array<i32>} : memref<200x64xf32, #tpu.memory_space<vmem>>, vector<1x16xf32>,
      %add3A_288 = arith.constant 2 : i32
      %add3A_289 = arith.addi %mul3A_146, %add3A_288 : i32
      %get3A_290 = arith.index_cast %add3A_289 : i32 to index
      %get3A_291 = arith.constant 48 : index
      %get3A_292 = tpu.vector_load %arg6[%get3A_290, %get3A_291] {strides = array<i32>} : memref<200x128xf32, #tpu.memory_space<vmem>>, vector<1x16xf32>,
      %get3A_293 = vector.shape_cast %get3A_292 : vector<1x16xf32> to vector<16xf32>
      %add3A_294 = arith.constant 2 : i32
      %add3A_295 = arith.addi %mul3A_146, %add3A_294 : i32
      %swap3A_296 = arith.index_cast %add3A_295 : i32 to index
      %swap3A_297 = arith.constant 48 : index
      %swap3A_298 = tpu.vector_load %arg8[%swap3A_296, %swap3A_297] {strides = array<i32>} : memref<200x64xf32, #tpu.memory_space<vmem>>, vector<1x16xf32>,
      %swap3A_299 = vector.shape_cast %swap3A_298 : vector<1x16xf32> to vector<16xf32>
      %swap3A_300 = vector.shape_cast %get3A_293 : vector<16xf32> to vector<1x16xf32>
      tpu.vector_store %arg8[%swap3A_296, %swap3A_297], %swap3A_300 {strides = array<i32>} : memref<200x64xf32, #tpu.memory_space<vmem>>, vector<1x16xf32>,
      %add3A_301 = arith.constant 3 : i32
      %add3A_302 = arith.addi %mul3A_146, %add3A_301 : i32
      %get3A_303 = arith.index_cast %add3A_302 : i32 to index
      %get3A_304 = arith.constant 0 : index
      %get3A_305 = tpu.vector_load %arg6[%get3A_303, %get3A_304] {strides = array<i32>} : memref<200x128xf32, #tpu.memory_space<vmem>>, vector<1x16xf32>,
      %get3A_306 = vector.shape_cast %get3A_305 : vector<1x16xf32> to vector<16xf32>
      %add3A_307 = arith.constant 3 : i32
      %add3A_308 = arith.addi %mul3A_146, %add3A_307 : i32
      %swap3A_309 = arith.index_cast %add3A_308 : i32 to index
      %swap3A_310 = arith.constant 0 : index
      %swap3A_311 = tpu.vector_load %arg8[%swap3A_309, %swap3A_310] {strides = array<i32>} : memref<200x64xf32, #tpu.memory_space<vmem>>, vector<1x16xf32>,
      %swap3A_312 = vector.shape_cast %swap3A_311 : vector<1x16xf32> to vector<16xf32>
      %swap3A_313 = vector.shape_cast %get3A_306 : vector<16xf32> to vector<1x16xf32>
      tpu.vector_store %arg8[%swap3A_309, %swap3A_310], %swap3A_313 {strides = array<i32>} : memref<200x64xf32, #tpu.memory_space<vmem>>, vector<1x16xf32>,
      %add3A_314 = arith.constant 3 : i32
      %add3A_315 = arith.addi %mul3A_146, %add3A_314 : i32
      %get3A_316 = arith.index_cast %add3A_315 : i32 to index
      %get3A_317 = arith.constant 16 : index
      %get3A_318 = tpu.vector_load %arg6[%get3A_316, %get3A_317] {strides = array<i32>} : memref<200x128xf32, #tpu.memory_space<vmem>>, vector<1x16xf32>,
      %get3A_319 = vector.shape_cast %get3A_318 : vector<1x16xf32> to vector<16xf32>
      %add3A_320 = arith.constant 3 : i32
      %add3A_321 = arith.addi %mul3A_146, %add3A_320 : i32
      %swap3A_322 = arith.index_cast %add3A_321 : i32 to index
      %swap3A_323 = arith.constant 16 : index
      %swap3A_324 = tpu.vector_load %arg8[%swap3A_322, %swap3A_323] {strides = array<i32>} : memref<200x64xf32, #tpu.memory_space<vmem>>, vector<1x16xf32>,
      %swap3A_325 = vector.shape_cast %swap3A_324 : vector<1x16xf32> to vector<16xf32>
      %swap3A_326 = vector.shape_cast %get3A_319 : vector<16xf32> to vector<1x16xf32>
      tpu.vector_store %arg8[%swap3A_322, %swap3A_323], %swap3A_326 {strides = array<i32>} : memref<200x64xf32, #tpu.memory_space<vmem>>, vector<1x16xf32>,
      %add3A_327 = arith.constant 3 : i32
      %add3A_328 = arith.addi %mul3A_146, %add3A_327 : i32
      %get3A_329 = arith.index_cast %add3A_328 : i32 to index
      %get3A_330 = arith.constant 32 : index
      %get3A_331 = tpu.vector_load %arg6[%get3A_329, %get3A_330] {strides = array<i32>} : memref<200x128xf32, #tpu.memory_space<vmem>>, vector<1x16xf32>,
      %get3A_332 = vector.shape_cast %get3A_331 : vector<1x16xf32> to vector<16xf32>
      %add3A_333 = arith.constant 3 : i32
      %add3A_334 = arith.addi %mul3A_146, %add3A_333 : i32
      %swap3A_335 = arith.index_cast %add3A_334 : i32 to index
      %swap3A_336 = arith.constant 32 : index
      %swap3A_337 = tpu.vector_load %arg8[%swap3A_335, %swap3A_336] {strides = array<i32>} : memref<200x64xf32, #tpu.memory_space<vmem>>, vector<1x16xf32>,
      %swap3A_338 = vector.shape_cast %swap3A_337 : vector<1x16xf32> to vector<16xf32>
      %swap3A_339 = vector.shape_cast %get3A_332 : vector<16xf32> to vector<1x16xf32>
      tpu.vector_store %arg8[%swap3A_335, %swap3A_336], %swap3A_339 {strides = array<i32>} : memref<200x64xf32, #tpu.memory_space<vmem>>, vector<1x16xf32>,
      %add3A_340 = arith.constant 3 : i32
      %add3A_341 = arith.addi %mul3A_146, %add3A_340 : i32
      %get3A_342 = arith.index_cast %add3A_341 : i32 to index
      %get3A_343 = arith.constant 48 : index
      %get3A_344 = tpu.vector_load %arg6[%get3A_342, %get3A_343] {strides = array<i32>} : memref<200x128xf32, #tpu.memory_space<vmem>>, vector<1x16xf32>,
      %get3A_345 = vector.shape_cast %get3A_344 : vector<1x16xf32> to vector<16xf32>
      %add3A_346 = arith.constant 3 : i32
      %add3A_347 = arith.addi %mul3A_146, %add3A_346 : i32
      %swap3A_348 = arith.index_cast %add3A_347 : i32 to index
      %swap3A_349 = arith.constant 48 : index
      %swap3A_350 = tpu.vector_load %arg8[%swap3A_348, %swap3A_349] {strides = array<i32>} : memref<200x64xf32, #tpu.memory_space<vmem>>, vector<1x16xf32>,
      %swap3A_351 = vector.shape_cast %swap3A_350 : vector<1x16xf32> to vector<16xf32>
      %swap3A_352 = vector.shape_cast %get3A_345 : vector<16xf32> to vector<1x16xf32>
      tpu.vector_store %arg8[%swap3A_348, %swap3A_349], %swap3A_352 {strides = array<i32>} : memref<200x64xf32, #tpu.memory_space<vmem>>, vector<1x16xf32>,
      %add3A_353 = arith.constant 4 : i32
      %add3A_354 = arith.addi %mul3A_146, %add3A_353 : i32
      %get3A_355 = arith.index_cast %add3A_354 : i32 to index
      %get3A_356 = arith.constant 0 : index
      %get3A_357 = tpu.vector_load %arg6[%get3A_355, %get3A_356] {strides = array<i32>} : memref<200x128xf32, #tpu.memory_space<vmem>>, vector<1x16xf32>,
      %get3A_358 = vector.shape_cast %get3A_357 : vector<1x16xf32> to vector<16xf32>
      %add3A_359 = arith.constant 4 : i32
      %add3A_360 = arith.addi %mul3A_146, %add3A_359 : i32
      %swap3A_361 = arith.index_cast %add3A_360 : i32 to index
      %swap3A_362 = arith.constant 0 : index
      %swap3A_363 = tpu.vector_load %arg8[%swap3A_361, %swap3A_362] {strides = array<i32>} : memref<200x64xf32, #tpu.memory_space<vmem>>, vector<1x16xf32>,
      %swap3A_364 = vector.shape_cast %swap3A_363 : vector<1x16xf32> to vector<16xf32>
      %swap3A_365 = vector.shape_cast %get3A_358 : vector<16xf32> to vector<1x16xf32>
      tpu.vector_store %arg8[%swap3A_361, %swap3A_362], %swap3A_365 {strides = array<i32>} : memref<200x64xf32, #tpu.memory_space<vmem>>, vector<1x16xf32>,
      %add3A_366 = arith.constant 4 : i32
      %add3A_367 = arith.addi %mul3A_146, %add3A_366 : i32
      %get3A_368 = arith.index_cast %add3A_367 : i32 to index
      %get3A_369 = arith.constant 16 : index
      %get3A_370 = tpu.vector_load %arg6[%get3A_368, %get3A_369] {strides = array<i32>} : memref<200x128xf32, #tpu.memory_space<vmem>>, vector<1x16xf32>,
      %get3A_371 = vector.shape_cast %get3A_370 : vector<1x16xf32> to vector<16xf32>
      %add3A_372 = arith.constant 4 : i32
      %add3A_373 = arith.addi %mul3A_146, %add3A_372 : i32
      %swap3A_374 = arith.index_cast %add3A_373 : i32 to index
      %swap3A_375 = arith.constant 16 : index
      %swap3A_376 = tpu.vector_load %arg8[%swap3A_374, %swap3A_375] {strides = array<i32>} : memref<200x64xf32, #tpu.memory_space<vmem>>, vector<1x16xf32>,
      %swap3A_377 = vector.shape_cast %swap3A_376 : vector<1x16xf32> to vector<16xf32>
      %swap3A_378 = vector.shape_cast %get3A_371 : vector<16xf32> to vector<1x16xf32>
      tpu.vector_store %arg8[%swap3A_374, %swap3A_375], %swap3A_378 {strides = array<i32>} : memref<200x64xf32, #tpu.memory_space<vmem>>, vector<1x16xf32>,
      %add3A_379 = arith.constant 4 : i32
      %add3A_380 = arith.addi %mul3A_146, %add3A_379 : i32
      %get3A_381 = arith.index_cast %add3A_380 : i32 to index
      %get3A_382 = arith.constant 32 : index
      %get3A_383 = tpu.vector_load %arg6[%get3A_381, %get3A_382] {strides = array<i32>} : memref<200x128xf32, #tpu.memory_space<vmem>>, vector<1x16xf32>,
      %get3A_384 = vector.shape_cast %get3A_383 : vector<1x16xf32> to vector<16xf32>
      %add3A_385 = arith.constant 4 : i32
      %add3A_386 = arith.addi %mul3A_146, %add3A_385 : i32
      %swap3A_387 = arith.index_cast %add3A_386 : i32 to index
      %swap3A_388 = arith.constant 32 : index
      %swap3A_389 = tpu.vector_load %arg8[%swap3A_387, %swap3A_388] {strides = array<i32>} : memref<200x64xf32, #tpu.memory_space<vmem>>, vector<1x16xf32>,
      %swap3A_390 = vector.shape_cast %swap3A_389 : vector<1x16xf32> to vector<16xf32>
      %swap3A_391 = vector.shape_cast %get3A_384 : vector<16xf32> to vector<1x16xf32>
      tpu.vector_store %arg8[%swap3A_387, %swap3A_388], %swap3A_391 {strides = array<i32>} : memref<200x64xf32, #tpu.memory_space<vmem>>, vector<1x16xf32>,
      %add3A_392 = arith.constant 4 : i32
      %add3A_393 = arith.addi %mul3A_146, %add3A_392 : i32
      %get3A_394 = arith.index_cast %add3A_393 : i32 to index
      %get3A_395 = arith.constant 48 : index
      %get3A_396 = tpu.vector_load %arg6[%get3A_394, %get3A_395] {strides = array<i32>} : memref<200x128xf32, #tpu.memory_space<vmem>>, vector<1x16xf32>,
      %get3A_397 = vector.shape_cast %get3A_396 : vector<1x16xf32> to vector<16xf32>
      %add3A_398 = arith.constant 4 : i32
      %add3A_399 = arith.addi %mul3A_146, %add3A_398 : i32
      %swap3A_400 = arith.index_cast %add3A_399 : i32 to index
      %swap3A_401 = arith.constant 48 : index
      %swap3A_402 = tpu.vector_load %arg8[%swap3A_400, %swap3A_401] {strides = array<i32>} : memref<200x64xf32, #tpu.memory_space<vmem>>, vector<1x16xf32>,
      %swap3A_403 = vector.shape_cast %swap3A_402 : vector<1x16xf32> to vector<16xf32>
      %swap3A_404 = vector.shape_cast %get3A_397 : vector<16xf32> to vector<1x16xf32>
      tpu.vector_store %arg8[%swap3A_400, %swap3A_401], %swap3A_404 {strides = array<i32>} : memref<200x64xf32, #tpu.memory_space<vmem>>, vector<1x16xf32>,
      %add3A_405 = arith.constant 5 : i32
      %add3A_406 = arith.addi %mul3A_146, %add3A_405 : i32
      %get3A_407 = arith.index_cast %add3A_406 : i32 to index
      %get3A_408 = arith.constant 0 : index
      %get3A_409 = tpu.vector_load %arg6[%get3A_407, %get3A_408] {strides = array<i32>} : memref<200x128xf32, #tpu.memory_space<vmem>>, vector<1x16xf32>,
      %get3A_410 = vector.shape_cast %get3A_409 : vector<1x16xf32> to vector<16xf32>
      %add3A_411 = arith.constant 5 : i32
      %add3A_412 = arith.addi %mul3A_146, %add3A_411 : i32
      %swap3A_413 = arith.index_cast %add3A_412 : i32 to index
      %swap3A_414 = arith.constant 0 : index
      %swap3A_415 = tpu.vector_load %arg8[%swap3A_413, %swap3A_414] {strides = array<i32>} : memref<200x64xf32, #tpu.memory_space<vmem>>, vector<1x16xf32>,
      %swap3A_416 = vector.shape_cast %swap3A_415 : vector<1x16xf32> to vector<16xf32>
      %swap3A_417 = vector.shape_cast %get3A_410 : vector<16xf32> to vector<1x16xf32>
      tpu.vector_store %arg8[%swap3A_413, %swap3A_414], %swap3A_417 {strides = array<i32>} : memref<200x64xf32, #tpu.memory_space<vmem>>, vector<1x16xf32>,
      %add3A_418 = arith.constant 5 : i32
      %add3A_419 = arith.addi %mul3A_146, %add3A_418 : i32
      %get3A_420 = arith.index_cast %add3A_419 : i32 to index
      %get3A_421 = arith.constant 16 : index
      %get3A_422 = tpu.vector_load %arg6[%get3A_420, %get3A_421] {strides = array<i32>} : memref<200x128xf32, #tpu.memory_space<vmem>>, vector<1x16xf32>,
      %get3A_423 = vector.shape_cast %get3A_422 : vector<1x16xf32> to vector<16xf32>
      %add3A_424 = arith.constant 5 : i32
      %add3A_425 = arith.addi %mul3A_146, %add3A_424 : i32
      %swap3A_426 = arith.index_cast %add3A_425 : i32 to index
      %swap3A_427 = arith.constant 16 : index
      %swap3A_428 = tpu.vector_load %arg8[%swap3A_426, %swap3A_427] {strides = array<i32>} : memref<200x64xf32, #tpu.memory_space<vmem>>, vector<1x16xf32>,
      %swap3A_429 = vector.shape_cast %swap3A_428 : vector<1x16xf32> to vector<16xf32>
      %swap3A_430 = vector.shape_cast %get3A_423 : vector<16xf32> to vector<1x16xf32>
      tpu.vector_store %arg8[%swap3A_426, %swap3A_427], %swap3A_430 {strides = array<i32>} : memref<200x64xf32, #tpu.memory_space<vmem>>, vector<1x16xf32>,
      %add3A_431 = arith.constant 5 : i32
      %add3A_432 = arith.addi %mul3A_146, %add3A_431 : i32
      %get3A_433 = arith.index_cast %add3A_432 : i32 to index
      %get3A_434 = arith.constant 32 : index
      %get3A_435 = tpu.vector_load %arg6[%get3A_433, %get3A_434] {strides = array<i32>} : memref<200x128xf32, #tpu.memory_space<vmem>>, vector<1x16xf32>,
      %get3A_436 = vector.shape_cast %get3A_435 : vector<1x16xf32> to vector<16xf32>
      %add3A_437 = arith.constant 5 : i32
      %add3A_438 = arith.addi %mul3A_146, %add3A_437 : i32
      %swap3A_439 = arith.index_cast %add3A_438 : i32 to index
      %swap3A_440 = arith.constant 32 : index
      %swap3A_441 = tpu.vector_load %arg8[%swap3A_439, %swap3A_440] {strides = array<i32>} : memref<200x64xf32, #tpu.memory_space<vmem>>, vector<1x16xf32>,
      %swap3A_442 = vector.shape_cast %swap3A_441 : vector<1x16xf32> to vector<16xf32>
      %swap3A_443 = vector.shape_cast %get3A_436 : vector<16xf32> to vector<1x16xf32>
      tpu.vector_store %arg8[%swap3A_439, %swap3A_440], %swap3A_443 {strides = array<i32>} : memref<200x64xf32, #tpu.memory_space<vmem>>, vector<1x16xf32>,
      %add3A_444 = arith.constant 5 : i32
      %add3A_445 = arith.addi %mul3A_146, %add3A_444 : i32
      %get3A_446 = arith.index_cast %add3A_445 : i32 to index
      %get3A_447 = arith.constant 48 : index
      %get3A_448 = tpu.vector_load %arg6[%get3A_446, %get3A_447] {strides = array<i32>} : memref<200x128xf32, #tpu.memory_space<vmem>>, vector<1x16xf32>,
      %get3A_449 = vector.shape_cast %get3A_448 : vector<1x16xf32> to vector<16xf32>
      %add3A_450 = arith.constant 5 : i32
      %add3A_451 = arith.addi %mul3A_146, %add3A_450 : i32
      %swap3A_452 = arith.index_cast %add3A_451 : i32 to index
      %swap3A_453 = arith.constant 48 : index
      %swap3A_454 = tpu.vector_load %arg8[%swap3A_452, %swap3A_453] {strides = array<i32>} : memref<200x64xf32, #tpu.memory_space<vmem>>, vector<1x16xf32>,
      %swap3A_455 = vector.shape_cast %swap3A_454 : vector<1x16xf32> to vector<16xf32>
      %swap3A_456 = vector.shape_cast %get3A_449 : vector<16xf32> to vector<1x16xf32>
      tpu.vector_store %arg8[%swap3A_452, %swap3A_453], %swap3A_456 {strides = array<i32>} : memref<200x64xf32, #tpu.memory_space<vmem>>, vector<1x16xf32>,
      %add3A_457 = arith.constant 6 : i32
      %add3A_458 = arith.addi %mul3A_146, %add3A_457 : i32
      %get3A_459 = arith.index_cast %add3A_458 : i32 to index
      %get3A_460 = arith.constant 0 : index
      %get3A_461 = tpu.vector_load %arg6[%get3A_459, %get3A_460] {strides = array<i32>} : memref<200x128xf32, #tpu.memory_space<vmem>>, vector<1x16xf32>,
      %get3A_462 = vector.shape_cast %get3A_461 : vector<1x16xf32> to vector<16xf32>
      %add3A_463 = arith.constant 6 : i32
      %add3A_464 = arith.addi %mul3A_146, %add3A_463 : i32
      %swap3A_465 = arith.index_cast %add3A_464 : i32 to index
      %swap3A_466 = arith.constant 0 : index
      %swap3A_467 = tpu.vector_load %arg8[%swap3A_465, %swap3A_466] {strides = array<i32>} : memref<200x64xf32, #tpu.memory_space<vmem>>, vector<1x16xf32>,
      %swap3A_468 = vector.shape_cast %swap3A_467 : vector<1x16xf32> to vector<16xf32>
      %swap3A_469 = vector.shape_cast %get3A_462 : vector<16xf32> to vector<1x16xf32>
      tpu.vector_store %arg8[%swap3A_465, %swap3A_466], %swap3A_469 {strides = array<i32>} : memref<200x64xf32, #tpu.memory_space<vmem>>, vector<1x16xf32>,
      %add3A_470 = arith.constant 6 : i32
      %add3A_471 = arith.addi %mul3A_146, %add3A_470 : i32
      %get3A_472 = arith.index_cast %add3A_471 : i32 to index
      %get3A_473 = arith.constant 16 : index
      %get3A_474 = tpu.vector_load %arg6[%get3A_472, %get3A_473] {strides = array<i32>} : memref<200x128xf32, #tpu.memory_space<vmem>>, vector<1x16xf32>,
      %get3A_475 = vector.shape_cast %get3A_474 : vector<1x16xf32> to vector<16xf32>
      %add3A_476 = arith.constant 6 : i32
      %add3A_477 = arith.addi %mul3A_146, %add3A_476 : i32
      %swap3A_478 = arith.index_cast %add3A_477 : i32 to index
      %swap3A_479 = arith.constant 16 : index
      %swap3A_480 = tpu.vector_load %arg8[%swap3A_478, %swap3A_479] {strides = array<i32>} : memref<200x64xf32, #tpu.memory_space<vmem>>, vector<1x16xf32>,
      %swap3A_481 = vector.shape_cast %swap3A_480 : vector<1x16xf32> to vector<16xf32>
      %swap3A_482 = vector.shape_cast %get3A_475 : vector<16xf32> to vector<1x16xf32>
      tpu.vector_store %arg8[%swap3A_478, %swap3A_479], %swap3A_482 {strides = array<i32>} : memref<200x64xf32, #tpu.memory_space<vmem>>, vector<1x16xf32>,
      %add3A_483 = arith.constant 6 : i32
      %add3A_484 = arith.addi %mul3A_146, %add3A_483 : i32
      %get3A_485 = arith.index_cast %add3A_484 : i32 to index
      %get3A_486 = arith.constant 32 : index
      %get3A_487 = tpu.vector_load %arg6[%get3A_485, %get3A_486] {strides = array<i32>} : memref<200x128xf32, #tpu.memory_space<vmem>>, vector<1x16xf32>,
      %get3A_488 = vector.shape_cast %get3A_487 : vector<1x16xf32> to vector<16xf32>
      %add3A_489 = arith.constant 6 : i32
      %add3A_490 = arith.addi %mul3A_146, %add3A_489 : i32
      %swap3A_491 = arith.index_cast %add3A_490 : i32 to index
      %swap3A_492 = arith.constant 32 : index
      %swap3A_493 = tpu.vector_load %arg8[%swap3A_491, %swap3A_492] {strides = array<i32>} : memref<200x64xf32, #tpu.memory_space<vmem>>, vector<1x16xf32>,
      %swap3A_494 = vector.shape_cast %swap3A_493 : vector<1x16xf32> to vector<16xf32>
      %swap3A_495 = vector.shape_cast %get3A_488 : vector<16xf32> to vector<1x16xf32>
      tpu.vector_store %arg8[%swap3A_491, %swap3A_492], %swap3A_495 {strides = array<i32>} : memref<200x64xf32, #tpu.memory_space<vmem>>, vector<1x16xf32>,
      %add3A_496 = arith.constant 6 : i32
      %add3A_497 = arith.addi %mul3A_146, %add3A_496 : i32
      %get3A_498 = arith.index_cast %add3A_497 : i32 to index
      %get3A_499 = arith.constant 48 : index
      %get3A_500 = tpu.vector_load %arg6[%get3A_498, %get3A_499] {strides = array<i32>} : memref<200x128xf32, #tpu.memory_space<vmem>>, vector<1x16xf32>,
      %get3A_501 = vector.shape_cast %get3A_500 : vector<1x16xf32> to vector<16xf32>
      %add3A_502 = arith.constant 6 : i32
      %add3A_503 = arith.addi %mul3A_146, %add3A_502 : i32
      %swap3A_504 = arith.index_cast %add3A_503 : i32 to index
      %swap3A_505 = arith.constant 48 : index
      %swap3A_506 = tpu.vector_load %arg8[%swap3A_504, %swap3A_505] {strides = array<i32>} : memref<200x64xf32, #tpu.memory_space<vmem>>, vector<1x16xf32>,
      %swap3A_507 = vector.shape_cast %swap3A_506 : vector<1x16xf32> to vector<16xf32>
      %swap3A_508 = vector.shape_cast %get3A_501 : vector<16xf32> to vector<1x16xf32>
      tpu.vector_store %arg8[%swap3A_504, %swap3A_505], %swap3A_508 {strides = array<i32>} : memref<200x64xf32, #tpu.memory_space<vmem>>, vector<1x16xf32>,
      %add3A_509 = arith.constant 7 : i32
      %add3A_510 = arith.addi %mul3A_146, %add3A_509 : i32
      %get3A_511 = arith.index_cast %add3A_510 : i32 to index
      %get3A_512 = arith.constant 0 : index
      %get3A_513 = tpu.vector_load %arg6[%get3A_511, %get3A_512] {strides = array<i32>} : memref<200x128xf32, #tpu.memory_space<vmem>>, vector<1x16xf32>,
      %get3A_514 = vector.shape_cast %get3A_513 : vector<1x16xf32> to vector<16xf32>
      %add3A_515 = arith.constant 7 : i32
      %add3A_516 = arith.addi %mul3A_146, %add3A_515 : i32
      %swap3A_517 = arith.index_cast %add3A_516 : i32 to index
      %swap3A_518 = arith.constant 0 : index
      %swap3A_519 = tpu.vector_load %arg8[%swap3A_517, %swap3A_518] {strides = array<i32>} : memref<200x64xf32, #tpu.memory_space<vmem>>, vector<1x16xf32>,
      %swap3A_520 = vector.shape_cast %swap3A_519 : vector<1x16xf32> to vector<16xf32>
      %swap3A_521 = vector.shape_cast %get3A_514 : vector<16xf32> to vector<1x16xf32>
      tpu.vector_store %arg8[%swap3A_517, %swap3A_518], %swap3A_521 {strides = array<i32>} : memref<200x64xf32, #tpu.memory_space<vmem>>, vector<1x16xf32>,
      %add3A_522 = arith.constant 7 : i32
      %add3A_523 = arith.addi %mul3A_146, %add3A_522 : i32
      %get3A_524 = arith.index_cast %add3A_523 : i32 to index
      %get3A_525 = arith.constant 16 : index
      %get3A_526 = tpu.vector_load %arg6[%get3A_524, %get3A_525] {strides = array<i32>} : memref<200x128xf32, #tpu.memory_space<vmem>>, vector<1x16xf32>,
      %get3A_527 = vector.shape_cast %get3A_526 : vector<1x16xf32> to vector<16xf32>
      %add3A_528 = arith.constant 7 : i32
      %add3A_529 = arith.addi %mul3A_146, %add3A_528 : i32
      %swap3A_530 = arith.index_cast %add3A_529 : i32 to index
      %swap3A_531 = arith.constant 16 : index
      %swap3A_532 = tpu.vector_load %arg8[%swap3A_530, %swap3A_531] {strides = array<i32>} : memref<200x64xf32, #tpu.memory_space<vmem>>, vector<1x16xf32>,
      %swap3A_533 = vector.shape_cast %swap3A_532 : vector<1x16xf32> to vector<16xf32>
      %swap3A_534 = vector.shape_cast %get3A_527 : vector<16xf32> to vector<1x16xf32>
      tpu.vector_store %arg8[%swap3A_530, %swap3A_531], %swap3A_534 {strides = array<i32>} : memref<200x64xf32, #tpu.memory_space<vmem>>, vector<1x16xf32>,
      %add3A_535 = arith.constant 7 : i32
      %add3A_536 = arith.addi %mul3A_146, %add3A_535 : i32
      %get3A_537 = arith.index_cast %add3A_536 : i32 to index
      %get3A_538 = arith.constant 32 : index
      %get3A_539 = tpu.vector_load %arg6[%get3A_537, %get3A_538] {strides = array<i32>} : memref<200x128xf32, #tpu.memory_space<vmem>>, vector<1x16xf32>,
      %get3A_540 = vector.shape_cast %get3A_539 : vector<1x16xf32> to vector<16xf32>
      %add3A_541 = arith.constant 7 : i32
      %add3A_542 = arith.addi %mul3A_146, %add3A_541 : i32
      %swap3A_543 = arith.index_cast %add3A_542 : i32 to index
      %swap3A_544 = arith.constant 32 : index
      %swap3A_545 = tpu.vector_load %arg8[%swap3A_543, %swap3A_544] {strides = array<i32>} : memref<200x64xf32, #tpu.memory_space<vmem>>, vector<1x16xf32>,
      %swap3A_546 = vector.shape_cast %swap3A_545 : vector<1x16xf32> to vector<16xf32>
      %swap3A_547 = vector.shape_cast %get3A_540 : vector<16xf32> to vector<1x16xf32>
      tpu.vector_store %arg8[%swap3A_543, %swap3A_544], %swap3A_547 {strides = array<i32>} : memref<200x64xf32, #tpu.memory_space<vmem>>, vector<1x16xf32>,
      %add3A_548 = arith.constant 7 : i32
      %add3A_549 = arith.addi %mul3A_146, %add3A_548 : i32
      %get3A_550 = arith.index_cast %add3A_549 : i32 to index
      %get3A_551 = arith.constant 48 : index
      %get3A_552 = tpu.vector_load %arg6[%get3A_550, %get3A_551] {strides = array<i32>} : memref<200x128xf32, #tpu.memory_space<vmem>>, vector<1x16xf32>,
      %get3A_553 = vector.shape_cast %get3A_552 : vector<1x16xf32> to vector<16xf32>
      %add3A_554 = arith.constant 7 : i32
      %add3A_555 = arith.addi %mul3A_146, %add3A_554 : i32
      %swap3A_556 = arith.index_cast %add3A_555 : i32 to index
      %swap3A_557 = arith.constant 48 : index
      %swap3A_558 = tpu.vector_load %arg8[%swap3A_556, %swap3A_557] {strides = array<i32>} : memref<200x64xf32, #tpu.memory_space<vmem>>, vector<1x16xf32>,
      %swap3A_559 = vector.shape_cast %swap3A_558 : vector<1x16xf32> to vector<16xf32>
      %swap3A_560 = vector.shape_cast %get3A_553 : vector<16xf32> to vector<1x16xf32>
      tpu.vector_store %arg8[%swap3A_556, %swap3A_557], %swap3A_560 {strides = array<i32>} : memref<200x64xf32, #tpu.memory_space<vmem>>, vector<1x16xf32>,
    }
    %scan3A_88 = arith.constant 25 : i32
    %add3A_89 = arith.constant 126 : i32
    %add3A_90 = arith.addi %mul3A_4, %add3A_89 : i32
    %dma_start3A_91 = arith.constant 0 : i32
    %dma_start3A_92 = arith.constant 0 : i32
    %dma_start3A_93 = tpu.memref_slice %arg4[%add3A_90, %dma_start3A_91, %dma_start3A_92] : memref<4096x200x64xf32, #tpu.memory_space<hbm>> -> memref<1x200x64xf32, #tpu.memory_space<hbm>>
    %dma_start3A_94 = tpu.memref_squeeze %dma_start3A_93 : memref<1x200x64xf32, #tpu.memory_space<hbm>> -> memref<200x64xf32, #tpu.memory_space<hbm>>
    %dma_start3A_95 = arith.constant 0 : i32
    %dma_start3A_96 = arith.constant 0 : i32
    %dma_start3A_97 = tpu.memref_slice %arg4[%add3A_90, %dma_start3A_95, %dma_start3A_96] : memref<4096x200x64xf32, #tpu.memory_space<hbm>> -> memref<1x200x64xf32, #tpu.memory_space<hbm>>
    %dma_start3A_98 = tpu.memref_squeeze %dma_start3A_97 : memref<1x200x64xf32, #tpu.memory_space<hbm>> -> memref<200x64xf32, #tpu.memory_space<hbm>>
    tpu.enqueue_dma source(%arg8 : memref<200x64xf32, #tpu.memory_space<vmem>>) target(%dma_start3A_98 : memref<200x64xf32, #tpu.memory_space<hbm>>) target_semaphore(%arg11 : memref<!tpu.dma_semaphore, #tpu.memory_space<semaphore_mem>>)
    %dma_wait3A_99 = arith.constant 0 : i32
    %dma_wait3A_100 = tpu.memref_slice %arg5[%dma_wait3A_99] : memref<25600xi32, #tpu.memory_space<vmem>> -> memref<200xi32, #tpu.memory_space<vmem>>
    %dma_wait3A_101 = arith.constant 0 : i32
    %dma_wait3A_102 = arith.constant 0 : i32
    %dma_wait3A_103 = tpu.memref_slice %arg3[%dma_wait3A_101, %dma_wait3A_102] : memref<100000x128xf32, #tpu.memory_space<hbm>> -> memref<100000x128xf32, #tpu.memory_space<hbm>>
    tpu.wait_indirect_dma semaphore(%arg10 : memref<!tpu.dma_semaphore, #tpu.memory_space<semaphore_mem>>) src(%dma_wait3A_103 : memref<100000x128xf32, #tpu.memory_space<hbm>>) dst(%arg7 : memref<200x128xf32, #tpu.memory_space<vmem>>)
    %dma_wait3A_104 = arith.constant 0 : i32
    %dma_wait3A_105 = arith.constant 0 : i32
    %dma_wait3A_106 = tpu.memref_slice %arg4[%mul3A_4, %dma_wait3A_104, %dma_wait3A_105] : memref<4096x200x64xf32, #tpu.memory_space<hbm>> -> memref<1x200x64xf32, #tpu.memory_space<hbm>>
    %dma_wait3A_107 = tpu.memref_squeeze %dma_wait3A_106 : memref<1x200x64xf32, #tpu.memory_space<hbm>> -> memref<200x64xf32, #tpu.memory_space<hbm>>
    %dma_wait3A_108 = arith.constant 0 : i32
    %dma_wait3A_109 = arith.constant 0 : i32
    %dma_wait3A_110 = tpu.memref_slice %arg4[%mul3A_4, %dma_wait3A_108, %dma_wait3A_109] : memref<4096x200x64xf32, #tpu.memory_space<hbm>> -> memref<1x200x64xf32, #tpu.memory_space<hbm>>
    %dma_wait3A_111 = tpu.memref_squeeze %dma_wait3A_110 : memref<1x200x64xf32, #tpu.memory_space<hbm>> -> memref<200x64xf32, #tpu.memory_space<hbm>>
    tpu.wait_dma2 semaphore(%arg11 : memref<!tpu.dma_semaphore, #tpu.memory_space<semaphore_mem>>) src(%arg9 : memref<200x64xf32, #tpu.memory_space<vmem>>) dst(%dma_wait3A_111 : memref<200x64xf32, #tpu.memory_space<hbm>>)
    %scan3A_112 = arith.constant 0 : i32
    %scan3A_113 = arith.constant 0 : i32
    %scan3A_114 = arith.constant 25 : i32
    %scan3A_115 = arith.addi %scan3A_113, %scan3A_114 : i32
    %scan3A_116 = arith.constant 1 : i32
    scf.for %scan3A_144 = %scan3A_113 to %scan3A_115 step %scan3A_116  : i32 {
      %mul3A_145 = arith.constant 8 : i32
      %mul3A_146 = arith.muli %scan3A_144, %mul3A_145 : i32
      %add3A_147 = arith.constant 0 : i32
      %add3A_148 = arith.addi %mul3A_146, %add3A_147 : i32
      %get3A = arith.index_cast %add3A_148 : i32 to index
      %get3A_149 = arith.constant 0 : index
      %get3A_150 = tpu.vector_load %arg7[%get3A, %get3A_149] {strides = array<i32>} : memref<200x128xf32, #tpu.memory_space<vmem>>, vector<1x16xf32>,
      %get3A_151 = vector.shape_cast %get3A_150 : vector<1x16xf32> to vector<16xf32>
      %add3A_152 = arith.constant 0 : i32
      %add3A_153 = arith.addi %mul3A_146, %add3A_152 : i32
      %swap3A = arith.index_cast %add3A_153 : i32 to index
      %swap3A_154 = arith.constant 0 : index
      %swap3A_155 = tpu.vector_load %arg9[%swap3A, %swap3A_154] {strides = array<i32>} : memref<200x64xf32, #tpu.memory_space<vmem>>, vector<1x16xf32>,
      %swap3A_156 = vector.shape_cast %swap3A_155 : vector<1x16xf32> to vector<16xf32>
      %swap3A_157 = vector.shape_cast %get3A_151 : vector<16xf32> to vector<1x16xf32>
      tpu.vector_store %arg9[%swap3A, %swap3A_154], %swap3A_157 {strides = array<i32>} : memref<200x64xf32, #tpu.memory_space<vmem>>, vector<1x16xf32>,
      %add3A_158 = arith.constant 0 : i32
      %add3A_159 = arith.addi %mul3A_146, %add3A_158 : i32
      %get3A_160 = arith.index_cast %add3A_159 : i32 to index
      %get3A_161 = arith.constant 16 : index
      %get3A_162 = tpu.vector_load %arg7[%get3A_160, %get3A_161] {strides = array<i32>} : memref<200x128xf32, #tpu.memory_space<vmem>>, vector<1x16xf32>,
      %get3A_163 = vector.shape_cast %get3A_162 : vector<1x16xf32> to vector<16xf32>
      %add3A_164 = arith.constant 0 : i32
      %add3A_165 = arith.addi %mul3A_146, %add3A_164 : i32
      %swap3A_166 = arith.index_cast %add3A_165 : i32 to index
      %swap3A_167 = arith.constant 16 : index
      %swap3A_168 = tpu.vector_load %arg9[%swap3A_166, %swap3A_167] {strides = array<i32>} : memref<200x64xf32, #tpu.memory_space<vmem>>, vector<1x16xf32>,
      %swap3A_169 = vector.shape_cast %swap3A_168 : vector<1x16xf32> to vector<16xf32>
      %swap3A_170 = vector.shape_cast %get3A_163 : vector<16xf32> to vector<1x16xf32>
      tpu.vector_store %arg9[%swap3A_166, %swap3A_167], %swap3A_170 {strides = array<i32>} : memref<200x64xf32, #tpu.memory_space<vmem>>, vector<1x16xf32>,
      %add3A_171 = arith.constant 0 : i32
      %add3A_172 = arith.addi %mul3A_146, %add3A_171 : i32
      %get3A_173 = arith.index_cast %add3A_172 : i32 to index
      %get3A_174 = arith.constant 32 : index
      %get3A_175 = tpu.vector_load %arg7[%get3A_173, %get3A_174] {strides = array<i32>} : memref<200x128xf32, #tpu.memory_space<vmem>>, vector<1x16xf32>,
      %get3A_176 = vector.shape_cast %get3A_175 : vector<1x16xf32> to vector<16xf32>
      %add3A_177 = arith.constant 0 : i32
      %add3A_178 = arith.addi %mul3A_146, %add3A_177 : i32
      %swap3A_179 = arith.index_cast %add3A_178 : i32 to index
      %swap3A_180 = arith.constant 32 : index
      %swap3A_181 = tpu.vector_load %arg9[%swap3A_179, %swap3A_180] {strides = array<i32>} : memref<200x64xf32, #tpu.memory_space<vmem>>, vector<1x16xf32>,
      %swap3A_182 = vector.shape_cast %swap3A_181 : vector<1x16xf32> to vector<16xf32>
      %swap3A_183 = vector.shape_cast %get3A_176 : vector<16xf32> to vector<1x16xf32>
      tpu.vector_store %arg9[%swap3A_179, %swap3A_180], %swap3A_183 {strides = array<i32>} : memref<200x64xf32, #tpu.memory_space<vmem>>, vector<1x16xf32>,
      %add3A_184 = arith.constant 0 : i32
      %add3A_185 = arith.addi %mul3A_146, %add3A_184 : i32
      %get3A_186 = arith.index_cast %add3A_185 : i32 to index
      %get3A_187 = arith.constant 48 : index
      %get3A_188 = tpu.vector_load %arg7[%get3A_186, %get3A_187] {strides = array<i32>} : memref<200x128xf32, #tpu.memory_space<vmem>>, vector<1x16xf32>,
      %get3A_189 = vector.shape_cast %get3A_188 : vector<1x16xf32> to vector<16xf32>
      %add3A_190 = arith.constant 0 : i32
      %add3A_191 = arith.addi %mul3A_146, %add3A_190 : i32
      %swap3A_192 = arith.index_cast %add3A_191 : i32 to index
      %swap3A_193 = arith.constant 48 : index
      %swap3A_194 = tpu.vector_load %arg9[%swap3A_192, %swap3A_193] {strides = array<i32>} : memref<200x64xf32, #tpu.memory_space<vmem>>, vector<1x16xf32>,
      %swap3A_195 = vector.shape_cast %swap3A_194 : vector<1x16xf32> to vector<16xf32>
      %swap3A_196 = vector.shape_cast %get3A_189 : vector<16xf32> to vector<1x16xf32>
      tpu.vector_store %arg9[%swap3A_192, %swap3A_193], %swap3A_196 {strides = array<i32>} : memref<200x64xf32, #tpu.memory_space<vmem>>, vector<1x16xf32>,
      %add3A_197 = arith.constant 1 : i32
      %add3A_198 = arith.addi %mul3A_146, %add3A_197 : i32
      %get3A_199 = arith.index_cast %add3A_198 : i32 to index
      %get3A_200 = arith.constant 0 : index
      %get3A_201 = tpu.vector_load %arg7[%get3A_199, %get3A_200] {strides = array<i32>} : memref<200x128xf32, #tpu.memory_space<vmem>>, vector<1x16xf32>,
      %get3A_202 = vector.shape_cast %get3A_201 : vector<1x16xf32> to vector<16xf32>
      %add3A_203 = arith.constant 1 : i32
      %add3A_204 = arith.addi %mul3A_146, %add3A_203 : i32
      %swap3A_205 = arith.index_cast %add3A_204 : i32 to index
      %swap3A_206 = arith.constant 0 : index
      %swap3A_207 = tpu.vector_load %arg9[%swap3A_205, %swap3A_206] {strides = array<i32>} : memref<200x64xf32, #tpu.memory_space<vmem>>, vector<1x16xf32>,
      %swap3A_208 = vector.shape_cast %swap3A_207 : vector<1x16xf32> to vector<16xf32>
      %swap3A_209 = vector.shape_cast %get3A_202 : vector<16xf32> to vector<1x16xf32>
      tpu.vector_store %arg9[%swap3A_205, %swap3A_206], %swap3A_209 {strides = array<i32>} : memref<200x64xf32, #tpu.memory_space<vmem>>, vector<1x16xf32>,
      %add3A_210 = arith.constant 1 : i32
      %add3A_211 = arith.addi %mul3A_146, %add3A_210 : i32
      %get3A_212 = arith.index_cast %add3A_211 : i32 to index
      %get3A_213 = arith.constant 16 : index
      %get3A_214 = tpu.vector_load %arg7[%get3A_212, %get3A_213] {strides = array<i32>} : memref<200x128xf32, #tpu.memory_space<vmem>>, vector<1x16xf32>,
      %get3A_215 = vector.shape_cast %get3A_214 : vector<1x16xf32> to vector<16xf32>
      %add3A_216 = arith.constant 1 : i32
      %add3A_217 = arith.addi %mul3A_146, %add3A_216 : i32
      %swap3A_218 = arith.index_cast %add3A_217 : i32 to index
      %swap3A_219 = arith.constant 16 : index
      %swap3A_220 = tpu.vector_load %arg9[%swap3A_218, %swap3A_219] {strides = array<i32>} : memref<200x64xf32, #tpu.memory_space<vmem>>, vector<1x16xf32>,
      %swap3A_221 = vector.shape_cast %swap3A_220 : vector<1x16xf32> to vector<16xf32>
      %swap3A_222 = vector.shape_cast %get3A_215 : vector<16xf32> to vector<1x16xf32>
      tpu.vector_store %arg9[%swap3A_218, %swap3A_219], %swap3A_222 {strides = array<i32>} : memref<200x64xf32, #tpu.memory_space<vmem>>, vector<1x16xf32>,
      %add3A_223 = arith.constant 1 : i32
      %add3A_224 = arith.addi %mul3A_146, %add3A_223 : i32
      %get3A_225 = arith.index_cast %add3A_224 : i32 to index
      %get3A_226 = arith.constant 32 : index
      %get3A_227 = tpu.vector_load %arg7[%get3A_225, %get3A_226] {strides = array<i32>} : memref<200x128xf32, #tpu.memory_space<vmem>>, vector<1x16xf32>,
      %get3A_228 = vector.shape_cast %get3A_227 : vector<1x16xf32> to vector<16xf32>
      %add3A_229 = arith.constant 1 : i32
      %add3A_230 = arith.addi %mul3A_146, %add3A_229 : i32
      %swap3A_231 = arith.index_cast %add3A_230 : i32 to index
      %swap3A_232 = arith.constant 32 : index
      %swap3A_233 = tpu.vector_load %arg9[%swap3A_231, %swap3A_232] {strides = array<i32>} : memref<200x64xf32, #tpu.memory_space<vmem>>, vector<1x16xf32>,
      %swap3A_234 = vector.shape_cast %swap3A_233 : vector<1x16xf32> to vector<16xf32>
      %swap3A_235 = vector.shape_cast %get3A_228 : vector<16xf32> to vector<1x16xf32>
      tpu.vector_store %arg9[%swap3A_231, %swap3A_232], %swap3A_235 {strides = array<i32>} : memref<200x64xf32, #tpu.memory_space<vmem>>, vector<1x16xf32>,
      %add3A_236 = arith.constant 1 : i32
      %add3A_237 = arith.addi %mul3A_146, %add3A_236 : i32
      %get3A_238 = arith.index_cast %add3A_237 : i32 to index
      %get3A_239 = arith.constant 48 : index
      %get3A_240 = tpu.vector_load %arg7[%get3A_238, %get3A_239] {strides = array<i32>} : memref<200x128xf32, #tpu.memory_space<vmem>>, vector<1x16xf32>,
      %get3A_241 = vector.shape_cast %get3A_240 : vector<1x16xf32> to vector<16xf32>
      %add3A_242 = arith.constant 1 : i32
      %add3A_243 = arith.addi %mul3A_146, %add3A_242 : i32
      %swap3A_244 = arith.index_cast %add3A_243 : i32 to index
      %swap3A_245 = arith.constant 48 : index
      %swap3A_246 = tpu.vector_load %arg9[%swap3A_244, %swap3A_245] {strides = array<i32>} : memref<200x64xf32, #tpu.memory_space<vmem>>, vector<1x16xf32>,
      %swap3A_247 = vector.shape_cast %swap3A_246 : vector<1x16xf32> to vector<16xf32>
      %swap3A_248 = vector.shape_cast %get3A_241 : vector<16xf32> to vector<1x16xf32>
      tpu.vector_store %arg9[%swap3A_244, %swap3A_245], %swap3A_248 {strides = array<i32>} : memref<200x64xf32, #tpu.memory_space<vmem>>, vector<1x16xf32>,
      %add3A_249 = arith.constant 2 : i32
      %add3A_250 = arith.addi %mul3A_146, %add3A_249 : i32
      %get3A_251 = arith.index_cast %add3A_250 : i32 to index
      %get3A_252 = arith.constant 0 : index
      %get3A_253 = tpu.vector_load %arg7[%get3A_251, %get3A_252] {strides = array<i32>} : memref<200x128xf32, #tpu.memory_space<vmem>>, vector<1x16xf32>,
      %get3A_254 = vector.shape_cast %get3A_253 : vector<1x16xf32> to vector<16xf32>
      %add3A_255 = arith.constant 2 : i32
      %add3A_256 = arith.addi %mul3A_146, %add3A_255 : i32
      %swap3A_257 = arith.index_cast %add3A_256 : i32 to index
      %swap3A_258 = arith.constant 0 : index
      %swap3A_259 = tpu.vector_load %arg9[%swap3A_257, %swap3A_258] {strides = array<i32>} : memref<200x64xf32, #tpu.memory_space<vmem>>, vector<1x16xf32>,
      %swap3A_260 = vector.shape_cast %swap3A_259 : vector<1x16xf32> to vector<16xf32>
      %swap3A_261 = vector.shape_cast %get3A_254 : vector<16xf32> to vector<1x16xf32>
      tpu.vector_store %arg9[%swap3A_257, %swap3A_258], %swap3A_261 {strides = array<i32>} : memref<200x64xf32, #tpu.memory_space<vmem>>, vector<1x16xf32>,
      %add3A_262 = arith.constant 2 : i32
      %add3A_263 = arith.addi %mul3A_146, %add3A_262 : i32
      %get3A_264 = arith.index_cast %add3A_263 : i32 to index
      %get3A_265 = arith.constant 16 : index
      %get3A_266 = tpu.vector_load %arg7[%get3A_264, %get3A_265] {strides = array<i32>} : memref<200x128xf32, #tpu.memory_space<vmem>>, vector<1x16xf32>,
      %get3A_267 = vector.shape_cast %get3A_266 : vector<1x16xf32> to vector<16xf32>
      %add3A_268 = arith.constant 2 : i32
      %add3A_269 = arith.addi %mul3A_146, %add3A_268 : i32
      %swap3A_270 = arith.index_cast %add3A_269 : i32 to index
      %swap3A_271 = arith.constant 16 : index
      %swap3A_272 = tpu.vector_load %arg9[%swap3A_270, %swap3A_271] {strides = array<i32>} : memref<200x64xf32, #tpu.memory_space<vmem>>, vector<1x16xf32>,
      %swap3A_273 = vector.shape_cast %swap3A_272 : vector<1x16xf32> to vector<16xf32>
      %swap3A_274 = vector.shape_cast %get3A_267 : vector<16xf32> to vector<1x16xf32>
      tpu.vector_store %arg9[%swap3A_270, %swap3A_271], %swap3A_274 {strides = array<i32>} : memref<200x64xf32, #tpu.memory_space<vmem>>, vector<1x16xf32>,
      %add3A_275 = arith.constant 2 : i32
      %add3A_276 = arith.addi %mul3A_146, %add3A_275 : i32
      %get3A_277 = arith.index_cast %add3A_276 : i32 to index
      %get3A_278 = arith.constant 32 : index
      %get3A_279 = tpu.vector_load %arg7[%get3A_277, %get3A_278] {strides = array<i32>} : memref<200x128xf32, #tpu.memory_space<vmem>>, vector<1x16xf32>,
      %get3A_280 = vector.shape_cast %get3A_279 : vector<1x16xf32> to vector<16xf32>
      %add3A_281 = arith.constant 2 : i32
      %add3A_282 = arith.addi %mul3A_146, %add3A_281 : i32
      %swap3A_283 = arith.index_cast %add3A_282 : i32 to index
      %swap3A_284 = arith.constant 32 : index
      %swap3A_285 = tpu.vector_load %arg9[%swap3A_283, %swap3A_284] {strides = array<i32>} : memref<200x64xf32, #tpu.memory_space<vmem>>, vector<1x16xf32>,
      %swap3A_286 = vector.shape_cast %swap3A_285 : vector<1x16xf32> to vector<16xf32>
      %swap3A_287 = vector.shape_cast %get3A_280 : vector<16xf32> to vector<1x16xf32>
      tpu.vector_store %arg9[%swap3A_283, %swap3A_284], %swap3A_287 {strides = array<i32>} : memref<200x64xf32, #tpu.memory_space<vmem>>, vector<1x16xf32>,
      %add3A_288 = arith.constant 2 : i32
      %add3A_289 = arith.addi %mul3A_146, %add3A_288 : i32
      %get3A_290 = arith.index_cast %add3A_289 : i32 to index
      %get3A_291 = arith.constant 48 : index
      %get3A_292 = tpu.vector_load %arg7[%get3A_290, %get3A_291] {strides = array<i32>} : memref<200x128xf32, #tpu.memory_space<vmem>>, vector<1x16xf32>,
      %get3A_293 = vector.shape_cast %get3A_292 : vector<1x16xf32> to vector<16xf32>
      %add3A_294 = arith.constant 2 : i32
      %add3A_295 = arith.addi %mul3A_146, %add3A_294 : i32
      %swap3A_296 = arith.index_cast %add3A_295 : i32 to index
      %swap3A_297 = arith.constant 48 : index
      %swap3A_298 = tpu.vector_load %arg9[%swap3A_296, %swap3A_297] {strides = array<i32>} : memref<200x64xf32, #tpu.memory_space<vmem>>, vector<1x16xf32>,
      %swap3A_299 = vector.shape_cast %swap3A_298 : vector<1x16xf32> to vector<16xf32>
      %swap3A_300 = vector.shape_cast %get3A_293 : vector<16xf32> to vector<1x16xf32>
      tpu.vector_store %arg9[%swap3A_296, %swap3A_297], %swap3A_300 {strides = array<i32>} : memref<200x64xf32, #tpu.memory_space<vmem>>, vector<1x16xf32>,
      %add3A_301 = arith.constant 3 : i32
      %add3A_302 = arith.addi %mul3A_146, %add3A_301 : i32
      %get3A_303 = arith.index_cast %add3A_302 : i32 to index
      %get3A_304 = arith.constant 0 : index
      %get3A_305 = tpu.vector_load %arg7[%get3A_303, %get3A_304] {strides = array<i32>} : memref<200x128xf32, #tpu.memory_space<vmem>>, vector<1x16xf32>,
      %get3A_306 = vector.shape_cast %get3A_305 : vector<1x16xf32> to vector<16xf32>
      %add3A_307 = arith.constant 3 : i32
      %add3A_308 = arith.addi %mul3A_146, %add3A_307 : i32
      %swap3A_309 = arith.index_cast %add3A_308 : i32 to index
      %swap3A_310 = arith.constant 0 : index
      %swap3A_311 = tpu.vector_load %arg9[%swap3A_309, %swap3A_310] {strides = array<i32>} : memref<200x64xf32, #tpu.memory_space<vmem>>, vector<1x16xf32>,
      %swap3A_312 = vector.shape_cast %swap3A_311 : vector<1x16xf32> to vector<16xf32>
      %swap3A_313 = vector.shape_cast %get3A_306 : vector<16xf32> to vector<1x16xf32>
      tpu.vector_store %arg9[%swap3A_309, %swap3A_310], %swap3A_313 {strides = array<i32>} : memref<200x64xf32, #tpu.memory_space<vmem>>, vector<1x16xf32>,
      %add3A_314 = arith.constant 3 : i32
      %add3A_315 = arith.addi %mul3A_146, %add3A_314 : i32
      %get3A_316 = arith.index_cast %add3A_315 : i32 to index
      %get3A_317 = arith.constant 16 : index
      %get3A_318 = tpu.vector_load %arg7[%get3A_316, %get3A_317] {strides = array<i32>} : memref<200x128xf32, #tpu.memory_space<vmem>>, vector<1x16xf32>,
      %get3A_319 = vector.shape_cast %get3A_318 : vector<1x16xf32> to vector<16xf32>
      %add3A_320 = arith.constant 3 : i32
      %add3A_321 = arith.addi %mul3A_146, %add3A_320 : i32
      %swap3A_322 = arith.index_cast %add3A_321 : i32 to index
      %swap3A_323 = arith.constant 16 : index
      %swap3A_324 = tpu.vector_load %arg9[%swap3A_322, %swap3A_323] {strides = array<i32>} : memref<200x64xf32, #tpu.memory_space<vmem>>, vector<1x16xf32>,
      %swap3A_325 = vector.shape_cast %swap3A_324 : vector<1x16xf32> to vector<16xf32>
      %swap3A_326 = vector.shape_cast %get3A_319 : vector<16xf32> to vector<1x16xf32>
      tpu.vector_store %arg9[%swap3A_322, %swap3A_323], %swap3A_326 {strides = array<i32>} : memref<200x64xf32, #tpu.memory_space<vmem>>, vector<1x16xf32>,
      %add3A_327 = arith.constant 3 : i32
      %add3A_328 = arith.addi %mul3A_146, %add3A_327 : i32
      %get3A_329 = arith.index_cast %add3A_328 : i32 to index
      %get3A_330 = arith.constant 32 : index
      %get3A_331 = tpu.vector_load %arg7[%get3A_329, %get3A_330] {strides = array<i32>} : memref<200x128xf32, #tpu.memory_space<vmem>>, vector<1x16xf32>,
      %get3A_332 = vector.shape_cast %get3A_331 : vector<1x16xf32> to vector<16xf32>
      %add3A_333 = arith.constant 3 : i32
      %add3A_334 = arith.addi %mul3A_146, %add3A_333 : i32
      %swap3A_335 = arith.index_cast %add3A_334 : i32 to index
      %swap3A_336 = arith.constant 32 : index
      %swap3A_337 = tpu.vector_load %arg9[%swap3A_335, %swap3A_336] {strides = array<i32>} : memref<200x64xf32, #tpu.memory_space<vmem>>, vector<1x16xf32>,
      %swap3A_338 = vector.shape_cast %swap3A_337 : vector<1x16xf32> to vector<16xf32>
      %swap3A_339 = vector.shape_cast %get3A_332 : vector<16xf32> to vector<1x16xf32>
      tpu.vector_store %arg9[%swap3A_335, %swap3A_336], %swap3A_339 {strides = array<i32>} : memref<200x64xf32, #tpu.memory_space<vmem>>, vector<1x16xf32>,
      %add3A_340 = arith.constant 3 : i32
      %add3A_341 = arith.addi %mul3A_146, %add3A_340 : i32
      %get3A_342 = arith.index_cast %add3A_341 : i32 to index
      %get3A_343 = arith.constant 48 : index
      %get3A_344 = tpu.vector_load %arg7[%get3A_342, %get3A_343] {strides = array<i32>} : memref<200x128xf32, #tpu.memory_space<vmem>>, vector<1x16xf32>,
      %get3A_345 = vector.shape_cast %get3A_344 : vector<1x16xf32> to vector<16xf32>
      %add3A_346 = arith.constant 3 : i32
      %add3A_347 = arith.addi %mul3A_146, %add3A_346 : i32
      %swap3A_348 = arith.index_cast %add3A_347 : i32 to index
      %swap3A_349 = arith.constant 48 : index
      %swap3A_350 = tpu.vector_load %arg9[%swap3A_348, %swap3A_349] {strides = array<i32>} : memref<200x64xf32, #tpu.memory_space<vmem>>, vector<1x16xf32>,
      %swap3A_351 = vector.shape_cast %swap3A_350 : vector<1x16xf32> to vector<16xf32>
      %swap3A_352 = vector.shape_cast %get3A_345 : vector<16xf32> to vector<1x16xf32>
      tpu.vector_store %arg9[%swap3A_348, %swap3A_349], %swap3A_352 {strides = array<i32>} : memref<200x64xf32, #tpu.memory_space<vmem>>, vector<1x16xf32>,
      %add3A_353 = arith.constant 4 : i32
      %add3A_354 = arith.addi %mul3A_146, %add3A_353 : i32
      %get3A_355 = arith.index_cast %add3A_354 : i32 to index
      %get3A_356 = arith.constant 0 : index
      %get3A_357 = tpu.vector_load %arg7[%get3A_355, %get3A_356] {strides = array<i32>} : memref<200x128xf32, #tpu.memory_space<vmem>>, vector<1x16xf32>,
      %get3A_358 = vector.shape_cast %get3A_357 : vector<1x16xf32> to vector<16xf32>
      %add3A_359 = arith.constant 4 : i32
      %add3A_360 = arith.addi %mul3A_146, %add3A_359 : i32
      %swap3A_361 = arith.index_cast %add3A_360 : i32 to index
      %swap3A_362 = arith.constant 0 : index
      %swap3A_363 = tpu.vector_load %arg9[%swap3A_361, %swap3A_362] {strides = array<i32>} : memref<200x64xf32, #tpu.memory_space<vmem>>, vector<1x16xf32>,
      %swap3A_364 = vector.shape_cast %swap3A_363 : vector<1x16xf32> to vector<16xf32>
      %swap3A_365 = vector.shape_cast %get3A_358 : vector<16xf32> to vector<1x16xf32>
      tpu.vector_store %arg9[%swap3A_361, %swap3A_362], %swap3A_365 {strides = array<i32>} : memref<200x64xf32, #tpu.memory_space<vmem>>, vector<1x16xf32>,
      %add3A_366 = arith.constant 4 : i32
      %add3A_367 = arith.addi %mul3A_146, %add3A_366 : i32
      %get3A_368 = arith.index_cast %add3A_367 : i32 to index
      %get3A_369 = arith.constant 16 : index
      %get3A_370 = tpu.vector_load %arg7[%get3A_368, %get3A_369] {strides = array<i32>} : memref<200x128xf32, #tpu.memory_space<vmem>>, vector<1x16xf32>,
      %get3A_371 = vector.shape_cast %get3A_370 : vector<1x16xf32> to vector<16xf32>
      %add3A_372 = arith.constant 4 : i32
      %add3A_373 = arith.addi %mul3A_146, %add3A_372 : i32
      %swap3A_374 = arith.index_cast %add3A_373 : i32 to index
      %swap3A_375 = arith.constant 16 : index
      %swap3A_376 = tpu.vector_load %arg9[%swap3A_374, %swap3A_375] {strides = array<i32>} : memref<200x64xf32, #tpu.memory_space<vmem>>, vector<1x16xf32>,
      %swap3A_377 = vector.shape_cast %swap3A_376 : vector<1x16xf32> to vector<16xf32>
      %swap3A_378 = vector.shape_cast %get3A_371 : vector<16xf32> to vector<1x16xf32>
      tpu.vector_store %arg9[%swap3A_374, %swap3A_375], %swap3A_378 {strides = array<i32>} : memref<200x64xf32, #tpu.memory_space<vmem>>, vector<1x16xf32>,
      %add3A_379 = arith.constant 4 : i32
      %add3A_380 = arith.addi %mul3A_146, %add3A_379 : i32
      %get3A_381 = arith.index_cast %add3A_380 : i32 to index
      %get3A_382 = arith.constant 32 : index
      %get3A_383 = tpu.vector_load %arg7[%get3A_381, %get3A_382] {strides = array<i32>} : memref<200x128xf32, #tpu.memory_space<vmem>>, vector<1x16xf32>,
      %get3A_384 = vector.shape_cast %get3A_383 : vector<1x16xf32> to vector<16xf32>
      %add3A_385 = arith.constant 4 : i32
      %add3A_386 = arith.addi %mul3A_146, %add3A_385 : i32
      %swap3A_387 = arith.index_cast %add3A_386 : i32 to index
      %swap3A_388 = arith.constant 32 : index
      %swap3A_389 = tpu.vector_load %arg9[%swap3A_387, %swap3A_388] {strides = array<i32>} : memref<200x64xf32, #tpu.memory_space<vmem>>, vector<1x16xf32>,
      %swap3A_390 = vector.shape_cast %swap3A_389 : vector<1x16xf32> to vector<16xf32>
      %swap3A_391 = vector.shape_cast %get3A_384 : vector<16xf32> to vector<1x16xf32>
      tpu.vector_store %arg9[%swap3A_387, %swap3A_388], %swap3A_391 {strides = array<i32>} : memref<200x64xf32, #tpu.memory_space<vmem>>, vector<1x16xf32>,
      %add3A_392 = arith.constant 4 : i32
      %add3A_393 = arith.addi %mul3A_146, %add3A_392 : i32
      %get3A_394 = arith.index_cast %add3A_393 : i32 to index
      %get3A_395 = arith.constant 48 : index
      %get3A_396 = tpu.vector_load %arg7[%get3A_394, %get3A_395] {strides = array<i32>} : memref<200x128xf32, #tpu.memory_space<vmem>>, vector<1x16xf32>,
      %get3A_397 = vector.shape_cast %get3A_396 : vector<1x16xf32> to vector<16xf32>
      %add3A_398 = arith.constant 4 : i32
      %add3A_399 = arith.addi %mul3A_146, %add3A_398 : i32
      %swap3A_400 = arith.index_cast %add3A_399 : i32 to index
      %swap3A_401 = arith.constant 48 : index
      %swap3A_402 = tpu.vector_load %arg9[%swap3A_400, %swap3A_401] {strides = array<i32>} : memref<200x64xf32, #tpu.memory_space<vmem>>, vector<1x16xf32>,
      %swap3A_403 = vector.shape_cast %swap3A_402 : vector<1x16xf32> to vector<16xf32>
      %swap3A_404 = vector.shape_cast %get3A_397 : vector<16xf32> to vector<1x16xf32>
      tpu.vector_store %arg9[%swap3A_400, %swap3A_401], %swap3A_404 {strides = array<i32>} : memref<200x64xf32, #tpu.memory_space<vmem>>, vector<1x16xf32>,
      %add3A_405 = arith.constant 5 : i32
      %add3A_406 = arith.addi %mul3A_146, %add3A_405 : i32
      %get3A_407 = arith.index_cast %add3A_406 : i32 to index
      %get3A_408 = arith.constant 0 : index
      %get3A_409 = tpu.vector_load %arg7[%get3A_407, %get3A_408] {strides = array<i32>} : memref<200x128xf32, #tpu.memory_space<vmem>>, vector<1x16xf32>,
      %get3A_410 = vector.shape_cast %get3A_409 : vector<1x16xf32> to vector<16xf32>
      %add3A_411 = arith.constant 5 : i32
      %add3A_412 = arith.addi %mul3A_146, %add3A_411 : i32
      %swap3A_413 = arith.index_cast %add3A_412 : i32 to index
      %swap3A_414 = arith.constant 0 : index
      %swap3A_415 = tpu.vector_load %arg9[%swap3A_413, %swap3A_414] {strides = array<i32>} : memref<200x64xf32, #tpu.memory_space<vmem>>, vector<1x16xf32>,
      %swap3A_416 = vector.shape_cast %swap3A_415 : vector<1x16xf32> to vector<16xf32>
      %swap3A_417 = vector.shape_cast %get3A_410 : vector<16xf32> to vector<1x16xf32>
      tpu.vector_store %arg9[%swap3A_413, %swap3A_414], %swap3A_417 {strides = array<i32>} : memref<200x64xf32, #tpu.memory_space<vmem>>, vector<1x16xf32>,
      %add3A_418 = arith.constant 5 : i32
      %add3A_419 = arith.addi %mul3A_146, %add3A_418 : i32
      %get3A_420 = arith.index_cast %add3A_419 : i32 to index
      %get3A_421 = arith.constant 16 : index
      %get3A_422 = tpu.vector_load %arg7[%get3A_420, %get3A_421] {strides = array<i32>} : memref<200x128xf32, #tpu.memory_space<vmem>>, vector<1x16xf32>,
      %get3A_423 = vector.shape_cast %get3A_422 : vector<1x16xf32> to vector<16xf32>
      %add3A_424 = arith.constant 5 : i32
      %add3A_425 = arith.addi %mul3A_146, %add3A_424 : i32
      %swap3A_426 = arith.index_cast %add3A_425 : i32 to index
      %swap3A_427 = arith.constant 16 : index
      %swap3A_428 = tpu.vector_load %arg9[%swap3A_426, %swap3A_427] {strides = array<i32>} : memref<200x64xf32, #tpu.memory_space<vmem>>, vector<1x16xf32>,
      %swap3A_429 = vector.shape_cast %swap3A_428 : vector<1x16xf32> to vector<16xf32>
      %swap3A_430 = vector.shape_cast %get3A_423 : vector<16xf32> to vector<1x16xf32>
      tpu.vector_store %arg9[%swap3A_426, %swap3A_427], %swap3A_430 {strides = array<i32>} : memref<200x64xf32, #tpu.memory_space<vmem>>, vector<1x16xf32>,
      %add3A_431 = arith.constant 5 : i32
      %add3A_432 = arith.addi %mul3A_146, %add3A_431 : i32
      %get3A_433 = arith.index_cast %add3A_432 : i32 to index
      %get3A_434 = arith.constant 32 : index
      %get3A_435 = tpu.vector_load %arg7[%get3A_433, %get3A_434] {strides = array<i32>} : memref<200x128xf32, #tpu.memory_space<vmem>>, vector<1x16xf32>,
      %get3A_436 = vector.shape_cast %get3A_435 : vector<1x16xf32> to vector<16xf32>
      %add3A_437 = arith.constant 5 : i32
      %add3A_438 = arith.addi %mul3A_146, %add3A_437 : i32
      %swap3A_439 = arith.index_cast %add3A_438 : i32 to index
      %swap3A_440 = arith.constant 32 : index
      %swap3A_441 = tpu.vector_load %arg9[%swap3A_439, %swap3A_440] {strides = array<i32>} : memref<200x64xf32, #tpu.memory_space<vmem>>, vector<1x16xf32>,
      %swap3A_442 = vector.shape_cast %swap3A_441 : vector<1x16xf32> to vector<16xf32>
      %swap3A_443 = vector.shape_cast %get3A_436 : vector<16xf32> to vector<1x16xf32>
      tpu.vector_store %arg9[%swap3A_439, %swap3A_440], %swap3A_443 {strides = array<i32>} : memref<200x64xf32, #tpu.memory_space<vmem>>, vector<1x16xf32>,
      %add3A_444 = arith.constant 5 : i32
      %add3A_445 = arith.addi %mul3A_146, %add3A_444 : i32
      %get3A_446 = arith.index_cast %add3A_445 : i32 to index
      %get3A_447 = arith.constant 48 : index
      %get3A_448 = tpu.vector_load %arg7[%get3A_446, %get3A_447] {strides = array<i32>} : memref<200x128xf32, #tpu.memory_space<vmem>>, vector<1x16xf32>,
      %get3A_449 = vector.shape_cast %get3A_448 : vector<1x16xf32> to vector<16xf32>
      %add3A_450 = arith.constant 5 : i32
      %add3A_451 = arith.addi %mul3A_146, %add3A_450 : i32
      %swap3A_452 = arith.index_cast %add3A_451 : i32 to index
      %swap3A_453 = arith.constant 48 : index
      %swap3A_454 = tpu.vector_load %arg9[%swap3A_452, %swap3A_453] {strides = array<i32>} : memref<200x64xf32, #tpu.memory_space<vmem>>, vector<1x16xf32>,
      %swap3A_455 = vector.shape_cast %swap3A_454 : vector<1x16xf32> to vector<16xf32>
      %swap3A_456 = vector.shape_cast %get3A_449 : vector<16xf32> to vector<1x16xf32>
      tpu.vector_store %arg9[%swap3A_452, %swap3A_453], %swap3A_456 {strides = array<i32>} : memref<200x64xf32, #tpu.memory_space<vmem>>, vector<1x16xf32>,
      %add3A_457 = arith.constant 6 : i32
      %add3A_458 = arith.addi %mul3A_146, %add3A_457 : i32
      %get3A_459 = arith.index_cast %add3A_458 : i32 to index
      %get3A_460 = arith.constant 0 : index
      %get3A_461 = tpu.vector_load %arg7[%get3A_459, %get3A_460] {strides = array<i32>} : memref<200x128xf32, #tpu.memory_space<vmem>>, vector<1x16xf32>,
      %get3A_462 = vector.shape_cast %get3A_461 : vector<1x16xf32> to vector<16xf32>
      %add3A_463 = arith.constant 6 : i32
      %add3A_464 = arith.addi %mul3A_146, %add3A_463 : i32
      %swap3A_465 = arith.index_cast %add3A_464 : i32 to index
      %swap3A_466 = arith.constant 0 : index
      %swap3A_467 = tpu.vector_load %arg9[%swap3A_465, %swap3A_466] {strides = array<i32>} : memref<200x64xf32, #tpu.memory_space<vmem>>, vector<1x16xf32>,
      %swap3A_468 = vector.shape_cast %swap3A_467 : vector<1x16xf32> to vector<16xf32>
      %swap3A_469 = vector.shape_cast %get3A_462 : vector<16xf32> to vector<1x16xf32>
      tpu.vector_store %arg9[%swap3A_465, %swap3A_466], %swap3A_469 {strides = array<i32>} : memref<200x64xf32, #tpu.memory_space<vmem>>, vector<1x16xf32>,
      %add3A_470 = arith.constant 6 : i32
      %add3A_471 = arith.addi %mul3A_146, %add3A_470 : i32
      %get3A_472 = arith.index_cast %add3A_471 : i32 to index
      %get3A_473 = arith.constant 16 : index
      %get3A_474 = tpu.vector_load %arg7[%get3A_472, %get3A_473] {strides = array<i32>} : memref<200x128xf32, #tpu.memory_space<vmem>>, vector<1x16xf32>,
      %get3A_475 = vector.shape_cast %get3A_474 : vector<1x16xf32> to vector<16xf32>
      %add3A_476 = arith.constant 6 : i32
      %add3A_477 = arith.addi %mul3A_146, %add3A_476 : i32
      %swap3A_478 = arith.index_cast %add3A_477 : i32 to index
      %swap3A_479 = arith.constant 16 : index
      %swap3A_480 = tpu.vector_load %arg9[%swap3A_478, %swap3A_479] {strides = array<i32>} : memref<200x64xf32, #tpu.memory_space<vmem>>, vector<1x16xf32>,
      %swap3A_481 = vector.shape_cast %swap3A_480 : vector<1x16xf32> to vector<16xf32>
      %swap3A_482 = vector.shape_cast %get3A_475 : vector<16xf32> to vector<1x16xf32>
      tpu.vector_store %arg9[%swap3A_478, %swap3A_479], %swap3A_482 {strides = array<i32>} : memref<200x64xf32, #tpu.memory_space<vmem>>, vector<1x16xf32>,
      %add3A_483 = arith.constant 6 : i32
      %add3A_484 = arith.addi %mul3A_146, %add3A_483 : i32
      %get3A_485 = arith.index_cast %add3A_484 : i32 to index
      %get3A_486 = arith.constant 32 : index
      %get3A_487 = tpu.vector_load %arg7[%get3A_485, %get3A_486] {strides = array<i32>} : memref<200x128xf32, #tpu.memory_space<vmem>>, vector<1x16xf32>,
      %get3A_488 = vector.shape_cast %get3A_487 : vector<1x16xf32> to vector<16xf32>
      %add3A_489 = arith.constant 6 : i32
      %add3A_490 = arith.addi %mul3A_146, %add3A_489 : i32
      %swap3A_491 = arith.index_cast %add3A_490 : i32 to index
      %swap3A_492 = arith.constant 32 : index
      %swap3A_493 = tpu.vector_load %arg9[%swap3A_491, %swap3A_492] {strides = array<i32>} : memref<200x64xf32, #tpu.memory_space<vmem>>, vector<1x16xf32>,
      %swap3A_494 = vector.shape_cast %swap3A_493 : vector<1x16xf32> to vector<16xf32>
      %swap3A_495 = vector.shape_cast %get3A_488 : vector<16xf32> to vector<1x16xf32>
      tpu.vector_store %arg9[%swap3A_491, %swap3A_492], %swap3A_495 {strides = array<i32>} : memref<200x64xf32, #tpu.memory_space<vmem>>, vector<1x16xf32>,
      %add3A_496 = arith.constant 6 : i32
      %add3A_497 = arith.addi %mul3A_146, %add3A_496 : i32
      %get3A_498 = arith.index_cast %add3A_497 : i32 to index
      %get3A_499 = arith.constant 48 : index
      %get3A_500 = tpu.vector_load %arg7[%get3A_498, %get3A_499] {strides = array<i32>} : memref<200x128xf32, #tpu.memory_space<vmem>>, vector<1x16xf32>,
      %get3A_501 = vector.shape_cast %get3A_500 : vector<1x16xf32> to vector<16xf32>
      %add3A_502 = arith.constant 6 : i32
      %add3A_503 = arith.addi %mul3A_146, %add3A_502 : i32
      %swap3A_504 = arith.index_cast %add3A_503 : i32 to index
      %swap3A_505 = arith.constant 48 : index
      %swap3A_506 = tpu.vector_load %arg9[%swap3A_504, %swap3A_505] {strides = array<i32>} : memref<200x64xf32, #tpu.memory_space<vmem>>, vector<1x16xf32>,
      %swap3A_507 = vector.shape_cast %swap3A_506 : vector<1x16xf32> to vector<16xf32>
      %swap3A_508 = vector.shape_cast %get3A_501 : vector<16xf32> to vector<1x16xf32>
      tpu.vector_store %arg9[%swap3A_504, %swap3A_505], %swap3A_508 {strides = array<i32>} : memref<200x64xf32, #tpu.memory_space<vmem>>, vector<1x16xf32>,
      %add3A_509 = arith.constant 7 : i32
      %add3A_510 = arith.addi %mul3A_146, %add3A_509 : i32
      %get3A_511 = arith.index_cast %add3A_510 : i32 to index
      %get3A_512 = arith.constant 0 : index
      %get3A_513 = tpu.vector_load %arg7[%get3A_511, %get3A_512] {strides = array<i32>} : memref<200x128xf32, #tpu.memory_space<vmem>>, vector<1x16xf32>,
      %get3A_514 = vector.shape_cast %get3A_513 : vector<1x16xf32> to vector<16xf32>
      %add3A_515 = arith.constant 7 : i32
      %add3A_516 = arith.addi %mul3A_146, %add3A_515 : i32
      %swap3A_517 = arith.index_cast %add3A_516 : i32 to index
      %swap3A_518 = arith.constant 0 : index
      %swap3A_519 = tpu.vector_load %arg9[%swap3A_517, %swap3A_518] {strides = array<i32>} : memref<200x64xf32, #tpu.memory_space<vmem>>, vector<1x16xf32>,
      %swap3A_520 = vector.shape_cast %swap3A_519 : vector<1x16xf32> to vector<16xf32>
      %swap3A_521 = vector.shape_cast %get3A_514 : vector<16xf32> to vector<1x16xf32>
      tpu.vector_store %arg9[%swap3A_517, %swap3A_518], %swap3A_521 {strides = array<i32>} : memref<200x64xf32, #tpu.memory_space<vmem>>, vector<1x16xf32>,
      %add3A_522 = arith.constant 7 : i32
      %add3A_523 = arith.addi %mul3A_146, %add3A_522 : i32
      %get3A_524 = arith.index_cast %add3A_523 : i32 to index
      %get3A_525 = arith.constant 16 : index
      %get3A_526 = tpu.vector_load %arg7[%get3A_524, %get3A_525] {strides = array<i32>} : memref<200x128xf32, #tpu.memory_space<vmem>>, vector<1x16xf32>,
      %get3A_527 = vector.shape_cast %get3A_526 : vector<1x16xf32> to vector<16xf32>
      %add3A_528 = arith.constant 7 : i32
      %add3A_529 = arith.addi %mul3A_146, %add3A_528 : i32
      %swap3A_530 = arith.index_cast %add3A_529 : i32 to index
      %swap3A_531 = arith.constant 16 : index
      %swap3A_532 = tpu.vector_load %arg9[%swap3A_530, %swap3A_531] {strides = array<i32>} : memref<200x64xf32, #tpu.memory_space<vmem>>, vector<1x16xf32>,
      %swap3A_533 = vector.shape_cast %swap3A_532 : vector<1x16xf32> to vector<16xf32>
      %swap3A_534 = vector.shape_cast %get3A_527 : vector<16xf32> to vector<1x16xf32>
      tpu.vector_store %arg9[%swap3A_530, %swap3A_531], %swap3A_534 {strides = array<i32>} : memref<200x64xf32, #tpu.memory_space<vmem>>, vector<1x16xf32>,
      %add3A_535 = arith.constant 7 : i32
      %add3A_536 = arith.addi %mul3A_146, %add3A_535 : i32
      %get3A_537 = arith.index_cast %add3A_536 : i32 to index
      %get3A_538 = arith.constant 32 : index
      %get3A_539 = tpu.vector_load %arg7[%get3A_537, %get3A_538] {strides = array<i32>} : memref<200x128xf32, #tpu.memory_space<vmem>>, vector<1x16xf32>,
      %get3A_540 = vector.shape_cast %get3A_539 : vector<1x16xf32> to vector<16xf32>
      %add3A_541 = arith.constant 7 : i32
      %add3A_542 = arith.addi %mul3A_146, %add3A_541 : i32
      %swap3A_543 = arith.index_cast %add3A_542 : i32 to index
      %swap3A_544 = arith.constant 32 : index
      %swap3A_545 = tpu.vector_load %arg9[%swap3A_543, %swap3A_544] {strides = array<i32>} : memref<200x64xf32, #tpu.memory_space<vmem>>, vector<1x16xf32>,
      %swap3A_546 = vector.shape_cast %swap3A_545 : vector<1x16xf32> to vector<16xf32>
      %swap3A_547 = vector.shape_cast %get3A_540 : vector<16xf32> to vector<1x16xf32>
      tpu.vector_store %arg9[%swap3A_543, %swap3A_544], %swap3A_547 {strides = array<i32>} : memref<200x64xf32, #tpu.memory_space<vmem>>, vector<1x16xf32>,
      %add3A_548 = arith.constant 7 : i32
      %add3A_549 = arith.addi %mul3A_146, %add3A_548 : i32
      %get3A_550 = arith.index_cast %add3A_549 : i32 to index
      %get3A_551 = arith.constant 48 : index
      %get3A_552 = tpu.vector_load %arg7[%get3A_550, %get3A_551] {strides = array<i32>} : memref<200x128xf32, #tpu.memory_space<vmem>>, vector<1x16xf32>,
      %get3A_553 = vector.shape_cast %get3A_552 : vector<1x16xf32> to vector<16xf32>
      %add3A_554 = arith.constant 7 : i32
      %add3A_555 = arith.addi %mul3A_146, %add3A_554 : i32
      %swap3A_556 = arith.index_cast %add3A_555 : i32 to index
      %swap3A_557 = arith.constant 48 : index
      %swap3A_558 = tpu.vector_load %arg9[%swap3A_556, %swap3A_557] {strides = array<i32>} : memref<200x64xf32, #tpu.memory_space<vmem>>, vector<1x16xf32>,
      %swap3A_559 = vector.shape_cast %swap3A_558 : vector<1x16xf32> to vector<16xf32>
      %swap3A_560 = vector.shape_cast %get3A_553 : vector<16xf32> to vector<1x16xf32>
      tpu.vector_store %arg9[%swap3A_556, %swap3A_557], %swap3A_560 {strides = array<i32>} : memref<200x64xf32, #tpu.memory_space<vmem>>, vector<1x16xf32>,
    }
    %scan3A_117 = arith.constant 25 : i32
    %add3A_118 = arith.constant 127 : i32
    %add3A_119 = arith.addi %mul3A_4, %add3A_118 : i32
    %dma_start3A_120 = arith.constant 0 : i32
    %dma_start3A_121 = arith.constant 0 : i32
    %dma_start3A_122 = tpu.memref_slice %arg4[%add3A_119, %dma_start3A_120, %dma_start3A_121] : memref<4096x200x64xf32, #tpu.memory_space<hbm>> -> memref<1x200x64xf32, #tpu.memory_space<hbm>>
    %dma_start3A_123 = tpu.memref_squeeze %dma_start3A_122 : memref<1x200x64xf32, #tpu.memory_space<hbm>> -> memref<200x64xf32, #tpu.memory_space<hbm>>
    %dma_start3A_124 = arith.constant 0 : i32
    %dma_start3A_125 = arith.constant 0 : i32
    %dma_start3A_126 = tpu.memref_slice %arg4[%add3A_119, %dma_start3A_124, %dma_start3A_125] : memref<4096x200x64xf32, #tpu.memory_space<hbm>> -> memref<1x200x64xf32, #tpu.memory_space<hbm>>
    %dma_start3A_127 = tpu.memref_squeeze %dma_start3A_126 : memref<1x200x64xf32, #tpu.memory_space<hbm>> -> memref<200x64xf32, #tpu.memory_space<hbm>>
    tpu.enqueue_dma source(%arg9 : memref<200x64xf32, #tpu.memory_space<vmem>>) target(%dma_start3A_127 : memref<200x64xf32, #tpu.memory_space<hbm>>) target_semaphore(%arg11 : memref<!tpu.dma_semaphore, #tpu.memory_space<semaphore_mem>>)
    %dma_wait3A_128 = arith.constant 0 : i32
    %dma_wait3A_129 = arith.constant 0 : i32
    %dma_wait3A_130 = tpu.memref_slice %arg4[%mul3A_4, %dma_wait3A_128, %dma_wait3A_129] : memref<4096x200x64xf32, #tpu.memory_space<hbm>> -> memref<1x200x64xf32, #tpu.memory_space<hbm>>
    %dma_wait3A_131 = tpu.memref_squeeze %dma_wait3A_130 : memref<1x200x64xf32, #tpu.memory_space<hbm>> -> memref<200x64xf32, #tpu.memory_space<hbm>>
    %dma_wait3A_132 = arith.constant 0 : i32
    %dma_wait3A_133 = arith.constant 0 : i32
    %dma_wait3A_134 = tpu.memref_slice %arg4[%mul3A_4, %dma_wait3A_132, %dma_wait3A_133] : memref<4096x200x64xf32, #tpu.memory_space<hbm>> -> memref<1x200x64xf32, #tpu.memory_space<hbm>>
    %dma_wait3A_135 = tpu.memref_squeeze %dma_wait3A_134 : memref<1x200x64xf32, #tpu.memory_space<hbm>> -> memref<200x64xf32, #tpu.memory_space<hbm>>
    tpu.wait_dma2 semaphore(%arg11 : memref<!tpu.dma_semaphore, #tpu.memory_space<semaphore_mem>>) src(%arg8 : memref<200x64xf32, #tpu.memory_space<vmem>>) dst(%dma_wait3A_135 : memref<200x64xf32, #tpu.memory_space<hbm>>)
    %dma_wait3A_136 = arith.constant 0 : i32
    %dma_wait3A_137 = arith.constant 0 : i32
    %dma_wait3A_138 = tpu.memref_slice %arg4[%mul3A_4, %dma_wait3A_136, %dma_wait3A_137] : memref<4096x200x64xf32, #tpu.memory_space<hbm>> -> memref<1x200x64xf32, #tpu.memory_space<hbm>>
    %dma_wait3A_139 = tpu.memref_squeeze %dma_wait3A_138 : memref<1x200x64xf32, #tpu.memory_space<hbm>> -> memref<200x64xf32, #tpu.memory_space<hbm>>
    %dma_wait3A_140 = arith.constant 0 : i32
    %dma_wait3A_141 = arith.constant 0 : i32
    %dma_wait3A_142 = tpu.memref_slice %arg4[%mul3A_4, %dma_wait3A_140, %dma_wait3A_141] : memref<4096x200x64xf32, #tpu.memory_space<hbm>> -> memref<1x200x64xf32, #tpu.memory_space<hbm>>
    %dma_wait3A_143 = tpu.memref_squeeze %dma_wait3A_142 : memref<1x200x64xf32, #tpu.memory_space<hbm>> -> memref<200x64xf32, #tpu.memory_space<hbm>>
    tpu.wait_dma2 semaphore(%arg11 : memref<!tpu.dma_semaphore, #tpu.memory_space<semaphore_mem>>) src(%arg9 : memref<200x64xf32, #tpu.memory_space<vmem>>) dst(%dma_wait3A_143 : memref<200x64xf32, #tpu.memory_space<hbm>>)
    return
  }
}

</mosaic_0001>

<sc_bundles>
// kernel: kernel.3.cloned.1.call-start
scs
__scs_entry_jumppad:
0x0: {  	(pc) =	sbr.rel $0x88, $3  }
0x1: {  	(tag) =	ssettag $0x0;
	lr =	simm.s32 $0x1  }
0x2: {  	[smem:$0x3F9F] =	sst lr;
	_ =	strace $0xD0000000  }
0x3: {  	_ = 	snop  }
0x4: {  	_ = 	snop  }
0x5: {  	_ = 	snop  }
0x6: {  	_ = 	snop  }
0x7: {  	_ = 	snop  }
__scs_overlays_trampoline_lowered:
0x8: {  	[smem:$0x3FAE] =	sst s0  }
0x9: {  	[smem:$0x3FAF] =	sst s1  }
0xa: {  	[smem:$0x3FB0] =	sst s2  }
0xb: {  	[smem:$0x3FB1] =	sst s3  }
0xc: {  	[smem:$0x3FB2] =	sst s4  }
0xd: {  	[smem:$0x3FB3] =	sst s5  }
0xe: {  	[smem:$0x3FB4] =	sst s6  }
0xf: {  	[smem:$0x3FB5] =	sst s7  }
0x10: {  	[smem:$0x3FB6] =	sst s8  }
0x11: {  	[smem:$0x3FB7] =	sst s9;
	s0 =	simm.s32 @!p0 $0x0  }
0x12: {  	s1 =	sld [smem:$0x3F9D];
	s0 =	simm.s32 @p0 $0x1  }
0x13: {  	[smem:$0x3FB8] =	sst s0;
	s0 =	simm.s32 @!p1 $0x0  }
0x14: {  	s2 =	sld [smem:$0x3F9C];
	s0 =	simm.s32 @p1 $0x1  }
0x15: {  	[smem:$0x3FB9] =	sst s0;
	s0 =	simm.s32 @!p2 $0x0  }
0x16: {  	s3 =	sld [smem:$0x3FDB];
	s0 =	simm.s32 @p2 $0x1  }
0x17: {  	s4 =	simm.s32 $0x1BF5;
	[smem:$0x3FBB] =	sst s0  }
0x18: {  	s0 =	sld [smem:$0x3F9E];
	_ =	swait.ge [sflag:s4], $0x0  }
0x19: {  	s7 =	sld [smem:$0x3F9F]  }
0x1a: {  	s8 =	sadd.s32 $0xFFFFE003, lr  }
0x1b: {  	s9 =	sadd.s32 $0xFFFFFEF7, lr;
	s5 =	simm.s32 $0xFFFFFFFF;
	p2 =	slt.u32 s8, $0xFFFFF086  }
0x1c: {  	p1 =	slt.u32 s9, $0xF7A;
	s5 =	simm.s32 @!p2 $0x0  }
0x1d: {  	s5 =	simm.s32 @p1 $0x1;
	p0 =	seq.s32 s7, s2  }
0x1e: {  	s7 =	smul.u32 @!p0 $0xF7A, s2;
	p2 =	seq.s32 @!p0 s5, $0x0  }
0x1f: {  	s9 =	smul.u32 $0xF7A, s1;
	s8 =	simm.s32 @!p0 $0x1BF5;
	p2 =	por !p2, p0  }
0x20: {  	[sflag:s8] =	ssyncset.s32 @!p0 $0xFFFFF086;
	s6 =	sadd.s32 @!p0 s3, s7;
	s7 =	simm.s32 @!p0 $0x108  }
0x21: {  	s3 =	sadd.s32 s3, s9;
	s6 =	sadd.s32 @!p0 $0x88, s6;
	s7 =	simm.s32 @p2 $0x1082  }
0x22: {  	[simem:s7], [sflag:s8] =	dma.local @!p0 [hbm:s6], $0xF7A  }
0x23: {  	s9 =	sor.u32 $0xD0000000, s2;
	s6 =	simm.s32 $0x108;
	_ =	swait.ge @!p0 [sflag:s8], $0x0  }
0x24: {  	s3 =	sadd.s32 $0x88, s3;
	s6 =	simm.s32 @!p1 $0x1082;
	[sflag:s4] =	ssyncset.s32 $0xFFFFF086  }
0x25: {  	[simem:s6], [sflag:s4] =	dma.local [hbm:s3], $0xF7A  }
0x26: {  	[smem:$0x3F9F] =	sst s1;
	(tag) =	ssettag s2;
	_ =	strace s9  }
0x27: {  	s1 =	sld [smem:$0x3FAF]  }
0x28: {  	s2 =	sld [smem:$0x3FB0]  }
0x29: {  	s4 =	sld [smem:$0x3FB2]  }
0x2a: {  	p0 =	seq.s32 s5, $0x0;
	s5 =	sld [smem:$0x3FB3]  }
0x2b: {  	s6 =	sld [smem:$0x3FB4]  }
0x2c: {  	s7 =	sld [smem:$0x3FB5]  }
0x2d: {  	s3 =	simm.s32 $0x108;
	s8 =	sld [smem:$0x3FB6]  }
0x2e: {  	s3 =	simm.s32 @!p0 $0x1082;
	s9 =	sld [smem:$0x3FB7]  }
0x2f: {  	lr =	sadd.s32 s0, s3;
	s0 =	sld [smem:$0x3FAE]  }
0x30: {  	s3 =	sld [smem:$0x3FB1]  }
0x31: {  	[smem:$0x3FBA] =	sst s10  }
0x32: {  	s10 =	sld [smem:$0x3FB8];
	_ =	sdelay $0x3  }
0x33: {  	p0 =	seq.s32 s10, $0x1;
	s10 =	sld [smem:$0x3FBA];
	_ =	sdelay $0x3  }
0x34: {  	[smem:$0x3FBA] =	sst s10  }
0x35: {  	s10 =	sld [smem:$0x3FB9];
	_ =	sdelay $0x3  }
0x36: {  	p1 =	seq.s32 s10, $0x1;
	s10 =	sld [smem:$0x3FBA];
	_ =	sdelay $0x3  }
0x37: {  	[smem:$0x3FBA] =	sst s10  }
0x38: {  	s10 =	sld [smem:$0x3FBB]  }
0x39: {  	_ = 	snop;
	(pc) =	sbr.ind lr, $3  }
0x3a: {  	_ = 	snop  }
0x3b: {  	_ = 	snop  }
0x3c: {  	p2 =	seq.s32 s10, $0x1;
	s10 =	sld [smem:$0x3FBA]  }
0x3d: {  	_ =	shalt  }
0x3e: {  	_ =	shalt  }
0x3f: {  	_ =	shalt  }
0x40: {  	_ =	shalt  }
0x41: {  	_ =	shalt  }
0x42: {  	_ =	shalt  }
0x43: {  	_ =	shalt  }
0x44: {  	_ =	shalt  }
0x45: {  	_ =	shalt  }
0x46: {  	_ =	shalt  }
0x47: {  	_ =	shalt  }
0x48: {  	_ =	shalt  }
0x49: {  	_ =	shalt  }
0x4a: {  	_ =	shalt  }
0x4b: {  	_ =	shalt  }
0x4c: {  	_ =	shalt  }
0x4d: {  	_ =	shalt  }
0x4e: {  	_ =	shalt  }
0x4f: {  	_ =	shalt  }
0x50: {  	_ =	shalt  }
0x51: {  	_ =	shalt  }
0x52: {  	_ =	shalt  }
0x53: {  	_ =	shalt  }
0x54: {  	_ =	shalt  }
0x55: {  	_ =	shalt  }
0x56: {  	_ =	shalt  }
0x57: {  	_ =	shalt  }
0x58: {  	_ =	shalt  }
0x59: {  	_ =	shalt  }
0x5a: {  	_ =	shalt  }
0x5b: {  	_ =	shalt  }
0x5c: {  	_ =	shalt  }
0x5d: {  	_ =	shalt  }
0x5e: {  	_ =	shalt  }
0x5f: {  	_ =	shalt  }
0x60: {  	_ =	shalt  }
0x61: {  	_ =	shalt  }
0x62: {  	_ =	shalt  }
0x63: {  	_ =	shalt  }
0x64: {  	_ =	shalt  }
0x65: {  	_ =	shalt  }
0x66: {  	_ =	shalt  }
0x67: {  	_ =	shalt  }
0x68: {  	_ =	shalt  }
0x69: {  	_ =	shalt  }
0x6a: {  	_ =	shalt  }
0x6b: {  	_ =	shalt  }
0x6c: {  	_ =	shalt  }
0x6d: {  	_ =	shalt  }
0x6e: {  	_ =	shalt  }
0x6f: {  	_ =	shalt  }
0x70: {  	_ =	shalt  }
0x71: {  	_ =	shalt  }
0x72: {  	_ =	shalt  }
0x73: {  	_ =	shalt  }
0x74: {  	_ =	shalt  }
0x75: {  	_ =	shalt  }
0x76: {  	_ =	shalt  }
0x77: {  	_ =	shalt  }
0x78: {  	_ =	shalt  }
0x79: {  	_ =	shalt  }
0x7a: {  	_ =	shalt  }
0x7b: {  	_ =	shalt  }
0x7c: {  	_ =	shalt  }
0x7d: {  	_ =	shalt  }
0x7e: {  	_ =	shalt  }
0x7f: {  	_ =	shalt  }
0x80: {  	_ =	shalt  }
0x81: {  	_ =	shalt  }
0x82: {  	_ =	shalt  }
0x83: {  	_ =	shalt  }
0x84: {  	_ =	shalt  }
0x85: {  	_ =	shalt  }
0x86: {  	_ =	shalt  }
0x87: {  	_ =	shalt  }
.Lfunc_end0:
.L_simem_size_0:
called_computation_lowered:
.L_overlay_start_0:
0x88: {  	s2 =	sld [smem:$0x3FD9]  }
0x89: {  	s3 =	sld [smem:$0x3FFE];
	_ =	sdelay $0x1  }
0x8a: {  	s1 =	srdreg.scid  }
0x8b: {  	s0 =	sand.u32 $0x1, s1  }
0x8c: {  	s16 =	sshll.u32 s0, $0xA;
	s2 =	sadd.s32 s3, s2  }
0x8d: {  	s2 =	sadd.s32 s2, s16  }
0x8e: {  	[smem:$0x3FC6] =	sst s2  }
0x8f: {  	_ = 	snop  }
0x90: {  	(tm) =	ssettm $0x1  }
0x91: {  	s17 =	sld [smem:$0x3FFB];
	_ =	sdelay $0x3  }
0x92: {  	_ =	strace s17  }
0x93: {  	s2 =	sld [smem:$0x3FFC];
	_ =	sdelay $0x3  }
0x94: {  	_ =	strace s2  }
0x95: {  	s2 =	sld [smem:$0x3FFD];
	_ =	sdelay $0x3  }
0x96: {  	_ =	strace s2  }
0x97: {  	_ =	strace $0x8FFFFFFF  }
0x98: {  	s18 =	sld [smem:$0x3FDB];
	_ =	sdelay $0x1  }
0x99: {  	s19 =	simm.s32 $_scs_section_size  }
0x9a: {  	s4 =	simm.s32 $_size__tile_overlayer_lowered;
	s5 =	simm.s32 $_tile_overlayer_lowered  }
0x9b: {  	s22 =	simm.s32 $0x1BFF;
	s21 =	sshll.u32 s5, $0x1;
	s2 =	sadd.s32 s19, s18  }
0x9c: {  	s6 =	simm.s32 $0x0;
	s20 =	sshll.u32 s4, $0x1;
	s4 =	sadd.s32 s21, s2  }
0x9d: {  	[timem:s6], [sflag:s22] =	dma.local [hbm:s4], s20  }
0x9e: {  	_ =	swait.ge [sflag:s22], s20  }
0x9f: {  	s3 =	ssub.s32 $0x0, s20;
	[sflag:s22] =	ssyncset.done $0x0  }
0xa0: {  	[sflag:s22] =	ssyncadd.s32 s3;
	_ =	sdelay $0x1  }
0xa1: {  	s23 =	simm.s32 $0x1B8B  }
0xa2: {  	_ =	swait.ge [sflag:s23], $0x1  }
0xa3: {  	[sflag:s23] =	ssyncset.done $0x0  }
0xa4: {  	s25 =	simm.s32 $0x1B8E;
	s24 =	sld [smem:$0x3FFE];
	[sflag:s23] =	ssyncadd.s32 $0xFFFFFFFF  }
0xa5: {  	s26 =	simm.s32 $execute0_lowered;
	[smem:$0x3FD2] =	sst s25  }
0xa6: {  	s4 =	sshll.u32 s26, $0x1;
	_ =	strace $0x80000046;
	[dreg:$0x1] =	wrdreg $0xFFFFFFFF  }
0xa7: {  	s28 =	simm.s32 $_size_execute0_lowered;
	s2 =	sadd.s32 s2, s4;
	[dreg:$0x0] =	wrdreg $0x0  }
0xa8: {  	s4 =	sshll.u32 s28, $0x1;
	[dreg:$0x2] =	wrdreg s2  }
0xa9: {  	[dreg:$0x3] =	wrdreg s4  }
0xaa: {  	[dreg:$0x4] =	wrdreg $0xC0  }
0xab: {  	_ =	task [dreg:s6], $0x5FFFF  }
0xac: {  	[dreg:$0x1] =	wrdreg $0xFFFFFFFF  }
0xad: {  	[dreg:$0x0] =	wrdreg $0x60  }
0xae: {  	[dreg:$0x2] =	wrdreg s24  }
0xaf: {  	[dreg:$0x3] =	wrdreg $0x9  }
0xb0: {  	_ =	task.clear_ibuf [dreg:s6], $0x4FFFF;
	_ =	strace $0x90000046  }
0xb1: {  	s29 =	simm.s32 $0x9;
	_ =	strace $0x80000048  }
0xb2: {  	_ =	swait.ge [sflag:s29], $0x1  }
0xb3: {  	[sflag:s29] =	ssyncadd.s32 $0xFFFFFFFF  }
0xb4: {  	_ =	strace $0x90000048  }
0xb5: {  	_ =	sfence  }
0xb6: {  	s30 =	sld [smem:$0x0];
	_ =	sdelay $0x2  }
0xb7: {  	s31 =	sshll.u32 s1, $0xD;
	s1 =	sshrl.u32 s1, $0x2  }
0xb8: {  	s3 =	sand.u32 $0x4000, s31;
	s1 =	sadd.s32 s1, s30  }
0xb9: {  	s0 =	sor.u32 s3, s0;
	s1 =	sshll.u32 s1, $0x11  }
0xba: {  	s0 =	sor.u32 s1, s0  }
0xbb: {  	s0 =	sadd.s32 $0x8F2B, s0  }
0xbc: {  	[sflag:s0] =	ssyncadd.remote.s32 $0x1  }
0xbd: {  	_ =	sfence.sel $0xFFFF  }
0xbe: {  	[dreg:$0x0] =	wrdreg $0xFFFFFFFF;
	(pc) =	sbr.abs _section_cstart, $3  }
0xbf: {  	[dreg:$0x1] =	wrdreg $0xFFFFFFFF  }
0xc0: {  	_ =	task.clear_ibuf [dreg:s6], $0x2FFFF;
	_ =	strace $0x9FFFFFFF  }
0xc1: {  	(tm) =	ssettm $0x7FFFFFFF  }
tec
execute0_lowered:
.L_overlay_start_1:
0x0: {  	(tag) =	ssettag $0x1  }
0x1: {  	s1 =	srdreg.scid  }
0x2: {  	s0 =	stileid.u32;
	s5 =	rddreg [dreg:$0x0]  }
0x3: {  	s2 =	simm.s32 $0x0;
	s12 =	simm.s32 $0x3;
	s13 =	simm.s32 $0xC8  }
0x4: {  	s14 =	simm.s32 $0x6400;
	s15 =	simm.s32 $0xC800;
	s16 =	simm.s32 $0x1  }
0x5: {  	s17 =	simm.s32 $0x190;
	s18 =	simm.s32 $0x12C00;
	s19 =	simm.s32 $0x258  }
0x6: {  	s20 =	simm.s32 $0x19000;
	s4 =	sand.u32 $0x1, s1;
	s28 =	sshll.u32 s0, $0x1  }
0x7: {  	s21 =	simm.s32 $0x2;
	s1 =	rddreg [dreg:$0x1];
	s6 =	sor.u32 s4, s28  }
0x8: {  	s22 =	simm.s32 $0x0;
	[smem:$0x7FF] =	sst s2;
	s3 =	smul.u32 $0xC80, s6  }
0x9: {  	_ =	strace $0x80000047;
	s8 =	ssub.s32 $0x2, s4;
	s9 =	smul.u32 $0x320000, s6  }
0xa: {  	s4 =	sadd.s32 $0x19FE00, s5;
	s29 =	sshrl.u32 s8, $0x1;
	s10 =	smul.u32 $0x64000, s6  }
0xb: {  	s11 =	ssub.s32 s8, s29;
	s7 =	sadd.s32 s3, s5;
	s3 =	sadd.s32 $0x19400, s5  }
0xc: {  	s5 =	sshll.u32 s6, $0x7;
	s30 =	sshrl.u32 s9, $0x3;
	s11 =	smax.u32 s11, $0x1  }
0xd: {  	s6 =	sadd.s32 $0x400, s7;
	s7 =	sadd.s32 s4, s10;
	s31 =	sadd.s32 s4, s30  }
0xe: {  	s8 =	sadd.s32 $0xC80, s7;
	s9 =	sadd.s32 $0x62700, s31;
	s10 =	sadd.s32 $0x63380, s31  }
.LBB2_1:
0xf: {  	[tilespmem:s2], [sflag:$0x3] =	stream.linear.gather [hbm4b:s6+s2], $0x6400, $0x38;
	[tilespmem:$0x1F400] =	vst v63  }
0x10: {  	_ =	swait.ge [sflag:s12], $0x6400  }
0x11: {  	[sflag:s12] =	ssyncset.done $0x0  }
0x12: {  	[sflag:s12] =	ssyncadd.s32 $0xFFFF9C00  }
0x13: {  	[tilespmem:s14], [sflag:$0x1] =	stream.indirect.gather [hbm4b:s3+s13], $0x80, s2, s13, $0xb8;
	[tilespmem:$0x1F400] =	vst v63  }
0x14: {  	_ = 	snop  }
0x15: {  	[tilespmem:s15], [sflag:$0x1] =	stream.indirect.gather [hbm4b:s3+s13], $0x80, s13, s13, $0xb8;
	[tilespmem:$0x1F400] =	vst v63  }
0x16: {  	_ =	swait.ge [sflag:s16], $0x6400  }
0x17: {  	[sflag:s16] =	ssyncset.done $0x0  }
0x18: {  	s23 =	simm.s32 $0x0;
	[sflag:s16] =	ssyncadd.s32 $0xFFFF9C00  }
0x19: {  	v0 =	vld [tilespmem:s23+$0x67B0]  }
0x1a: {  	v1 =	vld [tilespmem:s23+$0x6400]  }
0x1b: {  	v2 =	vld [tilespmem:s23+$0x6410]  }
0x1c: {  	v3 =	vld [tilespmem:s23+$0x6420]  }
0x1d: {  	v4 =	vld [tilespmem:s23+$0x6430]  }
0x1e: {  	v5 =	vld [tilespmem:s23+$0x6480];
	[tilespmem:s23+$0x12FB0] =	vst v0  }
0x1f: {  	[tilespmem:s23+$0x12C00] =	vst v1;
	v0 =	vld [tilespmem:s23+$0x6490]  }
0x20: {  	[tilespmem:s23+$0x12C10] =	vst v2;
	v1 =	vld [tilespmem:s23+$0x64A0]  }
0x21: {  	[tilespmem:s23+$0x12C20] =	vst v3;
	v2 =	vld [tilespmem:s23+$0x64B0]  }
0x22: {  	[tilespmem:s23+$0x12C30] =	vst v4;
	v3 =	vld [tilespmem:s23+$0x6500]  }
0x23: {  	[tilespmem:s23+$0x12C80] =	vst v5;
	v4 =	vld [tilespmem:s23+$0x6510]  }
0x24: {  	v5 =	vld [tilespmem:s23+$0x6710];
	[tilespmem:s23+$0x12C90] =	vst v0  }
0x25: {  	v0 =	vld [tilespmem:s23+$0x6520];
	[tilespmem:s23+$0x12CA0] =	vst v1  }
0x26: {  	v1 =	vld [tilespmem:s23+$0x6530];
	[tilespmem:s23+$0x12CB0] =	vst v2  }
0x27: {  	v2 =	vld [tilespmem:s23+$0x6580];
	[tilespmem:s23+$0x12D00] =	vst v3  }
0x28: {  	v3 =	vld [tilespmem:s23+$0x6590];
	[tilespmem:s23+$0x12D10] =	vst v4  }
0x29: {  	v4 =	vld [tilespmem:s23+$0x65A0];
	[tilespmem:s23+$0x12F10] =	vst v5  }
0x2a: {  	[tilespmem:s23+$0x12D20] =	vst v0;
	v0 =	vld [tilespmem:s23+$0x65B0]  }
0x2b: {  	[tilespmem:s23+$0x12D30] =	vst v1;
	v1 =	vld [tilespmem:s23+$0x6600]  }
0x2c: {  	[tilespmem:s23+$0x12D80] =	vst v2;
	v2 =	vld [tilespmem:s23+$0x6610]  }
0x2d: {  	[tilespmem:s23+$0x12D90] =	vst v3;
	v3 =	vld [tilespmem:s23+$0x6620]  }
0x2e: {  	[tilespmem:s23+$0x12DA0] =	vst v4;
	v4 =	vld [tilespmem:s23+$0x6630]  }
0x2f: {  	[tilespmem:s23+$0x12DB0] =	vst v0;
	v0 =	vld [tilespmem:s23+$0x6680]  }
0x30: {  	[tilespmem:s23+$0x12E00] =	vst v1;
	v1 =	vld [tilespmem:s23+$0x6690]  }
0x31: {  	[tilespmem:s23+$0x12E10] =	vst v2;
	v2 =	vld [tilespmem:s23+$0x66A0]  }
0x32: {  	[tilespmem:s23+$0x12E20] =	vst v3;
	v3 =	vld [tilespmem:s23+$0x66B0]  }
0x33: {  	[tilespmem:s23+$0x12E30] =	vst v4;
	v4 =	vld [tilespmem:s23+$0x6700]  }
0x34: {  	[tilespmem:s23+$0x12E80] =	vst v0;
	v0 =	vld [tilespmem:s23+$0x6720]  }
0x35: {  	[tilespmem:s23+$0x12E90] =	vst v1;
	v1 =	vld [tilespmem:s23+$0x6730]  }
0x36: {  	[tilespmem:s23+$0x12EA0] =	vst v2;
	v2 =	vld [tilespmem:s23+$0x6780]  }
0x37: {  	[tilespmem:s23+$0x12EB0] =	vst v3;
	v3 =	vld [tilespmem:s23+$0x6790]  }
0x38: {  	s25 =	simm.s32 $0x400;
	s24 =	simm.s32 $0x2000;
	[tilespmem:s23+$0x12F00] =	vst v4;
	v4 =	vld [tilespmem:s23+$0x67A0]  }
.LBB2_2:
0x39: {  	p0 =	sne.s32 s24, $0x18000;
	v5 =	vld [tilespmem:s25+$0x67B0];
	[tilespmem:s23+$0x12F20] =	vst v0  }
0x3a: {  	v0 =	vld [tilespmem:s25+$0x6400];
	[tilespmem:s23+$0x12F30] =	vst v1  }
0x3b: {  	v1 =	vld [tilespmem:s25+$0x6410];
	[tilespmem:s23+$0x12F80] =	vst v2  }
0x3c: {  	v2 =	vld [tilespmem:s25+$0x6420];
	[tilespmem:s23+$0x12F90] =	vst v3  }
0x3d: {  	v3 =	vld [tilespmem:s25+$0x6430];
	[tilespmem:s23+$0x12FA0] =	vst v4;
	s23 =	smov.u32 s25  }
0x3e: {  	v4 =	vld [tilespmem:s23+$0x6480];
	[tilespmem:s23+$0x12FB0] =	vst v5  }
0x3f: {  	[tilespmem:s23+$0x12C00] =	vst v0;
	v0 =	vld [tilespmem:s23+$0x6490]  }
0x40: {  	[tilespmem:s23+$0x12C10] =	vst v1;
	v1 =	vld [tilespmem:s23+$0x64A0]  }
0x41: {  	[tilespmem:s23+$0x12C20] =	vst v2;
	v2 =	vld [tilespmem:s23+$0x64B0]  }
0x42: {  	[tilespmem:s23+$0x12C30] =	vst v3;
	v3 =	vld [tilespmem:s23+$0x6500]  }
0x43: {  	[tilespmem:s23+$0x12C80] =	vst v4;
	v4 =	vld [tilespmem:s23+$0x6510]  }
0x44: {  	[tilespmem:s23+$0x12C90] =	vst v0;
	v0 =	vld [tilespmem:s23+$0x6520]  }
0x45: {  	[tilespmem:s23+$0x12CA0] =	vst v1;
	v1 =	vld [tilespmem:s23+$0x6530]  }
0x46: {  	[tilespmem:s23+$0x12CB0] =	vst v2;
	v2 =	vld [tilespmem:s23+$0x6580]  }
0x47: {  	[tilespmem:s23+$0x12D00] =	vst v3;
	v3 =	vld [tilespmem:s23+$0x6590]  }
0x48: {  	[tilespmem:s23+$0x12D10] =	vst v4;
	v4 =	vld [tilespmem:s23+$0x65A0]  }
0x49: {  	[tilespmem:s23+$0x12D20] =	vst v0;
	v0 =	vld [tilespmem:s23+$0x65B0]  }
0x4a: {  	[tilespmem:s23+$0x12D30] =	vst v1;
	v1 =	vld [tilespmem:s23+$0x6600]  }
0x4b: {  	[tilespmem:s23+$0x12D80] =	vst v2;
	v2 =	vld [tilespmem:s23+$0x6610]  }
0x4c: {  	[tilespmem:s23+$0x12D90] =	vst v3;
	v3 =	vld [tilespmem:s23+$0x6620]  }
0x4d: {  	[tilespmem:s23+$0x12DA0] =	vst v4;
	v4 =	vld [tilespmem:s23+$0x6630]  }
0x4e: {  	[tilespmem:s23+$0x12DB0] =	vst v0;
	v0 =	vld [tilespmem:s23+$0x6680]  }
0x4f: {  	[tilespmem:s23+$0x12E00] =	vst v1;
	v1 =	vld [tilespmem:s23+$0x6690]  }
0x50: {  	[tilespmem:s23+$0x12E10] =	vst v2;
	v2 =	vld [tilespmem:s23+$0x66A0]  }
0x51: {  	[tilespmem:s23+$0x12E20] =	vst v3;
	v3 =	vld [tilespmem:s23+$0x66B0]  }
0x52: {  	[tilespmem:s23+$0x12E30] =	vst v4;
	v4 =	vld [tilespmem:s23+$0x6700]  }
0x53: {  	[tilespmem:s23+$0x12E80] =	vst v0;
	v5 =	vld [tilespmem:s23+$0x6710]  }
.Ltmp0:
0x54: {  	[tilespmem:s23+$0x12E90] =	vst v1;
	v0 =	vld [tilespmem:s23+$0x6720];
	(pc) =	sbr.rel @p0 .LBB2_2-.Ltmp0, $4  }
0x55: {  	[tilespmem:s23+$0x12EA0] =	vst v2;
	v1 =	vld [tilespmem:s23+$0x6730]  }
0x56: {  	[tilespmem:s23+$0x12EB0] =	vst v3;
	v2 =	vld [tilespmem:s23+$0x6780]  }
0x57: {  	[tilespmem:s23+$0x12F00] =	vst v4;
	v3 =	vld [tilespmem:s23+$0x6790]  }
0x58: {  	s25 =	sshra.s32 s24, $0x2;
	s24 =	sadd.s32 $0x1000, s24;
	[tilespmem:s23+$0x12F10] =	vst v5;
	v4 =	vld [tilespmem:s23+$0x67A0]  }
0x59: {  	v5 =	vld [tilespmem:s25+$0x67B0];
	[tilespmem:s23+$0x12F20] =	vst v0  }
0x5a: {  	v0 =	vld [tilespmem:s25+$0x6400];
	[tilespmem:s23+$0x12F30] =	vst v1  }
0x5b: {  	v1 =	vld [tilespmem:s25+$0x6410];
	[tilespmem:s23+$0x12F80] =	vst v2  }
0x5c: {  	v2 =	vld [tilespmem:s25+$0x6420];
	[tilespmem:s23+$0x12F90] =	vst v3  }
0x5d: {  	v3 =	vld [tilespmem:s25+$0x6430];
	[tilespmem:s23+$0x12FA0] =	vst v4  }
0x5e: {  	v4 =	vld [tilespmem:s25+$0x6480];
	[tilespmem:s25+$0x12FB0] =	vst v5  }
0x5f: {  	[tilespmem:s25+$0x12C00] =	vst v0;
	v0 =	vld [tilespmem:s25+$0x6490]  }
0x60: {  	[tilespmem:s25+$0x12C10] =	vst v1;
	v1 =	vld [tilespmem:s25+$0x64A0]  }
0x61: {  	[tilespmem:s25+$0x12C20] =	vst v2;
	v2 =	vld [tilespmem:s25+$0x64B0]  }
0x62: {  	[tilespmem:s25+$0x12C30] =	vst v3;
	v3 =	vld [tilespmem:s25+$0x6500]  }
0x63: {  	[tilespmem:s25+$0x12C80] =	vst v4;
	v4 =	vld [tilespmem:s25+$0x6510]  }
0x64: {  	[tilespmem:s25+$0x12C90] =	vst v0;
	v0 =	vld [tilespmem:s25+$0x6520]  }
0x65: {  	[tilespmem:s25+$0x12CA0] =	vst v1;
	v1 =	vld [tilespmem:s25+$0x6530]  }
0x66: {  	[tilespmem:s25+$0x12CB0] =	vst v2;
	v2 =	vld [tilespmem:s25+$0x6580]  }
0x67: {  	[tilespmem:s25+$0x12D00] =	vst v3;
	v3 =	vld [tilespmem:s25+$0x6590]  }
0x68: {  	[tilespmem:s25+$0x12D10] =	vst v4;
	v4 =	vld [tilespmem:s25+$0x65A0]  }
0x69: {  	[tilespmem:s25+$0x12D20] =	vst v0;
	v0 =	vld [tilespmem:s25+$0x65B0]  }
0x6a: {  	[tilespmem:s25+$0x12D30] =	vst v1;
	v1 =	vld [tilespmem:s25+$0x6600]  }
0x6b: {  	[tilespmem:s25+$0x12D80] =	vst v2;
	v2 =	vld [tilespmem:s25+$0x6610]  }
0x6c: {  	[tilespmem:s25+$0x12D90] =	vst v3;
	v3 =	vld [tilespmem:s25+$0x6620]  }
0x6d: {  	[tilespmem:s25+$0x12DA0] =	vst v4;
	v4 =	vld [tilespmem:s25+$0x6630]  }
0x6e: {  	[tilespmem:s25+$0x12DB0] =	vst v0;
	v0 =	vld [tilespmem:s25+$0x6680]  }
0x6f: {  	[tilespmem:s25+$0x12E00] =	vst v1;
	v1 =	vld [tilespmem:s25+$0x6690]  }
0x70: {  	[tilespmem:s25+$0x12E10] =	vst v2;
	v2 =	vld [tilespmem:s25+$0x66A0]  }
0x71: {  	[tilespmem:s25+$0x12E20] =	vst v3;
	v3 =	vld [tilespmem:s25+$0x66B0]  }
0x72: {  	[tilespmem:s25+$0x12E30] =	vst v4;
	v4 =	vld [tilespmem:s25+$0x6700]  }
0x73: {  	[tilespmem:s25+$0x12E80] =	vst v0;
	v0 =	vld [tilespmem:s25+$0x6710]  }
0x74: {  	[tilespmem:s25+$0x12E90] =	vst v1;
	v1 =	vld [tilespmem:s25+$0x6720]  }
0x75: {  	[tilespmem:s25+$0x12EA0] =	vst v2;
	v2 =	vld [tilespmem:s25+$0x6730]  }
0x76: {  	[tilespmem:s25+$0x12EB0] =	vst v3;
	v3 =	vld [tilespmem:s25+$0x6780]  }
0x77: {  	[tilespmem:s25+$0x12F00] =	vst v4;
	v4 =	vld [tilespmem:s25+$0x6790]  }
0x78: {  	[tilespmem:s25+$0x12F10] =	vst v0;
	v0 =	vld [tilespmem:s25+$0x67A0]  }
0x79: {  	[tilespmem:s25+$0x12F20] =	vst v1  }
0x7a: {  	[tilespmem:s25+$0x12F30] =	vst v2  }
0x7b: {  	[tilespmem:s25+$0x12F80] =	vst v3  }
0x7c: {  	[tilespmem:s25+$0x12F90] =	vst v4  }
0x7d: {  	[tilespmem:s25+$0x12FA0] =	vst v0  }
0x7e: {  	[tilespmem:s14], [sflag:$0x1] =	stream.indirect.gather [hbm4b:s3+s13], $0x80, s17, s13, $0xb8;
	[tilespmem:$0x1F400] =	vst v63  }
0x7f: {  	s31 =	simm.s32 $0x0  }
0x80: {  	[hbm4b:s7+s31] =	stream.linear.scatter [tilespmem:s18], [sflag:$0x2], $0x6400, $0x38;
	[tilespmem:$0x1F400] =	vst v63  }
0x81: {  	_ =	swait.ge [sflag:s16], $0x6400  }
0x82: {  	[sflag:s16] =	ssyncset.done $0x0  }
0x83: {  	s23 =	simm.s32 $0x0;
	[sflag:s16] =	ssyncadd.s32 $0xFFFF9C00  }
0x84: {  	v0 =	vld [tilespmem:s23+$0xCBB0]  }
0x85: {  	v1 =	vld [tilespmem:s23+$0xC800]  }
0x86: {  	v2 =	vld [tilespmem:s23+$0xC810]  }
0x87: {  	v3 =	vld [tilespmem:s23+$0xC820]  }
0x88: {  	v4 =	vld [tilespmem:s23+$0xC830]  }
0x89: {  	v5 =	vld [tilespmem:s23+$0xC880];
	[tilespmem:s23+$0x193B0] =	vst v0  }
0x8a: {  	[tilespmem:s23+$0x19000] =	vst v1;
	v0 =	vld [tilespmem:s23+$0xC890]  }
0x8b: {  	[tilespmem:s23+$0x19010] =	vst v2;
	v1 =	vld [tilespmem:s23+$0xC8A0]  }
0x8c: {  	[tilespmem:s23+$0x19020] =	vst v3;
	v2 =	vld [tilespmem:s23+$0xC8B0]  }
0x8d: {  	[tilespmem:s23+$0x19030] =	vst v4;
	v3 =	vld [tilespmem:s23+$0xC900]  }
0x8e: {  	[tilespmem:s23+$0x19080] =	vst v5;
	v4 =	vld [tilespmem:s23+$0xC910]  }
0x8f: {  	v5 =	vld [tilespmem:s23+$0xCB10];
	[tilespmem:s23+$0x19090] =	vst v0  }
0x90: {  	v0 =	vld [tilespmem:s23+$0xC920];
	[tilespmem:s23+$0x190A0] =	vst v1  }
0x91: {  	v1 =	vld [tilespmem:s23+$0xC930];
	[tilespmem:s23+$0x190B0] =	vst v2  }
0x92: {  	v2 =	vld [tilespmem:s23+$0xC980];
	[tilespmem:s23+$0x19100] =	vst v3  }
0x93: {  	v3 =	vld [tilespmem:s23+$0xC990];
	[tilespmem:s23+$0x19110] =	vst v4  }
0x94: {  	v4 =	vld [tilespmem:s23+$0xC9A0];
	[tilespmem:s23+$0x19310] =	vst v5  }
0x95: {  	[tilespmem:s23+$0x19120] =	vst v0;
	v0 =	vld [tilespmem:s23+$0xC9B0]  }
0x96: {  	[tilespmem:s23+$0x19130] =	vst v1;
	v1 =	vld [tilespmem:s23+$0xCA00]  }
0x97: {  	[tilespmem:s23+$0x19180] =	vst v2;
	v2 =	vld [tilespmem:s23+$0xCA10]  }
0x98: {  	[tilespmem:s23+$0x19190] =	vst v3;
	v3 =	vld [tilespmem:s23+$0xCA20]  }
0x99: {  	[tilespmem:s23+$0x191A0] =	vst v4;
	v4 =	vld [tilespmem:s23+$0xCA30]  }
0x9a: {  	[tilespmem:s23+$0x191B0] =	vst v0;
	v0 =	vld [tilespmem:s23+$0xCA80]  }
0x9b: {  	[tilespmem:s23+$0x19200] =	vst v1;
	v1 =	vld [tilespmem:s23+$0xCA90]  }
0x9c: {  	[tilespmem:s23+$0x19210] =	vst v2;
	v2 =	vld [tilespmem:s23+$0xCAA0]  }
0x9d: {  	[tilespmem:s23+$0x19220] =	vst v3;
	v3 =	vld [tilespmem:s23+$0xCAB0]  }
0x9e: {  	[tilespmem:s23+$0x19230] =	vst v4;
	v4 =	vld [tilespmem:s23+$0xCB00]  }
0x9f: {  	[tilespmem:s23+$0x19280] =	vst v0;
	v0 =	vld [tilespmem:s23+$0xCB20]  }
0xa0: {  	[tilespmem:s23+$0x19290] =	vst v1;
	v1 =	vld [tilespmem:s23+$0xCB30]  }
0xa1: {  	[tilespmem:s23+$0x192A0] =	vst v2;
	v2 =	vld [tilespmem:s23+$0xCB80]  }
0xa2: {  	[tilespmem:s23+$0x192B0] =	vst v3;
	v3 =	vld [tilespmem:s23+$0xCB90]  }
0xa3: {  	s24 =	simm.s32 $0x2000;
	s25 =	simm.s32 $0x400;
	[tilespmem:s23+$0x19300] =	vst v4;
	v4 =	vld [tilespmem:s23+$0xCBA0]  }
.LBB2_4:
0xa4: {  	p0 =	sne.s32 s24, $0x18000;
	v5 =	vld [tilespmem:s25+$0xCBB0];
	[tilespmem:s23+$0x19320] =	vst v0  }
0xa5: {  	v0 =	vld [tilespmem:s25+$0xC800];
	[tilespmem:s23+$0x19330] =	vst v1  }
0xa6: {  	v1 =	vld [tilespmem:s25+$0xC810];
	[tilespmem:s23+$0x19380] =	vst v2  }
0xa7: {  	v2 =	vld [tilespmem:s25+$0xC820];
	[tilespmem:s23+$0x19390] =	vst v3  }
0xa8: {  	v3 =	vld [tilespmem:s25+$0xC830];
	[tilespmem:s23+$0x193A0] =	vst v4;
	s23 =	smov.u32 s25  }
0xa9: {  	v4 =	vld [tilespmem:s23+$0xC880];
	[tilespmem:s23+$0x193B0] =	vst v5  }
0xaa: {  	[tilespmem:s23+$0x19000] =	vst v0;
	v0 =	vld [tilespmem:s23+$0xC890]  }
0xab: {  	[tilespmem:s23+$0x19010] =	vst v1;
	v1 =	vld [tilespmem:s23+$0xC8A0]  }
0xac: {  	[tilespmem:s23+$0x19020] =	vst v2;
	v2 =	vld [tilespmem:s23+$0xC8B0]  }
0xad: {  	[tilespmem:s23+$0x19030] =	vst v3;
	v3 =	vld [tilespmem:s23+$0xC900]  }
0xae: {  	[tilespmem:s23+$0x19080] =	vst v4;
	v4 =	vld [tilespmem:s23+$0xC910]  }
0xaf: {  	[tilespmem:s23+$0x19090] =	vst v0;
	v0 =	vld [tilespmem:s23+$0xC920]  }
0xb0: {  	[tilespmem:s23+$0x190A0] =	vst v1;
	v1 =	vld [tilespmem:s23+$0xC930]  }
0xb1: {  	[tilespmem:s23+$0x190B0] =	vst v2;
	v2 =	vld [tilespmem:s23+$0xC980]  }
0xb2: {  	[tilespmem:s23+$0x19100] =	vst v3;
	v3 =	vld [tilespmem:s23+$0xC990]  }
0xb3: {  	[tilespmem:s23+$0x19110] =	vst v4;
	v4 =	vld [tilespmem:s23+$0xC9A0]  }
0xb4: {  	[tilespmem:s23+$0x19120] =	vst v0;
	v0 =	vld [tilespmem:s23+$0xC9B0]  }
0xb5: {  	[tilespmem:s23+$0x19130] =	vst v1;
	v1 =	vld [tilespmem:s23+$0xCA00]  }
0xb6: {  	[tilespmem:s23+$0x19180] =	vst v2;
	v2 =	vld [tilespmem:s23+$0xCA10]  }
0xb7: {  	[tilespmem:s23+$0x19190] =	vst v3;
	v3 =	vld [tilespmem:s23+$0xCA20]  }
0xb8: {  	[tilespmem:s23+$0x191A0] =	vst v4;
	v4 =	vld [tilespmem:s23+$0xCA30]  }
0xb9: {  	[tilespmem:s23+$0x191B0] =	vst v0;
	v0 =	vld [tilespmem:s23+$0xCA80]  }
0xba: {  	[tilespmem:s23+$0x19200] =	vst v1;
	v1 =	vld [tilespmem:s23+$0xCA90]  }
0xbb: {  	[tilespmem:s23+$0x19210] =	vst v2;
	v2 =	vld [tilespmem:s23+$0xCAA0]  }
0xbc: {  	[tilespmem:s23+$0x19220] =	vst v3;
	v3 =	vld [tilespmem:s23+$0xCAB0]  }
0xbd: {  	[tilespmem:s23+$0x19230] =	vst v4;
	v4 =	vld [tilespmem:s23+$0xCB00]  }
0xbe: {  	[tilespmem:s23+$0x19280] =	vst v0;
	v5 =	vld [tilespmem:s23+$0xCB10]  }
.Ltmp1:
0xbf: {  	[tilespmem:s23+$0x19290] =	vst v1;
	v0 =	vld [tilespmem:s23+$0xCB20];
	(pc) =	sbr.rel @p0 .LBB2_4-.Ltmp1, $4  }
0xc0: {  	[tilespmem:s23+$0x192A0] =	vst v2;
	v1 =	vld [tilespmem:s23+$0xCB30]  }
0xc1: {  	[tilespmem:s23+$0x192B0] =	vst v3;
	v2 =	vld [tilespmem:s23+$0xCB80]  }
0xc2: {  	[tilespmem:s23+$0x19300] =	vst v4;
	v3 =	vld [tilespmem:s23+$0xCB90]  }
0xc3: {  	s25 =	sshra.s32 s24, $0x2;
	s24 =	sadd.s32 $0x1000, s24;
	[tilespmem:s23+$0x19310] =	vst v5;
	v4 =	vld [tilespmem:s23+$0xCBA0]  }
0xc4: {  	v5 =	vld [tilespmem:s25+$0xCBB0];
	[tilespmem:s23+$0x19320] =	vst v0  }
0xc5: {  	v0 =	vld [tilespmem:s25+$0xC800];
	[tilespmem:s23+$0x19330] =	vst v1  }
0xc6: {  	v1 =	vld [tilespmem:s25+$0xC810];
	[tilespmem:s23+$0x19380] =	vst v2  }
0xc7: {  	v2 =	vld [tilespmem:s25+$0xC820];
	[tilespmem:s23+$0x19390] =	vst v3  }
0xc8: {  	v3 =	vld [tilespmem:s25+$0xC830];
	[tilespmem:s23+$0x193A0] =	vst v4  }
0xc9: {  	v4 =	vld [tilespmem:s25+$0xC880];
	[tilespmem:s25+$0x193B0] =	vst v5  }
0xca: {  	v38 =	vld [tilespmem:s25+$0xC890];
	[tilespmem:s25+$0x19000] =	vst v0  }
0xcb: {  	v39 =	vld [tilespmem:s25+$0xC8A0];
	[tilespmem:s25+$0x19010] =	vst v1  }
0xcc: {  	v40 =	vld [tilespmem:s25+$0xC8B0];
	[tilespmem:s25+$0x19020] =	vst v2  }
0xcd: {  	v41 =	vld [tilespmem:s25+$0xC900];
	[tilespmem:s25+$0x19030] =	vst v3  }
0xce: {  	v42 =	vld [tilespmem:s25+$0xC910];
	[tilespmem:s25+$0x19080] =	vst v4  }
0xcf: {  	v43 =	vld [tilespmem:s25+$0xC920];
	[tilespmem:s25+$0x19090] =	vst v38  }
0xd0: {  	v44 =	vld [tilespmem:s25+$0xC930];
	[tilespmem:s25+$0x190A0] =	vst v39  }
0xd1: {  	v45 =	vld [tilespmem:s25+$0xC980];
	[tilespmem:s25+$0x190B0] =	vst v40  }
0xd2: {  	v46 =	vld [tilespmem:s25+$0xC990];
	[tilespmem:s25+$0x19100] =	vst v41  }
0xd3: {  	v47 =	vld [tilespmem:s25+$0xC9A0];
	[tilespmem:s25+$0x19110] =	vst v42  }
0xd4: {  	v48 =	vld [tilespmem:s25+$0xC9B0];
	[tilespmem:s25+$0x19120] =	vst v43  }
0xd5: {  	v49 =	vld [tilespmem:s25+$0xCA00];
	[tilespmem:s25+$0x19130] =	vst v44  }
0xd6: {  	v50 =	vld [tilespmem:s25+$0xCA10];
	[tilespmem:s25+$0x19180] =	vst v45  }
0xd7: {  	v51 =	vld [tilespmem:s25+$0xCA20];
	[tilespmem:s25+$0x19190] =	vst v46  }
0xd8: {  	v52 =	vld [tilespmem:s25+$0xCA30];
	[tilespmem:s25+$0x191A0] =	vst v47  }
0xd9: {  	v53 =	vld [tilespmem:s25+$0xCA80];
	[tilespmem:s25+$0x191B0] =	vst v48  }
0xda: {  	v54 =	vld [tilespmem:s25+$0xCA90];
	[tilespmem:s25+$0x19200] =	vst v49  }
0xdb: {  	v55 =	vld [tilespmem:s25+$0xCAA0];
	[tilespmem:s25+$0x19210] =	vst v50  }
0xdc: {  	v56 =	vld [tilespmem:s25+$0xCAB0];
	[tilespmem:s25+$0x19220] =	vst v51  }
0xdd: {  	v57 =	vld [tilespmem:s25+$0xCB00];
	[tilespmem:s25+$0x19230] =	vst v52  }
0xde: {  	v58 =	vld [tilespmem:s25+$0xCB10];
	[tilespmem:s25+$0x19280] =	vst v53  }
0xdf: {  	v59 =	vld [tilespmem:s25+$0xCB20];
	[tilespmem:s25+$0x19290] =	vst v54  }
0xe0: {  	v60 =	vld [tilespmem:s25+$0xCB30];
	[tilespmem:s25+$0x192A0] =	vst v55  }
0xe1: {  	v61 =	vld [tilespmem:s25+$0xCB80];
	[tilespmem:s25+$0x192B0] =	vst v56  }
0xe2: {  	v62 =	vld [tilespmem:s25+$0xCB90];
	[tilespmem:s25+$0x19300] =	vst v57  }
0xe3: {  	v63 =	vld [tilespmem:s25+$0xCBA0];
	[tilespmem:s25+$0x19310] =	vst v58  }
0xe4: {  	[tilespmem:s25+$0x19320] =	vst v59  }
0xe5: {  	[tilespmem:s25+$0x19330] =	vst v60  }
0xe6: {  	[tilespmem:s25+$0x19380] =	vst v61  }
0xe7: {  	[tilespmem:s25+$0x19390] =	vst v62  }
0xe8: {  	[tilespmem:s25+$0x193A0] =	vst v63  }
0xe9: {  	[tilespmem:s15], [sflag:$0x1] =	stream.indirect.gather [hbm4b:s3+s13], $0x80, s19, s13, $0xb8;
	[tilespmem:$0x1F400] =	vst v63  }
0xea: {  	s23 =	simm.s32 $0x1  }
0xeb: {  	[hbm4b:s8+s2] =	stream.linear.scatter [tilespmem:s20], [sflag:$0x2], $0x6400, $0x38;
	[tilespmem:$0x1F400] =	vst v63  }
.LBB2_6:
0xec: {  	_ =	swait.ge [sflag:s16], $0x6400  }
0xed: {  	[sflag:s16] =	ssyncset.done $0x0  }
0xee: {  	[sflag:s16] =	ssyncadd.s32 $0xFFFF9C00  }
0xef: {  	_ =	swait.ge [sflag:s21], $0x6400  }
0xf0: {  	[sflag:s21] =	ssyncset.done $0x0  }
0xf1: {  	s24 =	simm.s32 $0x0;
	[sflag:s21] =	ssyncadd.s32 $0xFFFF9C00  }
0xf2: {  	v0 =	vld [tilespmem:s24+$0x67B0]  }
0xf3: {  	v1 =	vld [tilespmem:s24+$0x6400]  }
0xf4: {  	v2 =	vld [tilespmem:s24+$0x6410]  }
0xf5: {  	v3 =	vld [tilespmem:s24+$0x6420]  }
0xf6: {  	v4 =	vld [tilespmem:s24+$0x6430]  }
0xf7: {  	v5 =	vld [tilespmem:s24+$0x6480];
	[tilespmem:s24+$0x12FB0] =	vst v0  }
0xf8: {  	[tilespmem:s24+$0x12C00] =	vst v1;
	v0 =	vld [tilespmem:s24+$0x6490]  }
0xf9: {  	[tilespmem:s24+$0x12C10] =	vst v2;
	v1 =	vld [tilespmem:s24+$0x64A0]  }
0xfa: {  	[tilespmem:s24+$0x12C20] =	vst v3;
	v2 =	vld [tilespmem:s24+$0x64B0]  }
0xfb: {  	[tilespmem:s24+$0x12C30] =	vst v4;
	v3 =	vld [tilespmem:s24+$0x6500]  }
0xfc: {  	[tilespmem:s24+$0x12C80] =	vst v5;
	v4 =	vld [tilespmem:s24+$0x6510]  }
0xfd: {  	v5 =	vld [tilespmem:s24+$0x6710];
	[tilespmem:s24+$0x12C90] =	vst v0  }
0xfe: {  	v0 =	vld [tilespmem:s24+$0x6520];
	[tilespmem:s24+$0x12CA0] =	vst v1  }
0xff: {  	v1 =	vld [tilespmem:s24+$0x6530];
	[tilespmem:s24+$0x12CB0] =	vst v2  }
0x100: {  	v2 =	vld [tilespmem:s24+$0x6580];
	[tilespmem:s24+$0x12D00] =	vst v3  }
0x101: {  	v3 =	vld [tilespmem:s24+$0x6590];
	[tilespmem:s24+$0x12D10] =	vst v4  }
0x102: {  	v4 =	vld [tilespmem:s24+$0x65A0];
	[tilespmem:s24+$0x12F10] =	vst v5  }
0x103: {  	[tilespmem:s24+$0x12D20] =	vst v0;
	v0 =	vld [tilespmem:s24+$0x65B0]  }
0x104: {  	[tilespmem:s24+$0x12D30] =	vst v1;
	v1 =	vld [tilespmem:s24+$0x6600]  }
0x105: {  	[tilespmem:s24+$0x12D80] =	vst v2;
	v2 =	vld [tilespmem:s24+$0x6610]  }
0x106: {  	[tilespmem:s24+$0x12D90] =	vst v3;
	v3 =	vld [tilespmem:s24+$0x6620]  }
0x107: {  	[tilespmem:s24+$0x12DA0] =	vst v4;
	v4 =	vld [tilespmem:s24+$0x6630]  }
0x108: {  	[tilespmem:s24+$0x12DB0] =	vst v0;
	v0 =	vld [tilespmem:s24+$0x6680]  }
0x109: {  	[tilespmem:s24+$0x12E00] =	vst v1;
	v1 =	vld [tilespmem:s24+$0x6690]  }
0x10a: {  	[tilespmem:s24+$0x12E10] =	vst v2;
	v2 =	vld [tilespmem:s24+$0x66A0]  }
0x10b: {  	[tilespmem:s24+$0x12E20] =	vst v3;
	v3 =	vld [tilespmem:s24+$0x66B0]  }
0x10c: {  	[tilespmem:s24+$0x12E30] =	vst v4;
	v4 =	vld [tilespmem:s24+$0x6700]  }
0x10d: {  	[tilespmem:s24+$0x12E80] =	vst v0;
	v0 =	vld [tilespmem:s24+$0x6720]  }
0x10e: {  	[tilespmem:s24+$0x12E90] =	vst v1;
	v1 =	vld [tilespmem:s24+$0x6730]  }
0x10f: {  	[tilespmem:s24+$0x12EA0] =	vst v2;
	v2 =	vld [tilespmem:s24+$0x6780]  }
0x110: {  	[tilespmem:s24+$0x12EB0] =	vst v3;
	v3 =	vld [tilespmem:s24+$0x6790]  }
0x111: {  	s26 =	simm.s32 $0x400;
	s25 =	simm.s32 $0x2000;
	[tilespmem:s24+$0x12F00] =	vst v4;
	v4 =	vld [tilespmem:s24+$0x67A0]  }
.LBB2_7:
0x112: {  	p0 =	sne.s32 s25, $0x18000;
	v5 =	vld [tilespmem:s26+$0x67B0];
	[tilespmem:s24+$0x12F20] =	vst v0  }
0x113: {  	v0 =	vld [tilespmem:s26+$0x6400];
	[tilespmem:s24+$0x12F30] =	vst v1  }
0x114: {  	v1 =	vld [tilespmem:s26+$0x6410];
	[tilespmem:s24+$0x12F80] =	vst v2  }
0x115: {  	v2 =	vld [tilespmem:s26+$0x6420];
	[tilespmem:s24+$0x12F90] =	vst v3  }
0x116: {  	v3 =	vld [tilespmem:s26+$0x6430];
	[tilespmem:s24+$0x12FA0] =	vst v4;
	s24 =	smov.u32 s26  }
0x117: {  	v4 =	vld [tilespmem:s24+$0x6480];
	[tilespmem:s24+$0x12FB0] =	vst v5  }
0x118: {  	[tilespmem:s24+$0x12C00] =	vst v0;
	v0 =	vld [tilespmem:s24+$0x6490]  }
0x119: {  	[tilespmem:s24+$0x12C10] =	vst v1;
	v1 =	vld [tilespmem:s24+$0x64A0]  }
0x11a: {  	[tilespmem:s24+$0x12C20] =	vst v2;
	v2 =	vld [tilespmem:s24+$0x64B0]  }
0x11b: {  	[tilespmem:s24+$0x12C30] =	vst v3;
	v3 =	vld [tilespmem:s24+$0x6500]  }
0x11c: {  	[tilespmem:s24+$0x12C80] =	vst v4;
	v4 =	vld [tilespmem:s24+$0x6510]  }
0x11d: {  	[tilespmem:s24+$0x12C90] =	vst v0;
	v0 =	vld [tilespmem:s24+$0x6520]  }
0x11e: {  	[tilespmem:s24+$0x12CA0] =	vst v1;
	v1 =	vld [tilespmem:s24+$0x6530]  }
0x11f: {  	[tilespmem:s24+$0x12CB0] =	vst v2;
	v2 =	vld [tilespmem:s24+$0x6580]  }
0x120: {  	[tilespmem:s24+$0x12D00] =	vst v3;
	v3 =	vld [tilespmem:s24+$0x6590]  }
0x121: {  	[tilespmem:s24+$0x12D10] =	vst v4;
	v4 =	vld [tilespmem:s24+$0x65A0]  }
0x122: {  	[tilespmem:s24+$0x12D20] =	vst v0;
	v0 =	vld [tilespmem:s24+$0x65B0]  }
0x123: {  	[tilespmem:s24+$0x12D30] =	vst v1;
	v1 =	vld [tilespmem:s24+$0x6600]  }
0x124: {  	[tilespmem:s24+$0x12D80] =	vst v2;
	v2 =	vld [tilespmem:s24+$0x6610]  }
0x125: {  	[tilespmem:s24+$0x12D90] =	vst v3;
	v3 =	vld [tilespmem:s24+$0x6620]  }
0x126: {  	[tilespmem:s24+$0x12DA0] =	vst v4;
	v4 =	vld [tilespmem:s24+$0x6630]  }
0x127: {  	[tilespmem:s24+$0x12DB0] =	vst v0;
	v0 =	vld [tilespmem:s24+$0x6680]  }
0x128: {  	[tilespmem:s24+$0x12E00] =	vst v1;
	v1 =	vld [tilespmem:s24+$0x6690]  }
0x129: {  	[tilespmem:s24+$0x12E10] =	vst v2;
	v2 =	vld [tilespmem:s24+$0x66A0]  }
0x12a: {  	[tilespmem:s24+$0x12E20] =	vst v3;
	v3 =	vld [tilespmem:s24+$0x66B0]  }
0x12b: {  	[tilespmem:s24+$0x12E30] =	vst v4;
	v4 =	vld [tilespmem:s24+$0x6700]  }
0x12c: {  	[tilespmem:s24+$0x12E80] =	vst v0;
	v5 =	vld [tilespmem:s24+$0x6710]  }
.Ltmp2:
0x12d: {  	[tilespmem:s24+$0x12E90] =	vst v1;
	v0 =	vld [tilespmem:s24+$0x6720];
	(pc) =	sbr.rel @p0 .LBB2_7-.Ltmp2, $4  }
0x12e: {  	[tilespmem:s24+$0x12EA0] =	vst v2;
	v1 =	vld [tilespmem:s24+$0x6730]  }
0x12f: {  	[tilespmem:s24+$0x12EB0] =	vst v3;
	v2 =	vld [tilespmem:s24+$0x6780]  }
0x130: {  	[tilespmem:s24+$0x12F00] =	vst v4;
	v3 =	vld [tilespmem:s24+$0x6790]  }
0x131: {  	s26 =	sshra.s32 s25, $0x2;
	s25 =	sadd.s32 $0x1000, s25;
	[tilespmem:s24+$0x12F10] =	vst v5;
	v4 =	vld [tilespmem:s24+$0x67A0]  }
0x132: {  	v5 =	vld [tilespmem:s26+$0x67B0];
	[tilespmem:s24+$0x12F20] =	vst v0  }
0x133: {  	v0 =	vld [tilespmem:s26+$0x6400];
	[tilespmem:s24+$0x12F30] =	vst v1  }
0x134: {  	v1 =	vld [tilespmem:s26+$0x6410];
	[tilespmem:s24+$0x12F80] =	vst v2  }
0x135: {  	v2 =	vld [tilespmem:s26+$0x6420];
	[tilespmem:s24+$0x12F90] =	vst v3  }
0x136: {  	v3 =	vld [tilespmem:s26+$0x6430];
	[tilespmem:s24+$0x12FA0] =	vst v4  }
0x137: {  	v4 =	vld [tilespmem:s26+$0x6480];
	[tilespmem:s26+$0x12FB0] =	vst v5  }
0x138: {  	[tilespmem:s26+$0x12C00] =	vst v0;
	v0 =	vld [tilespmem:s26+$0x6490]  }
0x139: {  	[tilespmem:s26+$0x12C10] =	vst v1;
	v1 =	vld [tilespmem:s26+$0x64A0]  }
0x13a: {  	[tilespmem:s26+$0x12C20] =	vst v2;
	v2 =	vld [tilespmem:s26+$0x64B0]  }
0x13b: {  	[tilespmem:s26+$0x12C30] =	vst v3;
	v3 =	vld [tilespmem:s26+$0x6500]  }
0x13c: {  	[tilespmem:s26+$0x12C80] =	vst v4;
	v4 =	vld [tilespmem:s26+$0x6510]  }
0x13d: {  	[tilespmem:s26+$0x12C90] =	vst v0;
	v0 =	vld [tilespmem:s26+$0x6520]  }
0x13e: {  	[tilespmem:s26+$0x12CA0] =	vst v1;
	v1 =	vld [tilespmem:s26+$0x6530]  }
0x13f: {  	[tilespmem:s26+$0x12CB0] =	vst v2;
	v2 =	vld [tilespmem:s26+$0x6580]  }
0x140: {  	[tilespmem:s26+$0x12D00] =	vst v3;
	v3 =	vld [tilespmem:s26+$0x6590]  }
0x141: {  	[tilespmem:s26+$0x12D10] =	vst v4;
	v4 =	vld [tilespmem:s26+$0x65A0]  }
0x142: {  	[tilespmem:s26+$0x12D20] =	vst v0;
	v0 =	vld [tilespmem:s26+$0x65B0]  }
0x143: {  	[tilespmem:s26+$0x12D30] =	vst v1;
	v1 =	vld [tilespmem:s26+$0x6600]  }
0x144: {  	[tilespmem:s26+$0x12D80] =	vst v2;
	v2 =	vld [tilespmem:s26+$0x6610]  }
0x145: {  	[tilespmem:s26+$0x12D90] =	vst v3;
	v3 =	vld [tilespmem:s26+$0x6620]  }
0x146: {  	[tilespmem:s26+$0x12DA0] =	vst v4;
	v4 =	vld [tilespmem:s26+$0x6630]  }
0x147: {  	[tilespmem:s26+$0x12DB0] =	vst v0;
	v0 =	vld [tilespmem:s26+$0x6680]  }
0x148: {  	[tilespmem:s26+$0x12E00] =	vst v1;
	v1 =	vld [tilespmem:s26+$0x6690]  }
0x149: {  	[tilespmem:s26+$0x12E10] =	vst v2;
	v2 =	vld [tilespmem:s26+$0x66A0]  }
0x14a: {  	[tilespmem:s26+$0x12E20] =	vst v3;
	v3 =	vld [tilespmem:s26+$0x66B0]  }
0x14b: {  	[tilespmem:s26+$0x12E30] =	vst v4;
	v4 =	vld [tilespmem:s26+$0x6700]  }
0x14c: {  	[tilespmem:s26+$0x12E80] =	vst v0;
	v0 =	vld [tilespmem:s26+$0x6710]  }
0x14d: {  	[tilespmem:s26+$0x12E90] =	vst v1;
	v1 =	vld [tilespmem:s26+$0x6720]  }
0x14e: {  	[tilespmem:s26+$0x12EA0] =	vst v2;
	v2 =	vld [tilespmem:s26+$0x6730]  }
0x14f: {  	[tilespmem:s26+$0x12EB0] =	vst v3;
	v3 =	vld [tilespmem:s26+$0x6780]  }
0x150: {  	[tilespmem:s26+$0x12F00] =	vst v4;
	v4 =	vld [tilespmem:s26+$0x6790]  }
0x151: {  	[tilespmem:s26+$0x12F10] =	vst v0;
	v0 =	vld [tilespmem:s26+$0x67A0]  }
0x152: {  	[tilespmem:s26+$0x12F20] =	vst v1  }
0x153: {  	s25 =	smul.u32 $0x640, s23;
	[tilespmem:s26+$0x12F30] =	vst v2  }
0x154: {  	s24 =	sshll.u32 s23, $0x1;
	[tilespmem:s26+$0x12F80] =	vst v3  }
0x155: {  	s25 =	sshra.s32 s25, $0x2;
	s28 =	sadd.s32 s5, s24;
	[tilespmem:s26+$0x12F90] =	vst v4  }
0x156: {  	s30 =	sadd.s32 $0x190, s25;
	s28 =	smul.u32 $0xC80, s28;
	[tilespmem:s26+$0x12FA0] =	vst v0  }
0x157: {  	[tilespmem:s14], [sflag:$0x1] =	stream.indirect.gather [hbm4b:s3+s13], $0x80, s30, s13, $0xb8;
	[tilespmem:$0x1F400] =	vst v63  }
0x158: {  	s31 =	sadd.s32 s4, s28;
	s28 =	simm.s32 $0x0  }
0x159: {  	[hbm4b:s31+s28] =	stream.linear.scatter [tilespmem:s18], [sflag:$0x2], $0x6400, $0x38;
	[tilespmem:$0x1F400] =	vst v63  }
0x15a: {  	_ =	swait.ge [sflag:s16], $0x6400  }
0x15b: {  	[sflag:s16] =	ssyncset.done $0x0  }
0x15c: {  	[sflag:s16] =	ssyncadd.s32 $0xFFFF9C00  }
0x15d: {  	_ =	swait.ge [sflag:s21], $0x6400  }
0x15e: {  	[sflag:s21] =	ssyncset.done $0x0  }
0x15f: {  	s26 =	simm.s32 $0x0;
	[sflag:s21] =	ssyncadd.s32 $0xFFFF9C00  }
0x160: {  	v0 =	vld [tilespmem:s26+$0xCBB0]  }
0x161: {  	v1 =	vld [tilespmem:s26+$0xC800]  }
0x162: {  	v2 =	vld [tilespmem:s26+$0xC810]  }
0x163: {  	v3 =	vld [tilespmem:s26+$0xC820]  }
0x164: {  	v4 =	vld [tilespmem:s26+$0xC830]  }
0x165: {  	v5 =	vld [tilespmem:s26+$0xC880];
	[tilespmem:s26+$0x193B0] =	vst v0  }
0x166: {  	[tilespmem:s26+$0x19000] =	vst v1;
	v0 =	vld [tilespmem:s26+$0xC890]  }
0x167: {  	[tilespmem:s26+$0x19010] =	vst v2;
	v1 =	vld [tilespmem:s26+$0xC8A0]  }
0x168: {  	[tilespmem:s26+$0x19020] =	vst v3;
	v2 =	vld [tilespmem:s26+$0xC8B0]  }
0x169: {  	[tilespmem:s26+$0x19030] =	vst v4;
	v3 =	vld [tilespmem:s26+$0xC900]  }
0x16a: {  	[tilespmem:s26+$0x19080] =	vst v5;
	v4 =	vld [tilespmem:s26+$0xC910]  }
0x16b: {  	v5 =	vld [tilespmem:s26+$0xCB10];
	[tilespmem:s26+$0x19090] =	vst v0  }
0x16c: {  	v0 =	vld [tilespmem:s26+$0xC920];
	[tilespmem:s26+$0x190A0] =	vst v1  }
0x16d: {  	v1 =	vld [tilespmem:s26+$0xC930];
	[tilespmem:s26+$0x190B0] =	vst v2  }
0x16e: {  	v2 =	vld [tilespmem:s26+$0xC980];
	[tilespmem:s26+$0x19100] =	vst v3  }
0x16f: {  	v3 =	vld [tilespmem:s26+$0xC990];
	[tilespmem:s26+$0x19110] =	vst v4  }
0x170: {  	v4 =	vld [tilespmem:s26+$0xC9A0];
	[tilespmem:s26+$0x19310] =	vst v5  }
0x171: {  	[tilespmem:s26+$0x19120] =	vst v0;
	v0 =	vld [tilespmem:s26+$0xC9B0]  }
0x172: {  	[tilespmem:s26+$0x19130] =	vst v1;
	v1 =	vld [tilespmem:s26+$0xCA00]  }
0x173: {  	[tilespmem:s26+$0x19180] =	vst v2;
	v2 =	vld [tilespmem:s26+$0xCA10]  }
0x174: {  	[tilespmem:s26+$0x19190] =	vst v3;
	v3 =	vld [tilespmem:s26+$0xCA20]  }
0x175: {  	[tilespmem:s26+$0x191A0] =	vst v4;
	v4 =	vld [tilespmem:s26+$0xCA30]  }
0x176: {  	[tilespmem:s26+$0x191B0] =	vst v0;
	v0 =	vld [tilespmem:s26+$0xCA80]  }
0x177: {  	[tilespmem:s26+$0x19200] =	vst v1;
	v1 =	vld [tilespmem:s26+$0xCA90]  }
0x178: {  	[tilespmem:s26+$0x19210] =	vst v2;
	v2 =	vld [tilespmem:s26+$0xCAA0]  }
0x179: {  	[tilespmem:s26+$0x19220] =	vst v3;
	v3 =	vld [tilespmem:s26+$0xCAB0]  }
0x17a: {  	[tilespmem:s26+$0x19230] =	vst v4;
	v4 =	vld [tilespmem:s26+$0xCB00]  }
0x17b: {  	[tilespmem:s26+$0x19280] =	vst v0;
	v0 =	vld [tilespmem:s26+$0xCB20]  }
0x17c: {  	[tilespmem:s26+$0x19290] =	vst v1;
	v1 =	vld [tilespmem:s26+$0xCB30]  }
0x17d: {  	[tilespmem:s26+$0x192A0] =	vst v2;
	v2 =	vld [tilespmem:s26+$0xCB80]  }
0x17e: {  	[tilespmem:s26+$0x192B0] =	vst v3;
	v3 =	vld [tilespmem:s26+$0xCB90]  }
0x17f: {  	s29 =	simm.s32 $0x400;
	s28 =	simm.s32 $0x2000;
	[tilespmem:s26+$0x19300] =	vst v4;
	v4 =	vld [tilespmem:s26+$0xCBA0]  }
.LBB2_9:
0x180: {  	p0 =	sne.s32 s28, $0x18000;
	v5 =	vld [tilespmem:s29+$0xCBB0];
	[tilespmem:s26+$0x19320] =	vst v0  }
0x181: {  	v0 =	vld [tilespmem:s29+$0xC800];
	[tilespmem:s26+$0x19330] =	vst v1  }
0x182: {  	v1 =	vld [tilespmem:s29+$0xC810];
	[tilespmem:s26+$0x19380] =	vst v2  }
0x183: {  	v2 =	vld [tilespmem:s29+$0xC820];
	[tilespmem:s26+$0x19390] =	vst v3  }
0x184: {  	v3 =	vld [tilespmem:s29+$0xC830];
	[tilespmem:s26+$0x193A0] =	vst v4;
	s26 =	smov.u32 s29  }
0x185: {  	v4 =	vld [tilespmem:s26+$0xC880];
	[tilespmem:s26+$0x193B0] =	vst v5  }
0x186: {  	[tilespmem:s26+$0x19000] =	vst v0;
	v0 =	vld [tilespmem:s26+$0xC890]  }
0x187: {  	[tilespmem:s26+$0x19010] =	vst v1;
	v1 =	vld [tilespmem:s26+$0xC8A0]  }
0x188: {  	[tilespmem:s26+$0x19020] =	vst v2;
	v2 =	vld [tilespmem:s26+$0xC8B0]  }
0x189: {  	[tilespmem:s26+$0x19030] =	vst v3;
	v3 =	vld [tilespmem:s26+$0xC900]  }
0x18a: {  	[tilespmem:s26+$0x19080] =	vst v4;
	v4 =	vld [tilespmem:s26+$0xC910]  }
0x18b: {  	[tilespmem:s26+$0x19090] =	vst v0;
	v0 =	vld [tilespmem:s26+$0xC920]  }
0x18c: {  	[tilespmem:s26+$0x190A0] =	vst v1;
	v1 =	vld [tilespmem:s26+$0xC930]  }
0x18d: {  	[tilespmem:s26+$0x190B0] =	vst v2;
	v2 =	vld [tilespmem:s26+$0xC980]  }
0x18e: {  	[tilespmem:s26+$0x19100] =	vst v3;
	v3 =	vld [tilespmem:s26+$0xC990]  }
0x18f: {  	[tilespmem:s26+$0x19110] =	vst v4;
	v4 =	vld [tilespmem:s26+$0xC9A0]  }
0x190: {  	[tilespmem:s26+$0x19120] =	vst v0;
	v0 =	vld [tilespmem:s26+$0xC9B0]  }
0x191: {  	[tilespmem:s26+$0x19130] =	vst v1;
	v1 =	vld [tilespmem:s26+$0xCA00]  }
0x192: {  	[tilespmem:s26+$0x19180] =	vst v2;
	v2 =	vld [tilespmem:s26+$0xCA10]  }
0x193: {  	[tilespmem:s26+$0x19190] =	vst v3;
	v3 =	vld [tilespmem:s26+$0xCA20]  }
0x194: {  	[tilespmem:s26+$0x191A0] =	vst v4;
	v4 =	vld [tilespmem:s26+$0xCA30]  }
0x195: {  	[tilespmem:s26+$0x191B0] =	vst v0;
	v0 =	vld [tilespmem:s26+$0xCA80]  }
0x196: {  	[tilespmem:s26+$0x19200] =	vst v1;
	v1 =	vld [tilespmem:s26+$0xCA90]  }
0x197: {  	[tilespmem:s26+$0x19210] =	vst v2;
	v2 =	vld [tilespmem:s26+$0xCAA0]  }
0x198: {  	[tilespmem:s26+$0x19220] =	vst v3;
	v3 =	vld [tilespmem:s26+$0xCAB0]  }
0x199: {  	[tilespmem:s26+$0x19230] =	vst v4;
	v4 =	vld [tilespmem:s26+$0xCB00]  }
0x19a: {  	[tilespmem:s26+$0x19280] =	vst v0;
	v5 =	vld [tilespmem:s26+$0xCB10]  }
.Ltmp3:
0x19b: {  	[tilespmem:s26+$0x19290] =	vst v1;
	v0 =	vld [tilespmem:s26+$0xCB20];
	(pc) =	sbr.rel @p0 .LBB2_9-.Ltmp3, $4  }
0x19c: {  	[tilespmem:s26+$0x192A0] =	vst v2;
	v1 =	vld [tilespmem:s26+$0xCB30]  }
0x19d: {  	[tilespmem:s26+$0x192B0] =	vst v3;
	v2 =	vld [tilespmem:s26+$0xCB80]  }
0x19e: {  	[tilespmem:s26+$0x19300] =	vst v4;
	v3 =	vld [tilespmem:s26+$0xCB90]  }
0x19f: {  	s29 =	sshra.s32 s28, $0x2;
	s28 =	sadd.s32 $0x1000, s28;
	[tilespmem:s26+$0x19310] =	vst v5;
	v4 =	vld [tilespmem:s26+$0xCBA0]  }
0x1a0: {  	v5 =	vld [tilespmem:s29+$0xCBB0];
	[tilespmem:s26+$0x19320] =	vst v0  }
0x1a1: {  	v0 =	vld [tilespmem:s29+$0xC800];
	[tilespmem:s26+$0x19330] =	vst v1  }
0x1a2: {  	v1 =	vld [tilespmem:s29+$0xC810];
	[tilespmem:s26+$0x19380] =	vst v2  }
0x1a3: {  	v2 =	vld [tilespmem:s29+$0xC820];
	[tilespmem:s26+$0x19390] =	vst v3  }
0x1a4: {  	v3 =	vld [tilespmem:s29+$0xC830];
	[tilespmem:s26+$0x193A0] =	vst v4  }
0x1a5: {  	v4 =	vld [tilespmem:s29+$0xC880];
	[tilespmem:s29+$0x193B0] =	vst v5  }
0x1a6: {  	v38 =	vld [tilespmem:s29+$0xC890];
	[tilespmem:s29+$0x19000] =	vst v0  }
0x1a7: {  	v39 =	vld [tilespmem:s29+$0xC8A0];
	[tilespmem:s29+$0x19010] =	vst v1  }
0x1a8: {  	v40 =	vld [tilespmem:s29+$0xC8B0];
	[tilespmem:s29+$0x19020] =	vst v2  }
0x1a9: {  	v41 =	vld [tilespmem:s29+$0xC900];
	[tilespmem:s29+$0x19030] =	vst v3  }
0x1aa: {  	v42 =	vld [tilespmem:s29+$0xC910];
	[tilespmem:s29+$0x19080] =	vst v4  }
0x1ab: {  	v43 =	vld [tilespmem:s29+$0xC920];
	[tilespmem:s29+$0x19090] =	vst v38  }
0x1ac: {  	v44 =	vld [tilespmem:s29+$0xC930];
	[tilespmem:s29+$0x190A0] =	vst v39  }
0x1ad: {  	v45 =	vld [tilespmem:s29+$0xC980];
	[tilespmem:s29+$0x190B0] =	vst v40  }
0x1ae: {  	v46 =	vld [tilespmem:s29+$0xC990];
	[tilespmem:s29+$0x19100] =	vst v41  }
0x1af: {  	v47 =	vld [tilespmem:s29+$0xC9A0];
	[tilespmem:s29+$0x19110] =	vst v42  }
0x1b0: {  	v48 =	vld [tilespmem:s29+$0xC9B0];
	[tilespmem:s29+$0x19120] =	vst v43  }
0x1b1: {  	v49 =	vld [tilespmem:s29+$0xCA00];
	[tilespmem:s29+$0x19130] =	vst v44  }
0x1b2: {  	v50 =	vld [tilespmem:s29+$0xCA10];
	[tilespmem:s29+$0x19180] =	vst v45  }
0x1b3: {  	v51 =	vld [tilespmem:s29+$0xCA20];
	[tilespmem:s29+$0x19190] =	vst v46  }
0x1b4: {  	v52 =	vld [tilespmem:s29+$0xCA30];
	[tilespmem:s29+$0x191A0] =	vst v47  }
0x1b5: {  	v53 =	vld [tilespmem:s29+$0xCA80];
	[tilespmem:s29+$0x191B0] =	vst v48  }
0x1b6: {  	v54 =	vld [tilespmem:s29+$0xCA90];
	[tilespmem:s29+$0x19200] =	vst v49  }
0x1b7: {  	v55 =	vld [tilespmem:s29+$0xCAA0];
	[tilespmem:s29+$0x19210] =	vst v50  }
0x1b8: {  	v56 =	vld [tilespmem:s29+$0xCAB0];
	[tilespmem:s29+$0x19220] =	vst v51  }
0x1b9: {  	v57 =	vld [tilespmem:s29+$0xCB00];
	[tilespmem:s29+$0x19230] =	vst v52  }
0x1ba: {  	v58 =	vld [tilespmem:s29+$0xCB10];
	[tilespmem:s29+$0x19280] =	vst v53  }
0x1bb: {  	v59 =	vld [tilespmem:s29+$0xCB20];
	[tilespmem:s29+$0x19290] =	vst v54  }
0x1bc: {  	v60 =	vld [tilespmem:s29+$0xCB30];
	[tilespmem:s29+$0x192A0] =	vst v55  }
0x1bd: {  	v61 =	vld [tilespmem:s29+$0xCB80];
	[tilespmem:s29+$0x192B0] =	vst v56  }
0x1be: {  	v62 =	vld [tilespmem:s29+$0xCB90];
	[tilespmem:s29+$0x19300] =	vst v57  }
0x1bf: {  	v63 =	vld [tilespmem:s29+$0xCBA0];
	[tilespmem:s29+$0x19310] =	vst v58  }
0x1c0: {  	[tilespmem:s29+$0x19320] =	vst v59  }
0x1c1: {  	s24 =	sadd.s32 s24, s5;
	s23 =	sadd.s32 $0x1, s23;
	[tilespmem:s29+$0x19330] =	vst v60  }
0x1c2: {  	s24 =	smul.u32 $0xC80, s24;
	p0 =	sne.s32 s23, $0x3F;
	[tilespmem:s29+$0x19380] =	vst v61  }
.Ltmp4:
0x1c3: {  	[tilespmem:s29+$0x19390] =	vst v62;
	(pc) =	sbr.rel @p0 .LBB2_6-.Ltmp4, $4  }
0x1c4: {  	s25 =	sadd.s32 $0x258, s25;
	s24 =	sadd.s32 s4, s24;
	[tilespmem:s29+$0x193A0] =	vst v63  }
0x1c5: {  	[tilespmem:s15], [sflag:$0x1] =	stream.indirect.gather [hbm4b:s3+s13], $0x80, s25, s13, $0xb8;
	[tilespmem:$0x1F400] =	vst v63  }
0x1c6: {  	s24 =	sadd.s32 $0xC80, s24  }
0x1c7: {  	[hbm4b:s24+s2] =	stream.linear.scatter [tilespmem:s20], [sflag:$0x2], $0x6400, $0x38;
	[tilespmem:$0x1F400] =	vst v63  }
0x1c8: {  	_ =	swait.ge [sflag:s16], $0x6400  }
0x1c9: {  	[sflag:s16] =	ssyncset.done $0x0  }
0x1ca: {  	[sflag:s16] =	ssyncadd.s32 $0xFFFF9C00  }
0x1cb: {  	_ =	swait.ge [sflag:s21], $0x6400  }
0x1cc: {  	[sflag:s21] =	ssyncset.done $0x0  }
0x1cd: {  	s23 =	simm.s32 $0x0;
	[sflag:s21] =	ssyncadd.s32 $0xFFFF9C00  }
0x1ce: {  	v0 =	vld [tilespmem:s23+$0x67B0]  }
0x1cf: {  	v1 =	vld [tilespmem:s23+$0x6400]  }
0x1d0: {  	v2 =	vld [tilespmem:s23+$0x6410]  }
0x1d1: {  	v3 =	vld [tilespmem:s23+$0x6420]  }
0x1d2: {  	v4 =	vld [tilespmem:s23+$0x6430]  }
0x1d3: {  	v5 =	vld [tilespmem:s23+$0x6480];
	[tilespmem:s23+$0x12FB0] =	vst v0  }
0x1d4: {  	[tilespmem:s23+$0x12C00] =	vst v1;
	v0 =	vld [tilespmem:s23+$0x6490]  }
0x1d5: {  	[tilespmem:s23+$0x12C10] =	vst v2;
	v1 =	vld [tilespmem:s23+$0x64A0]  }
0x1d6: {  	[tilespmem:s23+$0x12C20] =	vst v3;
	v2 =	vld [tilespmem:s23+$0x64B0]  }
0x1d7: {  	[tilespmem:s23+$0x12C30] =	vst v4;
	v3 =	vld [tilespmem:s23+$0x6500]  }
0x1d8: {  	[tilespmem:s23+$0x12C80] =	vst v5;
	v4 =	vld [tilespmem:s23+$0x6510]  }
0x1d9: {  	v5 =	vld [tilespmem:s23+$0x6710];
	[tilespmem:s23+$0x12C90] =	vst v0  }
0x1da: {  	v0 =	vld [tilespmem:s23+$0x6520];
	[tilespmem:s23+$0x12CA0] =	vst v1  }
0x1db: {  	v1 =	vld [tilespmem:s23+$0x6530];
	[tilespmem:s23+$0x12CB0] =	vst v2  }
0x1dc: {  	v2 =	vld [tilespmem:s23+$0x6580];
	[tilespmem:s23+$0x12D00] =	vst v3  }
0x1dd: {  	v3 =	vld [tilespmem:s23+$0x6590];
	[tilespmem:s23+$0x12D10] =	vst v4  }
0x1de: {  	v4 =	vld [tilespmem:s23+$0x65A0];
	[tilespmem:s23+$0x12F10] =	vst v5  }
0x1df: {  	[tilespmem:s23+$0x12D20] =	vst v0;
	v0 =	vld [tilespmem:s23+$0x65B0]  }
0x1e0: {  	[tilespmem:s23+$0x12D30] =	vst v1;
	v1 =	vld [tilespmem:s23+$0x6600]  }
0x1e1: {  	[tilespmem:s23+$0x12D80] =	vst v2;
	v2 =	vld [tilespmem:s23+$0x6610]  }
0x1e2: {  	[tilespmem:s23+$0x12D90] =	vst v3;
	v3 =	vld [tilespmem:s23+$0x6620]  }
0x1e3: {  	[tilespmem:s23+$0x12DA0] =	vst v4;
	v4 =	vld [tilespmem:s23+$0x6630]  }
0x1e4: {  	[tilespmem:s23+$0x12DB0] =	vst v0;
	v0 =	vld [tilespmem:s23+$0x6680]  }
0x1e5: {  	[tilespmem:s23+$0x12E00] =	vst v1;
	v1 =	vld [tilespmem:s23+$0x6690]  }
0x1e6: {  	[tilespmem:s23+$0x12E10] =	vst v2;
	v2 =	vld [tilespmem:s23+$0x66A0]  }
0x1e7: {  	[tilespmem:s23+$0x12E20] =	vst v3;
	v3 =	vld [tilespmem:s23+$0x66B0]  }
0x1e8: {  	[tilespmem:s23+$0x12E30] =	vst v4;
	v4 =	vld [tilespmem:s23+$0x6700]  }
0x1e9: {  	[tilespmem:s23+$0x12E80] =	vst v0;
	v0 =	vld [tilespmem:s23+$0x6720]  }
0x1ea: {  	[tilespmem:s23+$0x12E90] =	vst v1;
	v1 =	vld [tilespmem:s23+$0x6730]  }
0x1eb: {  	[tilespmem:s23+$0x12EA0] =	vst v2;
	v2 =	vld [tilespmem:s23+$0x6780]  }
0x1ec: {  	[tilespmem:s23+$0x12EB0] =	vst v3;
	v3 =	vld [tilespmem:s23+$0x6790]  }
0x1ed: {  	s25 =	simm.s32 $0x400;
	s24 =	simm.s32 $0x2000;
	[tilespmem:s23+$0x12F00] =	vst v4;
	v4 =	vld [tilespmem:s23+$0x67A0]  }
.LBB2_12:
0x1ee: {  	p0 =	sne.s32 s24, $0x18000;
	v5 =	vld [tilespmem:s25+$0x67B0];
	[tilespmem:s23+$0x12F20] =	vst v0  }
0x1ef: {  	v0 =	vld [tilespmem:s25+$0x6400];
	[tilespmem:s23+$0x12F30] =	vst v1  }
0x1f0: {  	v1 =	vld [tilespmem:s25+$0x6410];
	[tilespmem:s23+$0x12F80] =	vst v2  }
0x1f1: {  	v2 =	vld [tilespmem:s25+$0x6420];
	[tilespmem:s23+$0x12F90] =	vst v3  }
0x1f2: {  	v3 =	vld [tilespmem:s25+$0x6430];
	[tilespmem:s23+$0x12FA0] =	vst v4;
	s23 =	smov.u32 s25  }
0x1f3: {  	v4 =	vld [tilespmem:s23+$0x6480];
	[tilespmem:s23+$0x12FB0] =	vst v5  }
0x1f4: {  	[tilespmem:s23+$0x12C00] =	vst v0;
	v0 =	vld [tilespmem:s23+$0x6490]  }
0x1f5: {  	[tilespmem:s23+$0x12C10] =	vst v1;
	v1 =	vld [tilespmem:s23+$0x64A0]  }
0x1f6: {  	[tilespmem:s23+$0x12C20] =	vst v2;
	v2 =	vld [tilespmem:s23+$0x64B0]  }
0x1f7: {  	[tilespmem:s23+$0x12C30] =	vst v3;
	v3 =	vld [tilespmem:s23+$0x6500]  }
0x1f8: {  	[tilespmem:s23+$0x12C80] =	vst v4;
	v4 =	vld [tilespmem:s23+$0x6510]  }
0x1f9: {  	[tilespmem:s23+$0x12C90] =	vst v0;
	v0 =	vld [tilespmem:s23+$0x6520]  }
0x1fa: {  	[tilespmem:s23+$0x12CA0] =	vst v1;
	v1 =	vld [tilespmem:s23+$0x6530]  }
0x1fb: {  	[tilespmem:s23+$0x12CB0] =	vst v2;
	v2 =	vld [tilespmem:s23+$0x6580]  }
0x1fc: {  	[tilespmem:s23+$0x12D00] =	vst v3;
	v3 =	vld [tilespmem:s23+$0x6590]  }
0x1fd: {  	[tilespmem:s23+$0x12D10] =	vst v4;
	v4 =	vld [tilespmem:s23+$0x65A0]  }
0x1fe: {  	[tilespmem:s23+$0x12D20] =	vst v0;
	v0 =	vld [tilespmem:s23+$0x65B0]  }
0x1ff: {  	[tilespmem:s23+$0x12D30] =	vst v1;
	v1 =	vld [tilespmem:s23+$0x6600]  }
0x200: {  	[tilespmem:s23+$0x12D80] =	vst v2;
	v2 =	vld [tilespmem:s23+$0x6610]  }
0x201: {  	[tilespmem:s23+$0x12D90] =	vst v3;
	v3 =	vld [tilespmem:s23+$0x6620]  }
0x202: {  	[tilespmem:s23+$0x12DA0] =	vst v4;
	v4 =	vld [tilespmem:s23+$0x6630]  }
0x203: {  	[tilespmem:s23+$0x12DB0] =	vst v0;
	v0 =	vld [tilespmem:s23+$0x6680]  }
0x204: {  	[tilespmem:s23+$0x12E00] =	vst v1;
	v1 =	vld [tilespmem:s23+$0x6690]  }
0x205: {  	[tilespmem:s23+$0x12E10] =	vst v2;
	v2 =	vld [tilespmem:s23+$0x66A0]  }
0x206: {  	[tilespmem:s23+$0x12E20] =	vst v3;
	v3 =	vld [tilespmem:s23+$0x66B0]  }
0x207: {  	[tilespmem:s23+$0x12E30] =	vst v4;
	v4 =	vld [tilespmem:s23+$0x6700]  }
0x208: {  	[tilespmem:s23+$0x12E80] =	vst v0;
	v5 =	vld [tilespmem:s23+$0x6710]  }
.Ltmp5:
0x209: {  	[tilespmem:s23+$0x12E90] =	vst v1;
	v0 =	vld [tilespmem:s23+$0x6720];
	(pc) =	sbr.rel @p0 .LBB2_12-.Ltmp5, $4  }
0x20a: {  	[tilespmem:s23+$0x12EA0] =	vst v2;
	v1 =	vld [tilespmem:s23+$0x6730]  }
0x20b: {  	[tilespmem:s23+$0x12EB0] =	vst v3;
	v2 =	vld [tilespmem:s23+$0x6780]  }
0x20c: {  	[tilespmem:s23+$0x12F00] =	vst v4;
	v3 =	vld [tilespmem:s23+$0x6790]  }
0x20d: {  	s25 =	sshra.s32 s24, $0x2;
	s24 =	sadd.s32 $0x1000, s24;
	[tilespmem:s23+$0x12F10] =	vst v5;
	v4 =	vld [tilespmem:s23+$0x67A0]  }
0x20e: {  	v5 =	vld [tilespmem:s25+$0x67B0];
	[tilespmem:s23+$0x12F20] =	vst v0  }
0x20f: {  	v0 =	vld [tilespmem:s25+$0x6400];
	[tilespmem:s23+$0x12F30] =	vst v1  }
0x210: {  	v1 =	vld [tilespmem:s25+$0x6410];
	[tilespmem:s23+$0x12F80] =	vst v2  }
0x211: {  	v2 =	vld [tilespmem:s25+$0x6420];
	[tilespmem:s23+$0x12F90] =	vst v3  }
0x212: {  	v3 =	vld [tilespmem:s25+$0x6430];
	[tilespmem:s23+$0x12FA0] =	vst v4  }
0x213: {  	v4 =	vld [tilespmem:s25+$0x6480];
	[tilespmem:s25+$0x12FB0] =	vst v5  }
0x214: {  	[tilespmem:s25+$0x12C00] =	vst v0;
	v0 =	vld [tilespmem:s25+$0x6490]  }
0x215: {  	[tilespmem:s25+$0x12C10] =	vst v1;
	v1 =	vld [tilespmem:s25+$0x64A0]  }
0x216: {  	[tilespmem:s25+$0x12C20] =	vst v2;
	v2 =	vld [tilespmem:s25+$0x64B0]  }
0x217: {  	[tilespmem:s25+$0x12C30] =	vst v3;
	v3 =	vld [tilespmem:s25+$0x6500]  }
0x218: {  	[tilespmem:s25+$0x12C80] =	vst v4;
	v4 =	vld [tilespmem:s25+$0x6510]  }
0x219: {  	[tilespmem:s25+$0x12C90] =	vst v0;
	v0 =	vld [tilespmem:s25+$0x6520]  }
0x21a: {  	[tilespmem:s25+$0x12CA0] =	vst v1;
	v1 =	vld [tilespmem:s25+$0x6530]  }
0x21b: {  	[tilespmem:s25+$0x12CB0] =	vst v2;
	v2 =	vld [tilespmem:s25+$0x6580]  }
0x21c: {  	[tilespmem:s25+$0x12D00] =	vst v3;
	v3 =	vld [tilespmem:s25+$0x6590]  }
0x21d: {  	[tilespmem:s25+$0x12D10] =	vst v4;
	v4 =	vld [tilespmem:s25+$0x65A0]  }
0x21e: {  	[tilespmem:s25+$0x12D20] =	vst v0;
	v0 =	vld [tilespmem:s25+$0x65B0]  }
0x21f: {  	[tilespmem:s25+$0x12D30] =	vst v1;
	v1 =	vld [tilespmem:s25+$0x6600]  }
0x220: {  	[tilespmem:s25+$0x12D80] =	vst v2;
	v2 =	vld [tilespmem:s25+$0x6610]  }
0x221: {  	[tilespmem:s25+$0x12D90] =	vst v3;
	v3 =	vld [tilespmem:s25+$0x6620]  }
0x222: {  	[tilespmem:s25+$0x12DA0] =	vst v4;
	v4 =	vld [tilespmem:s25+$0x6630]  }
0x223: {  	[tilespmem:s25+$0x12DB0] =	vst v0;
	v0 =	vld [tilespmem:s25+$0x6680]  }
0x224: {  	[tilespmem:s25+$0x12E00] =	vst v1;
	v1 =	vld [tilespmem:s25+$0x6690]  }
0x225: {  	[tilespmem:s25+$0x12E10] =	vst v2;
	v2 =	vld [tilespmem:s25+$0x66A0]  }
0x226: {  	[tilespmem:s25+$0x12E20] =	vst v3;
	v3 =	vld [tilespmem:s25+$0x66B0]  }
0x227: {  	[tilespmem:s25+$0x12E30] =	vst v4;
	v4 =	vld [tilespmem:s25+$0x6700]  }
0x228: {  	[tilespmem:s25+$0x12E80] =	vst v0;
	v0 =	vld [tilespmem:s25+$0x6710]  }
0x229: {  	[tilespmem:s25+$0x12E90] =	vst v1;
	v1 =	vld [tilespmem:s25+$0x6720]  }
0x22a: {  	[tilespmem:s25+$0x12EA0] =	vst v2;
	v2 =	vld [tilespmem:s25+$0x6730]  }
0x22b: {  	[tilespmem:s25+$0x12EB0] =	vst v3;
	v3 =	vld [tilespmem:s25+$0x6780]  }
0x22c: {  	[tilespmem:s25+$0x12F00] =	vst v4;
	v4 =	vld [tilespmem:s25+$0x6790]  }
0x22d: {  	[tilespmem:s25+$0x12F10] =	vst v0;
	v0 =	vld [tilespmem:s25+$0x67A0]  }
0x22e: {  	[tilespmem:s25+$0x12F20] =	vst v1  }
0x22f: {  	[tilespmem:s25+$0x12F30] =	vst v2  }
0x230: {  	[tilespmem:s25+$0x12F80] =	vst v3  }
0x231: {  	[tilespmem:s25+$0x12F90] =	vst v4  }
0x232: {  	s31 =	simm.s32 $0x0;
	[tilespmem:s25+$0x12FA0] =	vst v0  }
0x233: {  	[hbm4b:s9+s31] =	stream.linear.scatter [tilespmem:s18], [sflag:$0x2], $0x6400, $0x38;
	[tilespmem:$0x1F400] =	vst v63  }
0x234: {  	_ =	swait.ge [sflag:s16], $0x6400  }
0x235: {  	[sflag:s16] =	ssyncset.done $0x0  }
0x236: {  	[sflag:s16] =	ssyncadd.s32 $0xFFFF9C00  }
0x237: {  	_ =	swait.ge [sflag:s21], $0x6400  }
0x238: {  	[sflag:s21] =	ssyncset.done $0x0  }
0x239: {  	s23 =	simm.s32 $0x0;
	[sflag:s21] =	ssyncadd.s32 $0xFFFF9C00  }
0x23a: {  	v0 =	vld [tilespmem:s23+$0xCBB0]  }
0x23b: {  	v1 =	vld [tilespmem:s23+$0xC800]  }
0x23c: {  	v2 =	vld [tilespmem:s23+$0xC810]  }
0x23d: {  	v3 =	vld [tilespmem:s23+$0xC820]  }
0x23e: {  	v4 =	vld [tilespmem:s23+$0xC830]  }
0x23f: {  	v5 =	vld [tilespmem:s23+$0xC880];
	[tilespmem:s23+$0x193B0] =	vst v0  }
0x240: {  	[tilespmem:s23+$0x19000] =	vst v1;
	v0 =	vld [tilespmem:s23+$0xC890]  }
0x241: {  	[tilespmem:s23+$0x19010] =	vst v2;
	v1 =	vld [tilespmem:s23+$0xC8A0]  }
0x242: {  	[tilespmem:s23+$0x19020] =	vst v3;
	v2 =	vld [tilespmem:s23+$0xC8B0]  }
0x243: {  	[tilespmem:s23+$0x19030] =	vst v4;
	v3 =	vld [tilespmem:s23+$0xC900]  }
0x244: {  	[tilespmem:s23+$0x19080] =	vst v5;
	v4 =	vld [tilespmem:s23+$0xC910]  }
0x245: {  	v5 =	vld [tilespmem:s23+$0xCB10];
	[tilespmem:s23+$0x19090] =	vst v0  }
0x246: {  	v0 =	vld [tilespmem:s23+$0xC920];
	[tilespmem:s23+$0x190A0] =	vst v1  }
0x247: {  	v1 =	vld [tilespmem:s23+$0xC930];
	[tilespmem:s23+$0x190B0] =	vst v2  }
0x248: {  	v2 =	vld [tilespmem:s23+$0xC980];
	[tilespmem:s23+$0x19100] =	vst v3  }
0x249: {  	v3 =	vld [tilespmem:s23+$0xC990];
	[tilespmem:s23+$0x19110] =	vst v4  }
0x24a: {  	v4 =	vld [tilespmem:s23+$0xC9A0];
	[tilespmem:s23+$0x19310] =	vst v5  }
0x24b: {  	[tilespmem:s23+$0x19120] =	vst v0;
	v0 =	vld [tilespmem:s23+$0xC9B0]  }
0x24c: {  	[tilespmem:s23+$0x19130] =	vst v1;
	v1 =	vld [tilespmem:s23+$0xCA00]  }
0x24d: {  	[tilespmem:s23+$0x19180] =	vst v2;
	v2 =	vld [tilespmem:s23+$0xCA10]  }
0x24e: {  	[tilespmem:s23+$0x19190] =	vst v3;
	v3 =	vld [tilespmem:s23+$0xCA20]  }
0x24f: {  	[tilespmem:s23+$0x191A0] =	vst v4;
	v4 =	vld [tilespmem:s23+$0xCA30]  }
0x250: {  	[tilespmem:s23+$0x191B0] =	vst v0;
	v0 =	vld [tilespmem:s23+$0xCA80]  }
0x251: {  	[tilespmem:s23+$0x19200] =	vst v1;
	v1 =	vld [tilespmem:s23+$0xCA90]  }
0x252: {  	[tilespmem:s23+$0x19210] =	vst v2;
	v2 =	vld [tilespmem:s23+$0xCAA0]  }
0x253: {  	[tilespmem:s23+$0x19220] =	vst v3;
	v3 =	vld [tilespmem:s23+$0xCAB0]  }
0x254: {  	[tilespmem:s23+$0x19230] =	vst v4;
	v4 =	vld [tilespmem:s23+$0xCB00]  }
0x255: {  	[tilespmem:s23+$0x19280] =	vst v0;
	v0 =	vld [tilespmem:s23+$0xCB20]  }
0x256: {  	[tilespmem:s23+$0x19290] =	vst v1;
	v1 =	vld [tilespmem:s23+$0xCB30]  }
0x257: {  	[tilespmem:s23+$0x192A0] =	vst v2;
	v2 =	vld [tilespmem:s23+$0xCB80]  }
0x258: {  	[tilespmem:s23+$0x192B0] =	vst v3;
	v3 =	vld [tilespmem:s23+$0xCB90]  }
0x259: {  	s24 =	simm.s32 $0x2000;
	s25 =	simm.s32 $0x400;
	[tilespmem:s23+$0x19300] =	vst v4;
	v4 =	vld [tilespmem:s23+$0xCBA0]  }
.LBB2_14:
0x25a: {  	p0 =	sne.s32 s24, $0x18000;
	v5 =	vld [tilespmem:s25+$0xCBB0];
	[tilespmem:s23+$0x19320] =	vst v0  }
0x25b: {  	v0 =	vld [tilespmem:s25+$0xC800];
	[tilespmem:s23+$0x19330] =	vst v1  }
0x25c: {  	v1 =	vld [tilespmem:s25+$0xC810];
	[tilespmem:s23+$0x19380] =	vst v2  }
0x25d: {  	v2 =	vld [tilespmem:s25+$0xC820];
	[tilespmem:s23+$0x19390] =	vst v3  }
0x25e: {  	v3 =	vld [tilespmem:s25+$0xC830];
	[tilespmem:s23+$0x193A0] =	vst v4;
	s23 =	smov.u32 s25  }
0x25f: {  	v4 =	vld [tilespmem:s23+$0xC880];
	[tilespmem:s23+$0x193B0] =	vst v5  }
0x260: {  	[tilespmem:s23+$0x19000] =	vst v0;
	v0 =	vld [tilespmem:s23+$0xC890]  }
0x261: {  	[tilespmem:s23+$0x19010] =	vst v1;
	v1 =	vld [tilespmem:s23+$0xC8A0]  }
0x262: {  	[tilespmem:s23+$0x19020] =	vst v2;
	v2 =	vld [tilespmem:s23+$0xC8B0]  }
0x263: {  	[tilespmem:s23+$0x19030] =	vst v3;
	v3 =	vld [tilespmem:s23+$0xC900]  }
0x264: {  	[tilespmem:s23+$0x19080] =	vst v4;
	v4 =	vld [tilespmem:s23+$0xC910]  }
0x265: {  	[tilespmem:s23+$0x19090] =	vst v0;
	v0 =	vld [tilespmem:s23+$0xC920]  }
0x266: {  	[tilespmem:s23+$0x190A0] =	vst v1;
	v1 =	vld [tilespmem:s23+$0xC930]  }
0x267: {  	[tilespmem:s23+$0x190B0] =	vst v2;
	v2 =	vld [tilespmem:s23+$0xC980]  }
0x268: {  	[tilespmem:s23+$0x19100] =	vst v3;
	v3 =	vld [tilespmem:s23+$0xC990]  }
0x269: {  	[tilespmem:s23+$0x19110] =	vst v4;
	v4 =	vld [tilespmem:s23+$0xC9A0]  }
0x26a: {  	[tilespmem:s23+$0x19120] =	vst v0;
	v0 =	vld [tilespmem:s23+$0xC9B0]  }
0x26b: {  	[tilespmem:s23+$0x19130] =	vst v1;
	v1 =	vld [tilespmem:s23+$0xCA00]  }
0x26c: {  	[tilespmem:s23+$0x19180] =	vst v2;
	v2 =	vld [tilespmem:s23+$0xCA10]  }
0x26d: {  	[tilespmem:s23+$0x19190] =	vst v3;
	v3 =	vld [tilespmem:s23+$0xCA20]  }
0x26e: {  	[tilespmem:s23+$0x191A0] =	vst v4;
	v4 =	vld [tilespmem:s23+$0xCA30]  }
0x26f: {  	[tilespmem:s23+$0x191B0] =	vst v0;
	v0 =	vld [tilespmem:s23+$0xCA80]  }
0x270: {  	[tilespmem:s23+$0x19200] =	vst v1;
	v1 =	vld [tilespmem:s23+$0xCA90]  }
0x271: {  	[tilespmem:s23+$0x19210] =	vst v2;
	v2 =	vld [tilespmem:s23+$0xCAA0]  }
0x272: {  	[tilespmem:s23+$0x19220] =	vst v3;
	v3 =	vld [tilespmem:s23+$0xCAB0]  }
0x273: {  	[tilespmem:s23+$0x19230] =	vst v4;
	v4 =	vld [tilespmem:s23+$0xCB00]  }
0x274: {  	[tilespmem:s23+$0x19280] =	vst v0;
	v5 =	vld [tilespmem:s23+$0xCB10]  }
.Ltmp6:
0x275: {  	[tilespmem:s23+$0x19290] =	vst v1;
	v0 =	vld [tilespmem:s23+$0xCB20];
	(pc) =	sbr.rel @p0 .LBB2_14-.Ltmp6, $4  }
0x276: {  	[tilespmem:s23+$0x192A0] =	vst v2;
	v1 =	vld [tilespmem:s23+$0xCB30]  }
0x277: {  	[tilespmem:s23+$0x192B0] =	vst v3;
	v2 =	vld [tilespmem:s23+$0xCB80]  }
0x278: {  	[tilespmem:s23+$0x19300] =	vst v4;
	v3 =	vld [tilespmem:s23+$0xCB90]  }
0x279: {  	s25 =	sshra.s32 s24, $0x2;
	s24 =	sadd.s32 $0x1000, s24;
	[tilespmem:s23+$0x19310] =	vst v5;
	v4 =	vld [tilespmem:s23+$0xCBA0]  }
0x27a: {  	v5 =	vld [tilespmem:s25+$0xCBB0];
	[tilespmem:s23+$0x19320] =	vst v0  }
0x27b: {  	v0 =	vld [tilespmem:s25+$0xC800];
	[tilespmem:s23+$0x19330] =	vst v1  }
0x27c: {  	v1 =	vld [tilespmem:s25+$0xC810];
	[tilespmem:s23+$0x19380] =	vst v2  }
0x27d: {  	v2 =	vld [tilespmem:s25+$0xC820];
	[tilespmem:s23+$0x19390] =	vst v3  }
0x27e: {  	v3 =	vld [tilespmem:s25+$0xC830];
	[tilespmem:s23+$0x193A0] =	vst v4  }
0x27f: {  	v4 =	vld [tilespmem:s25+$0xC880];
	[tilespmem:s25+$0x193B0] =	vst v5  }
0x280: {  	v38 =	vld [tilespmem:s25+$0xC890];
	[tilespmem:s25+$0x19000] =	vst v0  }
0x281: {  	v39 =	vld [tilespmem:s25+$0xC8A0];
	[tilespmem:s25+$0x19010] =	vst v1  }
0x282: {  	v40 =	vld [tilespmem:s25+$0xC8B0];
	[tilespmem:s25+$0x19020] =	vst v2  }
0x283: {  	v41 =	vld [tilespmem:s25+$0xC900];
	[tilespmem:s25+$0x19030] =	vst v3  }
0x284: {  	v42 =	vld [tilespmem:s25+$0xC910];
	[tilespmem:s25+$0x19080] =	vst v4  }
0x285: {  	v43 =	vld [tilespmem:s25+$0xC920];
	[tilespmem:s25+$0x19090] =	vst v38  }
0x286: {  	v44 =	vld [tilespmem:s25+$0xC930];
	[tilespmem:s25+$0x190A0] =	vst v39  }
0x287: {  	v45 =	vld [tilespmem:s25+$0xC980];
	[tilespmem:s25+$0x190B0] =	vst v40  }
0x288: {  	v46 =	vld [tilespmem:s25+$0xC990];
	[tilespmem:s25+$0x19100] =	vst v41  }
0x289: {  	v47 =	vld [tilespmem:s25+$0xC9A0];
	[tilespmem:s25+$0x19110] =	vst v42  }
0x28a: {  	v48 =	vld [tilespmem:s25+$0xC9B0];
	[tilespmem:s25+$0x19120] =	vst v43  }
0x28b: {  	v49 =	vld [tilespmem:s25+$0xCA00];
	[tilespmem:s25+$0x19130] =	vst v44  }
0x28c: {  	v50 =	vld [tilespmem:s25+$0xCA10];
	[tilespmem:s25+$0x19180] =	vst v45  }
0x28d: {  	v51 =	vld [tilespmem:s25+$0xCA20];
	[tilespmem:s25+$0x19190] =	vst v46  }
0x28e: {  	v52 =	vld [tilespmem:s25+$0xCA30];
	[tilespmem:s25+$0x191A0] =	vst v47  }
0x28f: {  	v53 =	vld [tilespmem:s25+$0xCA80];
	[tilespmem:s25+$0x191B0] =	vst v48  }
0x290: {  	v54 =	vld [tilespmem:s25+$0xCA90];
	[tilespmem:s25+$0x19200] =	vst v49  }
0x291: {  	v55 =	vld [tilespmem:s25+$0xCAA0];
	[tilespmem:s25+$0x19210] =	vst v50  }
0x292: {  	v56 =	vld [tilespmem:s25+$0xCAB0];
	[tilespmem:s25+$0x19220] =	vst v51  }
0x293: {  	v57 =	vld [tilespmem:s25+$0xCB00];
	[tilespmem:s25+$0x19230] =	vst v52  }
0x294: {  	v58 =	vld [tilespmem:s25+$0xCB10];
	[tilespmem:s25+$0x19280] =	vst v53  }
0x295: {  	v59 =	vld [tilespmem:s25+$0xCB20];
	[tilespmem:s25+$0x19290] =	vst v54  }
0x296: {  	v60 =	vld [tilespmem:s25+$0xCB30];
	[tilespmem:s25+$0x192A0] =	vst v55  }
0x297: {  	v61 =	vld [tilespmem:s25+$0xCB80];
	[tilespmem:s25+$0x192B0] =	vst v56  }
0x298: {  	v62 =	vld [tilespmem:s25+$0xCB90];
	[tilespmem:s25+$0x19300] =	vst v57  }
0x299: {  	v63 =	vld [tilespmem:s25+$0xCBA0];
	[tilespmem:s25+$0x19310] =	vst v58  }
0x29a: {  	[tilespmem:s25+$0x19320] =	vst v59  }
0x29b: {  	[tilespmem:s25+$0x19330] =	vst v60  }
0x29c: {  	[tilespmem:s25+$0x19380] =	vst v61  }
0x29d: {  	[tilespmem:s25+$0x19390] =	vst v62  }
0x29e: {  	s22 =	sadd.s32 $0x1, s22;
	[tilespmem:s25+$0x193A0] =	vst v63  }
0x29f: {  	[hbm4b:s10+s2] =	stream.linear.scatter [tilespmem:s20], [sflag:$0x2], $0x6400, $0x38;
	[tilespmem:$0x1F400] =	vst v63  }
0x2a0: {  	p0 =	sne.s32 s22, s11;
	_ =	swait.ge [sflag:s21], $0x6400  }
.Ltmp7:
0x2a1: {  	[sflag:s21] =	ssyncset.done $0x0;
	(pc) =	sbr.rel @p0 .LBB2_1-.Ltmp7, $4  }
0x2a2: {  	[sflag:s21] =	ssyncadd.s32 $0xFFFF9C00  }
0x2a3: {  	_ =	swait.ge [sflag:s21], $0x6400  }
0x2a4: {  	[sflag:s21] =	ssyncset.done $0x0  }
0x2a5: {  	[sflag:s21] =	ssyncadd.s32 $0xFFFF9C00  }
0x2a6: {  	_ =	sfence.sel $0x180000  }
0x2a7: {  	[bflag:$0x0] =	sbarrier.arrive $0xFFFF  }
0x2a8: {  	p0 =	sne.s32 s0, $0x0;
	_ =	strace $0x90000047  }
0x2a9: {  	s0 =	sadd.s32 @!p0 $0x100000, s1;
	[bflag:$0x2] =	sbarrier.arrive $0xFFFF  }
0x2aa: {  	[sflag:s0] =	ssyncadd.tile.s32 @!p0 $0x1;
	_ =	shalt  }
.Lfunc_end2:
_tile_overlayer_lowered:
.L_overlay_start_2:
0x2ab: {  	(tag) =	ssettag $0x2  }
0x2ac: {  	s0 =	rddreg [dreg:$0x0];
	s2 =	stileid.u32  }
0x2ad: {  	s1 =	rddreg [dreg:$0x1];
	p0 =	sne.s32 s2, $0x0  }
0x2ae: {  	s3 =	rddreg [dreg:$0x2];
	[bflag:$0x3] =	sbarrier.arrive $0xFFFF;
	s2 =	simm.s32 @!p0 $0x1C03  }
0x2af: {  	[timem:s3], [sflag:s2] =	dma.local @!p0 [hbm:s0], s1  }
0x2b0: {  	s0 =	simm.s32 @!p0 $0x3  }
0x2b1: {  	_ =	swait.ge @!p0 [sflag:s0], s1  }
0x2b2: {  	s1 =	ssub.s32 @!p0 $0x0, s1;
	[sflag:s0] =	ssyncset.done @!p0 $0x0  }
0x2b3: {  	[sflag:s0] =	ssyncadd.s32 @!p0 s1  }
0x2b4: {  	[bflag:$0x3] =	sbarrier.arrive $0xFFFF  }
0x2b5: {  	_ =	shalt  }

</sc_bundles>
